<compile_context>
chip_gen: v7x
topology: tpu7x:2x2x1
jax: 0.10.2.dev20260603
libtpu: 0.0.44.dev20260713+nightly
codegen_flags: <defaults>
</compile_context>

<pallas_src>
import functools
import math

import jax
import jax.numpy as jnp
from jax import lax
from jax.experimental import pallas as pl
from jax.experimental.pallas import tpu as pltpu
from jax.experimental.pallas import tpu_sc as plsc

N = 100000
D = 128
S = 1024

NC = 2
NS = 16
NW = NC * NS

CH = 128
BLK = 256
NBF = N // BLK
TAIL = N - NBF * BLK
TBASE = NBF * BLK
NPAD = ((N + CH - 1) // CH) * CH
MAXB = (NBF + NW - 1) // NW
ROWS_PER_TILE = S // NS


@functools.partial(
    pl.kernel,
    mesh=plsc.VectorSubcoreMesh(core_axis_name="c", subcore_axis_name="s"),
    out_type=jax.ShapeDtypeStruct((2 * S, D), jnp.float32),
    scratch_types=[
        pltpu.VMEM((BLK, D), jnp.float32),
        pltpu.VMEM((BLK, D), jnp.float32),
        pltpu.VMEM((BLK // CH, CH), jnp.int32),
        pltpu.VMEM((BLK // CH, CH), jnp.int32),
        pltpu.VMEM((TAIL - CH,), jnp.int32),
        pltpu.VMEM_SHARED((S, D), jnp.float32),
        pltpu.SemaphoreType.DMA,
        pltpu.SemaphoreType.DMA,
    ],
)
def _sc_segment_sum(x_hbm, idx2_hbm, idxf_hbm, z_hbm, out_hbm,
                    xbuf0, xbuf1, ibuf0, ibuf1, ibuf_t, acc, sem0, sem1):
    cid = lax.axis_index("c")
    sid = lax.axis_index("s")
    wid = sid * NC + cid

    xbufs = (xbuf0, xbuf1)
    ibufs = (ibuf0, ibuf1)
    sems = (sem0, sem1)

    pltpu.sync_copy(z_hbm, acc.at[pl.ds(sid * ROWS_PER_TILE, ROWS_PER_TILE)])
    plsc.subcore_barrier()

    def copies_for(i):
        p = i % 2
        bi = wid + i * NW
        base = bi * BLK
        return bi, [
            (x_hbm.at[pl.ds(base, BLK)], xbufs[p], sems[p]),
            (idx2_hbm.at[pl.ds(bi * (BLK // CH), BLK // CH)], ibufs[p], sems[p]),
        ]

    def issue(i):
        bi, copies = copies_for(i)

        @pl.when(bi < NBF)
        def _():
            for src, dst, sem in copies:
                pltpu.async_copy(src, dst, sem)

    def wait_and_scatter(i):
        p = i % 2
        bi, copies = copies_for(i)

        @pl.when(bi < NBF)
        def _():
            for src, dst, sem in copies:
                pltpu.make_async_copy(src, dst, sem).wait()
            for j in range(BLK // CH):
                pltpu.sync_copy(
                    xbufs[p].at[pl.ds(j * CH, CH)],
                    acc.at[ibufs[p].at[j]],
                    add=True,
                )

    issue(0)
    for i in range(MAXB):
        if i + 1 < MAXB:
            issue(i + 1)
        wait_and_scatter(i)

    @pl.when(wid == NW - 1)
    def _():
        pltpu.sync_copy(x_hbm.at[pl.ds(TBASE, TAIL)], xbuf0.at[pl.ds(0, TAIL)])
        pltpu.sync_copy(idx2_hbm.at[pl.ds(TBASE // CH, 1)], ibuf0.at[pl.ds(0, 1)])
        pltpu.sync_copy(idxf_hbm.at[pl.ds(TBASE + CH, TAIL - CH)], ibuf_t)
        pltpu.sync_copy(xbuf0.at[pl.ds(0, CH)], acc.at[ibuf0.at[0]], add=True)
        pltpu.sync_copy(xbuf0.at[pl.ds(CH, TAIL - CH)], acc.at[ibuf_t], add=True)

    plsc.subcore_barrier()

    row0 = sid * ROWS_PER_TILE
    pltpu.sync_copy(
        acc.at[pl.ds(row0, ROWS_PER_TILE)],
        out_hbm.at[pl.ds(cid * S + row0, ROWS_PER_TILE)],
    )


_INV_BN = 1.0 / math.sqrt(1.0 + 1e-5)


def _mlp_body(p_ref, w1, b1, g1, t1, w2, b2, g2, t2, w3, b3, o_ref):
    pooled = p_ref[0] + p_ref[1]
    h = jnp.dot(pooled, w1[...], preferred_element_type=jnp.float32) + b1[...]
    h = g1[...] * (h * _INV_BN) + t1[...]
    h = jnp.maximum(h, 0.0)
    h = jnp.dot(h, w2[...], preferred_element_type=jnp.float32) + b2[...]
    h = g2[...] * (h * _INV_BN) + t2[...]
    h = jnp.maximum(h, 0.0)
    o_ref[...] = jnp.dot(h, w3[...], preferred_element_type=jnp.float32) + b3[...]


def _mlp(partial, W1, b1, g1, bt1, W2, b2, g2, bt2, W3, b3):
    return pl.pallas_call(
        _mlp_body,
        out_shape=jax.ShapeDtypeStruct((S, 1), jnp.float32),
    )(partial, W1, b1, g1, bt1, W2, b2, g2, bt2, W3, b3)


def kernel(x_0, x_0_batch, num_cells_0, W1, b1, g1, bt1, W2, b2, g2, bt2, W3, b3):
    idx = jnp.squeeze(x_0_batch).astype(jnp.int32)
    idx_pad = jnp.concatenate([idx, jnp.zeros((NPAD - N,), jnp.int32)])
    idx2 = idx_pad.reshape(NPAD // CH, CH)
    zrows = jnp.zeros((ROWS_PER_TILE, D), jnp.float32)
    partial = _sc_segment_sum(x_0, idx2, idx_pad, zrows)
    partial = partial.reshape(2, S, D)
    return _mlp(
        partial,
        W1, b1.reshape(1, D), g1.reshape(1, D), bt1.reshape(1, D),
        W2, b2.reshape(1, 2 * D), g2.reshape(1, 2 * D), bt2.reshape(1, 2 * D),
        W3, b3.reshape(1, 1),
    )

# --- scband reference (transcript-rebuilt; emitter-appended) ---
"""Pipeline reference for scband-tensor-diagram-6227702579795 (READ-ONLY COPY).

The authoritative reference and input builder live on the scoring server;
editing this copy changes nothing except your own understanding.
"""

import jax, jax.numpy as jnp
import numpy as np

N = 100000
EMB = 128
OUT = 1
BATCH = 1024


def setup_inputs(seed: int = 0) -> dict:
    key = jax.random.key(seed)
    ks = jax.random.split(key, 10)
    x_0 = jax.random.normal(ks[0], (N, EMB), dtype=jnp.float32)
    x_0_batch = jnp.sort(jax.random.randint(ks[1], (N,), 0, BATCH))
    num_cells_0 = jnp.ones((BATCH,), dtype=jnp.int32)
    # zinc head parameters (eval mode: dropout identity, batchnorm uses running stats mean=0, var=1)
    W1 = jax.random.normal(ks[2], (EMB, EMB), dtype=jnp.float32) / np.sqrt(EMB)
    b1 = jnp.zeros((EMB,), dtype=jnp.float32)
    g1 = jnp.ones((EMB,), dtype=jnp.float32)
    bt1 = jnp.zeros((EMB,), dtype=jnp.float32)
    W2 = jax.random.normal(ks[3], (EMB, 2 * EMB), dtype=jnp.float32) / np.sqrt(EMB)
    b2 = jnp.zeros((2 * EMB,), dtype=jnp.float32)
    g2 = jnp.ones((2 * EMB,), dtype=jnp.float32)
    bt2 = jnp.zeros((2 * EMB,), dtype=jnp.float32)
    W3 = jax.random.normal(ks[4], (2 * EMB, OUT), dtype=jnp.float32) / np.sqrt(2 * EMB)
    b3 = jnp.zeros((OUT,), dtype=jnp.float32)
    return {"x_0": x_0, "x_0_batch": x_0_batch, "num_cells_0": num_cells_0,
            "W1": W1, "b1": b1, "g1": g1, "bt1": bt1,
            "W2": W2, "b2": b2, "g2": g2, "bt2": bt2,
            "W3": W3, "b3": b3}


def _bn_eval(x, gamma, beta, eps=1e-5):
    # BatchNorm1d in eval mode with running_mean=0, running_var=1
    return gamma * (x / jnp.sqrt(1.0 + eps)) + beta


def reference(x_0, x_0_batch, num_cells_0, W1, b1, g1, bt1, W2, b2, g2, bt2, W3, b3):
    batch_size = num_cells_0.shape[0]
    batch_index = jnp.squeeze(x_0_batch).astype(jnp.int32)
    cell_features = x_0
    # SumAggregation over batch index (scatter-add / segment_sum)
    pooled = jax.ops.segment_sum(cell_features, batch_index, num_segments=batch_size)
    # single output rank -> cat is identity
    h = pooled @ W1 + b1
    h = _bn_eval(h, g1, bt1)
    h = jax.nn.relu(h)
    h = h @ W2 + b2
    h = _bn_eval(h, g2, bt2)
    h = jax.nn.relu(h)
    out = h @ W3 + b3
    return out

if __name__ == "__main__":
    import jax
    _d = setup_inputs()
    print(jax.jit(kernel)(*tuple(_d.values())))

</pallas_src>

<mosaic_0001>
#map = affine_map<(d0, d1) -> (0, 0)>
#map1 = affine_map<(d0, d1) -> (0)>
module attributes {stable_mosaic.version = 14 : i64} {
  func.func @_sc_segment_sum(%arg0: i32, %arg1: i32, %arg2: memref<100000x128xf32, #tpu.memory_space<hbm>>, %arg3: memref<782x128xi32, #tpu.memory_space<hbm>>, %arg4: memref<100096xi32, #tpu.memory_space<hbm>>, %arg5: memref<64x128xf32, #tpu.memory_space<hbm>>, %arg6: memref<2048x128xf32, #tpu.memory_space<hbm>>, %arg7: memref<256x128xf32, #tpu.memory_space<vmem>>, %arg8: memref<256x128xf32, #tpu.memory_space<vmem>>, %arg9: memref<2x128xi32, #tpu.memory_space<vmem>>, %arg10: memref<2x128xi32, #tpu.memory_space<vmem>>, %arg11: memref<32xi32, #tpu.memory_space<vmem>>, %arg12: memref<1024x128xf32, #tpu.memory_space<vmem_shared>>, %arg13: memref<!tpu.dma_semaphore, #tpu.memory_space<semaphore_mem>>, %arg14: memref<!tpu.dma_semaphore, #tpu.memory_space<semaphore_mem>>) attributes {dimension_semantics = [#tpu.dimension_semantics<core_parallel>, #tpu.dimension_semantics<subcore_parallel>], iteration_bounds = array<i64: 2, 16>, scalar_prefetch = 0 : i64, scratch_operands = 8 : i64, tpu.core_type = #tpu.core_type<sc_vector_subcore>, window_params = [{transform_indices = #map}, {transform_indices = #map}, {transform_indices = #map1}, {transform_indices = #map}, {transform_indices = #map}]} {
    %mul3A = arith.constant 2 : i32
    %mul3A_0 = arith.muli %arg1, %mul3A : i32
    %add3A = arith.addi %mul3A_0, %arg0 : i32
    %mul3A_1 = arith.constant 64 : i32
    %mul3A_2 = arith.muli %arg1, %mul3A_1 : i32
    "tpu.region"() ({
      %run_scoped3A = tpu.sem_alloc : memref<!tpu.dma_semaphore, #tpu.memory_space<semaphore_mem>>
      %dma_start3A = arith.constant 0 : i32
      %dma_start3A_296 = tpu.memref_slice %arg12[%mul3A_2, %dma_start3A] : memref<1024x128xf32, #tpu.memory_space<vmem_shared>> -> memref<64x128xf32, #tpu.memory_space<vmem_shared>>
      tpu.enqueue_dma source(%arg5 : memref<64x128xf32, #tpu.memory_space<hbm>>) target(%dma_start3A_296 : memref<64x128xf32, #tpu.memory_space<vmem_shared>>) target_semaphore(%run_scoped3A : memref<!tpu.dma_semaphore, #tpu.memory_space<semaphore_mem>>)
      %dma_wait3A = arith.constant 0 : i32
      %dma_wait3A_297 = tpu.memref_slice %arg12[%mul3A_2, %dma_wait3A] : memref<1024x128xf32, #tpu.memory_space<vmem_shared>> -> memref<64x128xf32, #tpu.memory_space<vmem_shared>>
      tpu.wait_dma2 semaphore(%run_scoped3A : memref<!tpu.dma_semaphore, #tpu.memory_space<semaphore_mem>>) src(%arg5 : memref<64x128xf32, #tpu.memory_space<hbm>>) dst(%dma_wait3A_297 : memref<64x128xf32, #tpu.memory_space<vmem_shared>>)
      tpu.yield
    }) : () -> ()
    %barrier3A = arith.constant 0 : index
    tpu.barrier barrier_id(%barrier3A)
    %add3A_3 = arith.constant 0 : i32
    %add3A_4 = arith.addi %add3A, %add3A_3 : i32
    %mul3A_5 = arith.constant 256 : i32
    %mul3A_6 = arith.muli %add3A_4, %mul3A_5 : i32
    %mul3A_7 = arith.constant 2 : i32
    %mul3A_8 = arith.muli %add3A_4, %mul3A_7 : i32
    %lt3A = arith.constant 390 : i32
    %lt3A_9 = arith.cmpi slt, %add3A_4, %lt3A : i32
    %convert_element_type3A = arith.extui %lt3A_9 : i1 to i32
    %cond3A = arith.constant 0 : i32
    %cond3A_10 = arith.cmpi ne, %convert_element_type3A, %cond3A : i32
    scf.if %cond3A_10 {
      %dma_start3A = arith.constant 0 : i32
      %dma_start3A_296 = tpu.memref_slice %arg2[%mul3A_6, %dma_start3A] : memref<100000x128xf32, #tpu.memory_space<hbm>> -> memref<256x128xf32, #tpu.memory_space<hbm>>
      %dma_start3A_297 = arith.constant 0 : i32
      %dma_start3A_298 = tpu.memref_slice %arg2[%mul3A_6, %dma_start3A_297] : memref<100000x128xf32, #tpu.memory_space<hbm>> -> memref<256x128xf32, #tpu.memory_space<hbm>>
      tpu.enqueue_dma source(%dma_start3A_298 : memref<256x128xf32, #tpu.memory_space<hbm>>) target(%arg7 : memref<256x128xf32, #tpu.memory_space<vmem>>) target_semaphore(%arg13 : memref<!tpu.dma_semaphore, #tpu.memory_space<semaphore_mem>>)
      %dma_start3A_299 = arith.constant 0 : i32
      %dma_start3A_300 = tpu.memref_slice %arg3[%mul3A_8, %dma_start3A_299] : memref<782x128xi32, #tpu.memory_space<hbm>> -> memref<2x128xi32, #tpu.memory_space<hbm>>
      %dma_start3A_301 = arith.constant 0 : i32
      %dma_start3A_302 = tpu.memref_slice %arg3[%mul3A_8, %dma_start3A_301] : memref<782x128xi32, #tpu.memory_space<hbm>> -> memref<2x128xi32, #tpu.memory_space<hbm>>
      tpu.enqueue_dma source(%dma_start3A_302 : memref<2x128xi32, #tpu.memory_space<hbm>>) target(%arg9 : memref<2x128xi32, #tpu.memory_space<vmem>>) target_semaphore(%arg13 : memref<!tpu.dma_semaphore, #tpu.memory_space<semaphore_mem>>)
    } else {
    }
    %add3A_11 = arith.constant 32 : i32
    %add3A_12 = arith.addi %add3A, %add3A_11 : i32
    %mul3A_13 = arith.constant 256 : i32
    %mul3A_14 = arith.muli %add3A_12, %mul3A_13 : i32
    %mul3A_15 = arith.constant 2 : i32
    %mul3A_16 = arith.muli %add3A_12, %mul3A_15 : i32
    %lt3A_17 = arith.constant 390 : i32
    %lt3A_18 = arith.cmpi slt, %add3A_12, %lt3A_17 : i32
    %convert_element_type3A_19 = arith.extui %lt3A_18 : i1 to i32
    %cond3A_20 = arith.constant 0 : i32
    %cond3A_21 = arith.cmpi ne, %convert_element_type3A_19, %cond3A_20 : i32
    scf.if %cond3A_21 {
      %dma_start3A = arith.constant 0 : i32
      %dma_start3A_296 = tpu.memref_slice %arg2[%mul3A_14, %dma_start3A] : memref<100000x128xf32, #tpu.memory_space<hbm>> -> memref<256x128xf32, #tpu.memory_space<hbm>>
      %dma_start3A_297 = arith.constant 0 : i32
      %dma_start3A_298 = tpu.memref_slice %arg2[%mul3A_14, %dma_start3A_297] : memref<100000x128xf32, #tpu.memory_space<hbm>> -> memref<256x128xf32, #tpu.memory_space<hbm>>
      tpu.enqueue_dma source(%dma_start3A_298 : memref<256x128xf32, #tpu.memory_space<hbm>>) target(%arg8 : memref<256x128xf32, #tpu.memory_space<vmem>>) target_semaphore(%arg14 : memref<!tpu.dma_semaphore, #tpu.memory_space<semaphore_mem>>)
      %dma_start3A_299 = arith.constant 0 : i32
      %dma_start3A_300 = tpu.memref_slice %arg3[%mul3A_16, %dma_start3A_299] : memref<782x128xi32, #tpu.memory_space<hbm>> -> memref<2x128xi32, #tpu.memory_space<hbm>>
      %dma_start3A_301 = arith.constant 0 : i32
      %dma_start3A_302 = tpu.memref_slice %arg3[%mul3A_16, %dma_start3A_301] : memref<782x128xi32, #tpu.memory_space<hbm>> -> memref<2x128xi32, #tpu.memory_space<hbm>>
      tpu.enqueue_dma source(%dma_start3A_302 : memref<2x128xi32, #tpu.memory_space<hbm>>) target(%arg10 : memref<2x128xi32, #tpu.memory_space<vmem>>) target_semaphore(%arg14 : memref<!tpu.dma_semaphore, #tpu.memory_space<semaphore_mem>>)
    } else {
    }
    %add3A_22 = arith.constant 0 : i32
    %add3A_23 = arith.addi %add3A, %add3A_22 : i32
    %mul3A_24 = arith.constant 256 : i32
    %mul3A_25 = arith.muli %add3A_23, %mul3A_24 : i32
    %mul3A_26 = arith.constant 2 : i32
    %mul3A_27 = arith.muli %add3A_23, %mul3A_26 : i32
    %lt3A_28 = arith.constant 390 : i32
    %lt3A_29 = arith.cmpi slt, %add3A_23, %lt3A_28 : i32
    %convert_element_type3A_30 = arith.extui %lt3A_29 : i1 to i32
    %cond3A_31 = arith.constant 0 : i32
    %cond3A_32 = arith.cmpi ne, %convert_element_type3A_30, %cond3A_31 : i32
    scf.if %cond3A_32 {
      %dma_wait3A = arith.constant 0 : i32
      %dma_wait3A_296 = tpu.memref_slice %arg2[%mul3A_25, %dma_wait3A] : memref<100000x128xf32, #tpu.memory_space<hbm>> -> memref<256x128xf32, #tpu.memory_space<hbm>>
      %dma_wait3A_297 = arith.constant 0 : i32
      %dma_wait3A_298 = tpu.memref_slice %arg2[%mul3A_25, %dma_wait3A_297] : memref<100000x128xf32, #tpu.memory_space<hbm>> -> memref<256x128xf32, #tpu.memory_space<hbm>>
      tpu.wait_dma2 semaphore(%arg13 : memref<!tpu.dma_semaphore, #tpu.memory_space<semaphore_mem>>) src(%dma_wait3A_298 : memref<256x128xf32, #tpu.memory_space<hbm>>) dst(%arg7 : memref<256x128xf32, #tpu.memory_space<vmem>>)
      %dma_wait3A_299 = arith.constant 0 : i32
      %dma_wait3A_300 = tpu.memref_slice %arg3[%mul3A_27, %dma_wait3A_299] : memref<782x128xi32, #tpu.memory_space<hbm>> -> memref<2x128xi32, #tpu.memory_space<hbm>>
      %dma_wait3A_301 = arith.constant 0 : i32
      %dma_wait3A_302 = tpu.memref_slice %arg3[%mul3A_27, %dma_wait3A_301] : memref<782x128xi32, #tpu.memory_space<hbm>> -> memref<2x128xi32, #tpu.memory_space<hbm>>
      tpu.wait_dma2 semaphore(%arg13 : memref<!tpu.dma_semaphore, #tpu.memory_space<semaphore_mem>>) src(%dma_wait3A_302 : memref<2x128xi32, #tpu.memory_space<hbm>>) dst(%arg9 : memref<2x128xi32, #tpu.memory_space<vmem>>)
      %run_scoped3A = arith.constant 0 : i32
      "tpu.region"() ({
        %run_scoped3A_304 = tpu.sem_alloc : memref<!tpu.dma_semaphore, #tpu.memory_space<semaphore_mem>>
        %dma_start3A = arith.constant 0 : i32
        %dma_start3A_305 = arith.constant 0 : i32
        %dma_start3A_306 = tpu.memref_slice %arg7[%dma_start3A, %dma_start3A_305] : memref<256x128xf32, #tpu.memory_space<vmem>> -> memref<128x128xf32, #tpu.memory_space<vmem>>
        %dma_start3A_307 = arith.constant 0 : i32
        %dma_start3A_308 = tpu.memref_slice %arg9[%run_scoped3A, %dma_start3A_307] : memref<2x128xi32, #tpu.memory_space<vmem>> -> memref<1x128xi32, #tpu.memory_space<vmem>>
        %dma_start3A_309 = tpu.memref_squeeze %dma_start3A_308 : memref<1x128xi32, #tpu.memory_space<vmem>> -> memref<128xi32, #tpu.memory_space<vmem>>
        %dma_start3A_310 = arith.constant 0 : i32
        %dma_start3A_311 = arith.constant 0 : i32
        %dma_start3A_312 = tpu.memref_slice %arg12[%dma_start3A_310, %dma_start3A_311] : memref<1024x128xf32, #tpu.memory_space<vmem_shared>> -> memref<1024x128xf32, #tpu.memory_space<vmem_shared>>
        tpu.enqueue_indirect_dma source(%dma_start3A_306 : memref<128x128xf32, #tpu.memory_space<vmem>>) target(%dma_start3A_312 : memref<1024x128xf32, #tpu.memory_space<vmem_shared>>) offsets(%dma_start3A_309 : memref<128xi32, #tpu.memory_space<vmem>>) semaphore(%run_scoped3A_304 : memref<!tpu.dma_semaphore, #tpu.memory_space<semaphore_mem>>) {add = true}
        %dma_wait3A_313 = arith.constant 0 : i32
        %dma_wait3A_314 = arith.constant 0 : i32
        %dma_wait3A_315 = tpu.memref_slice %arg7[%dma_wait3A_313, %dma_wait3A_314] : memref<256x128xf32, #tpu.memory_space<vmem>> -> memref<128x128xf32, #tpu.memory_space<vmem>>
        %dma_wait3A_316 = arith.constant 0 : i32
        %dma_wait3A_317 = tpu.memref_slice %arg9[%run_scoped3A, %dma_wait3A_316] : memref<2x128xi32, #tpu.memory_space<vmem>> -> memref<1x128xi32, #tpu.memory_space<vmem>>
        %dma_wait3A_318 = tpu.memref_squeeze %dma_wait3A_317 : memref<1x128xi32, #tpu.memory_space<vmem>> -> memref<128xi32, #tpu.memory_space<vmem>>
        %dma_wait3A_319 = arith.constant 0 : i32
        %dma_wait3A_320 = arith.constant 0 : i32
        %dma_wait3A_321 = tpu.memref_slice %arg12[%dma_wait3A_319, %dma_wait3A_320] : memref<1024x128xf32, #tpu.memory_space<vmem_shared>> -> memref<1024x128xf32, #tpu.memory_space<vmem_shared>>
        tpu.wait_indirect_dma semaphore(%run_scoped3A_304 : memref<!tpu.dma_semaphore, #tpu.memory_space<semaphore_mem>>) src(%dma_wait3A_315 : memref<128x128xf32, #tpu.memory_space<vmem>>) dst(%dma_wait3A_321 : memref<1024x128xf32, #tpu.memory_space<vmem_shared>>)
        tpu.yield
      }) : () -> ()
      %run_scoped3A_303 = arith.constant 1 : i32
      "tpu.region"() ({
        %run_scoped3A_304 = tpu.sem_alloc : memref<!tpu.dma_semaphore, #tpu.memory_space<semaphore_mem>>
        %dma_start3A = arith.constant 128 : i32
        %dma_start3A_305 = arith.constant 0 : i32
        %dma_start3A_306 = tpu.memref_slice %arg7[%dma_start3A, %dma_start3A_305] : memref<256x128xf32, #tpu.memory_space<vmem>> -> memref<128x128xf32, #tpu.memory_space<vmem>>
        %dma_start3A_307 = arith.constant 0 : i32
        %dma_start3A_308 = tpu.memref_slice %arg9[%run_scoped3A_303, %dma_start3A_307] : memref<2x128xi32, #tpu.memory_space<vmem>> -> memref<1x128xi32, #tpu.memory_space<vmem>>
        %dma_start3A_309 = tpu.memref_squeeze %dma_start3A_308 : memref<1x128xi32, #tpu.memory_space<vmem>> -> memref<128xi32, #tpu.memory_space<vmem>>
        %dma_start3A_310 = arith.constant 0 : i32
        %dma_start3A_311 = arith.constant 0 : i32
        %dma_start3A_312 = tpu.memref_slice %arg12[%dma_start3A_310, %dma_start3A_311] : memref<1024x128xf32, #tpu.memory_space<vmem_shared>> -> memref<1024x128xf32, #tpu.memory_space<vmem_shared>>
        tpu.enqueue_indirect_dma source(%dma_start3A_306 : memref<128x128xf32, #tpu.memory_space<vmem>>) target(%dma_start3A_312 : memref<1024x128xf32, #tpu.memory_space<vmem_shared>>) offsets(%dma_start3A_309 : memref<128xi32, #tpu.memory_space<vmem>>) semaphore(%run_scoped3A_304 : memref<!tpu.dma_semaphore, #tpu.memory_space<semaphore_mem>>) {add = true}
        %dma_wait3A_313 = arith.constant 128 : i32
        %dma_wait3A_314 = arith.constant 0 : i32
        %dma_wait3A_315 = tpu.memref_slice %arg7[%dma_wait3A_313, %dma_wait3A_314] : memref<256x128xf32, #tpu.memory_space<vmem>> -> memref<128x128xf32, #tpu.memory_space<vmem>>
        %dma_wait3A_316 = arith.constant 0 : i32
        %dma_wait3A_317 = tpu.memref_slice %arg9[%run_scoped3A_303, %dma_wait3A_316] : memref<2x128xi32, #tpu.memory_space<vmem>> -> memref<1x128xi32, #tpu.memory_space<vmem>>
        %dma_wait3A_318 = tpu.memref_squeeze %dma_wait3A_317 : memref<1x128xi32, #tpu.memory_space<vmem>> -> memref<128xi32, #tpu.memory_space<vmem>>
        %dma_wait3A_319 = arith.constant 0 : i32
        %dma_wait3A_320 = arith.constant 0 : i32
        %dma_wait3A_321 = tpu.memref_slice %arg12[%dma_wait3A_319, %dma_wait3A_320] : memref<1024x128xf32, #tpu.memory_space<vmem_shared>> -> memref<1024x128xf32, #tpu.memory_space<vmem_shared>>
        tpu.wait_indirect_dma semaphore(%run_scoped3A_304 : memref<!tpu.dma_semaphore, #tpu.memory_space<semaphore_mem>>) src(%dma_wait3A_315 : memref<128x128xf32, #tpu.memory_space<vmem>>) dst(%dma_wait3A_321 : memref<1024x128xf32, #tpu.memory_space<vmem_shared>>)
        tpu.yield
      }) : () -> ()
    } else {
    }
    %add3A_33 = arith.constant 64 : i32
    %add3A_34 = arith.addi %add3A, %add3A_33 : i32
    %mul3A_35 = arith.constant 256 : i32
    %mul3A_36 = arith.muli %add3A_34, %mul3A_35 : i32
    %mul3A_37 = arith.constant 2 : i32
    %mul3A_38 = arith.muli %add3A_34, %mul3A_37 : i32
    %lt3A_39 = arith.constant 390 : i32
    %lt3A_40 = arith.cmpi slt, %add3A_34, %lt3A_39 : i32
    %convert_element_type3A_41 = arith.extui %lt3A_40 : i1 to i32
    %cond3A_42 = arith.constant 0 : i32
    %cond3A_43 = arith.cmpi ne, %convert_element_type3A_41, %cond3A_42 : i32
    scf.if %cond3A_43 {
      %dma_start3A = arith.constant 0 : i32
      %dma_start3A_296 = tpu.memref_slice %arg2[%mul3A_36, %dma_start3A] : memref<100000x128xf32, #tpu.memory_space<hbm>> -> memref<256x128xf32, #tpu.memory_space<hbm>>
      %dma_start3A_297 = arith.constant 0 : i32
      %dma_start3A_298 = tpu.memref_slice %arg2[%mul3A_36, %dma_start3A_297] : memref<100000x128xf32, #tpu.memory_space<hbm>> -> memref<256x128xf32, #tpu.memory_space<hbm>>
      tpu.enqueue_dma source(%dma_start3A_298 : memref<256x128xf32, #tpu.memory_space<hbm>>) target(%arg7 : memref<256x128xf32, #tpu.memory_space<vmem>>) target_semaphore(%arg13 : memref<!tpu.dma_semaphore, #tpu.memory_space<semaphore_mem>>)
      %dma_start3A_299 = arith.constant 0 : i32
      %dma_start3A_300 = tpu.memref_slice %arg3[%mul3A_38, %dma_start3A_299] : memref<782x128xi32, #tpu.memory_space<hbm>> -> memref<2x128xi32, #tpu.memory_space<hbm>>
      %dma_start3A_301 = arith.constant 0 : i32
      %dma_start3A_302 = tpu.memref_slice %arg3[%mul3A_38, %dma_start3A_301] : memref<782x128xi32, #tpu.memory_space<hbm>> -> memref<2x128xi32, #tpu.memory_space<hbm>>
      tpu.enqueue_dma source(%dma_start3A_302 : memref<2x128xi32, #tpu.memory_space<hbm>>) target(%arg9 : memref<2x128xi32, #tpu.memory_space<vmem>>) target_semaphore(%arg13 : memref<!tpu.dma_semaphore, #tpu.memory_space<semaphore_mem>>)
    } else {
    }
    %add3A_44 = arith.constant 32 : i32
    %add3A_45 = arith.addi %add3A, %add3A_44 : i32
    %mul3A_46 = arith.constant 256 : i32
    %mul3A_47 = arith.muli %add3A_45, %mul3A_46 : i32
    %mul3A_48 = arith.constant 2 : i32
    %mul3A_49 = arith.muli %add3A_45, %mul3A_48 : i32
    %lt3A_50 = arith.constant 390 : i32
    %lt3A_51 = arith.cmpi slt, %add3A_45, %lt3A_50 : i32
    %convert_element_type3A_52 = arith.extui %lt3A_51 : i1 to i32
    %cond3A_53 = arith.constant 0 : i32
    %cond3A_54 = arith.cmpi ne, %convert_element_type3A_52, %cond3A_53 : i32
    scf.if %cond3A_54 {
      %dma_wait3A = arith.constant 0 : i32
      %dma_wait3A_296 = tpu.memref_slice %arg2[%mul3A_47, %dma_wait3A] : memref<100000x128xf32, #tpu.memory_space<hbm>> -> memref<256x128xf32, #tpu.memory_space<hbm>>
      %dma_wait3A_297 = arith.constant 0 : i32
      %dma_wait3A_298 = tpu.memref_slice %arg2[%mul3A_47, %dma_wait3A_297] : memref<100000x128xf32, #tpu.memory_space<hbm>> -> memref<256x128xf32, #tpu.memory_space<hbm>>
      tpu.wait_dma2 semaphore(%arg14 : memref<!tpu.dma_semaphore, #tpu.memory_space<semaphore_mem>>) src(%dma_wait3A_298 : memref<256x128xf32, #tpu.memory_space<hbm>>) dst(%arg8 : memref<256x128xf32, #tpu.memory_space<vmem>>)
      %dma_wait3A_299 = arith.constant 0 : i32
      %dma_wait3A_300 = tpu.memref_slice %arg3[%mul3A_49, %dma_wait3A_299] : memref<782x128xi32, #tpu.memory_space<hbm>> -> memref<2x128xi32, #tpu.memory_space<hbm>>
      %dma_wait3A_301 = arith.constant 0 : i32
      %dma_wait3A_302 = tpu.memref_slice %arg3[%mul3A_49, %dma_wait3A_301] : memref<782x128xi32, #tpu.memory_space<hbm>> -> memref<2x128xi32, #tpu.memory_space<hbm>>
      tpu.wait_dma2 semaphore(%arg14 : memref<!tpu.dma_semaphore, #tpu.memory_space<semaphore_mem>>) src(%dma_wait3A_302 : memref<2x128xi32, #tpu.memory_space<hbm>>) dst(%arg10 : memref<2x128xi32, #tpu.memory_space<vmem>>)
      %run_scoped3A = arith.constant 0 : i32
      "tpu.region"() ({
        %run_scoped3A_304 = tpu.sem_alloc : memref<!tpu.dma_semaphore, #tpu.memory_space<semaphore_mem>>
        %dma_start3A = arith.constant 0 : i32
        %dma_start3A_305 = arith.constant 0 : i32
        %dma_start3A_306 = tpu.memref_slice %arg8[%dma_start3A, %dma_start3A_305] : memref<256x128xf32, #tpu.memory_space<vmem>> -> memref<128x128xf32, #tpu.memory_space<vmem>>
        %dma_start3A_307 = arith.constant 0 : i32
        %dma_start3A_308 = tpu.memref_slice %arg10[%run_scoped3A, %dma_start3A_307] : memref<2x128xi32, #tpu.memory_space<vmem>> -> memref<1x128xi32, #tpu.memory_space<vmem>>
        %dma_start3A_309 = tpu.memref_squeeze %dma_start3A_308 : memref<1x128xi32, #tpu.memory_space<vmem>> -> memref<128xi32, #tpu.memory_space<vmem>>
        %dma_start3A_310 = arith.constant 0 : i32
        %dma_start3A_311 = arith.constant 0 : i32
        %dma_start3A_312 = tpu.memref_slice %arg12[%dma_start3A_310, %dma_start3A_311] : memref<1024x128xf32, #tpu.memory_space<vmem_shared>> -> memref<1024x128xf32, #tpu.memory_space<vmem_shared>>
        tpu.enqueue_indirect_dma source(%dma_start3A_306 : memref<128x128xf32, #tpu.memory_space<vmem>>) target(%dma_start3A_312 : memref<1024x128xf32, #tpu.memory_space<vmem_shared>>) offsets(%dma_start3A_309 : memref<128xi32, #tpu.memory_space<vmem>>) semaphore(%run_scoped3A_304 : memref<!tpu.dma_semaphore, #tpu.memory_space<semaphore_mem>>) {add = true}
        %dma_wait3A_313 = arith.constant 0 : i32
        %dma_wait3A_314 = arith.constant 0 : i32
        %dma_wait3A_315 = tpu.memref_slice %arg8[%dma_wait3A_313, %dma_wait3A_314] : memref<256x128xf32, #tpu.memory_space<vmem>> -> memref<128x128xf32, #tpu.memory_space<vmem>>
        %dma_wait3A_316 = arith.constant 0 : i32
        %dma_wait3A_317 = tpu.memref_slice %arg10[%run_scoped3A, %dma_wait3A_316] : memref<2x128xi32, #tpu.memory_space<vmem>> -> memref<1x128xi32, #tpu.memory_space<vmem>>
        %dma_wait3A_318 = tpu.memref_squeeze %dma_wait3A_317 : memref<1x128xi32, #tpu.memory_space<vmem>> -> memref<128xi32, #tpu.memory_space<vmem>>
        %dma_wait3A_319 = arith.constant 0 : i32
        %dma_wait3A_320 = arith.constant 0 : i32
        %dma_wait3A_321 = tpu.memref_slice %arg12[%dma_wait3A_319, %dma_wait3A_320] : memref<1024x128xf32, #tpu.memory_space<vmem_shared>> -> memref<1024x128xf32, #tpu.memory_space<vmem_shared>>
        tpu.wait_indirect_dma semaphore(%run_scoped3A_304 : memref<!tpu.dma_semaphore, #tpu.memory_space<semaphore_mem>>) src(%dma_wait3A_315 : memref<128x128xf32, #tpu.memory_space<vmem>>) dst(%dma_wait3A_321 : memref<1024x128xf32, #tpu.memory_space<vmem_shared>>)
        tpu.yield
      }) : () -> ()
      %run_scoped3A_303 = arith.constant 1 : i32
      "tpu.region"() ({
        %run_scoped3A_304 = tpu.sem_alloc : memref<!tpu.dma_semaphore, #tpu.memory_space<semaphore_mem>>
        %dma_start3A = arith.constant 128 : i32
        %dma_start3A_305 = arith.constant 0 : i32
        %dma_start3A_306 = tpu.memref_slice %arg8[%dma_start3A, %dma_start3A_305] : memref<256x128xf32, #tpu.memory_space<vmem>> -> memref<128x128xf32, #tpu.memory_space<vmem>>
        %dma_start3A_307 = arith.constant 0 : i32
        %dma_start3A_308 = tpu.memref_slice %arg10[%run_scoped3A_303, %dma_start3A_307] : memref<2x128xi32, #tpu.memory_space<vmem>> -> memref<1x128xi32, #tpu.memory_space<vmem>>
        %dma_start3A_309 = tpu.memref_squeeze %dma_start3A_308 : memref<1x128xi32, #tpu.memory_space<vmem>> -> memref<128xi32, #tpu.memory_space<vmem>>
        %dma_start3A_310 = arith.constant 0 : i32
        %dma_start3A_311 = arith.constant 0 : i32
        %dma_start3A_312 = tpu.memref_slice %arg12[%dma_start3A_310, %dma_start3A_311] : memref<1024x128xf32, #tpu.memory_space<vmem_shared>> -> memref<1024x128xf32, #tpu.memory_space<vmem_shared>>
        tpu.enqueue_indirect_dma source(%dma_start3A_306 : memref<128x128xf32, #tpu.memory_space<vmem>>) target(%dma_start3A_312 : memref<1024x128xf32, #tpu.memory_space<vmem_shared>>) offsets(%dma_start3A_309 : memref<128xi32, #tpu.memory_space<vmem>>) semaphore(%run_scoped3A_304 : memref<!tpu.dma_semaphore, #tpu.memory_space<semaphore_mem>>) {add = true}
        %dma_wait3A_313 = arith.constant 128 : i32
        %dma_wait3A_314 = arith.constant 0 : i32
        %dma_wait3A_315 = tpu.memref_slice %arg8[%dma_wait3A_313, %dma_wait3A_314] : memref<256x128xf32, #tpu.memory_space<vmem>> -> memref<128x128xf32, #tpu.memory_space<vmem>>
        %dma_wait3A_316 = arith.constant 0 : i32
        %dma_wait3A_317 = tpu.memref_slice %arg10[%run_scoped3A_303, %dma_wait3A_316] : memref<2x128xi32, #tpu.memory_space<vmem>> -> memref<1x128xi32, #tpu.memory_space<vmem>>
        %dma_wait3A_318 = tpu.memref_squeeze %dma_wait3A_317 : memref<1x128xi32, #tpu.memory_space<vmem>> -> memref<128xi32, #tpu.memory_space<vmem>>
        %dma_wait3A_319 = arith.constant 0 : i32
        %dma_wait3A_320 = arith.constant 0 : i32
        %dma_wait3A_321 = tpu.memref_slice %arg12[%dma_wait3A_319, %dma_wait3A_320] : memref<1024x128xf32, #tpu.memory_space<vmem_shared>> -> memref<1024x128xf32, #tpu.memory_space<vmem_shared>>
        tpu.wait_indirect_dma semaphore(%run_scoped3A_304 : memref<!tpu.dma_semaphore, #tpu.memory_space<semaphore_mem>>) src(%dma_wait3A_315 : memref<128x128xf32, #tpu.memory_space<vmem>>) dst(%dma_wait3A_321 : memref<1024x128xf32, #tpu.memory_space<vmem_shared>>)
        tpu.yield
      }) : () -> ()
    } else {
    }
    %add3A_55 = arith.constant 96 : i32
    %add3A_56 = arith.addi %add3A, %add3A_55 : i32
    %mul3A_57 = arith.constant 256 : i32
    %mul3A_58 = arith.muli %add3A_56, %mul3A_57 : i32
    %mul3A_59 = arith.constant 2 : i32
    %mul3A_60 = arith.muli %add3A_56, %mul3A_59 : i32
    %lt3A_61 = arith.constant 390 : i32
    %lt3A_62 = arith.cmpi slt, %add3A_56, %lt3A_61 : i32
    %convert_element_type3A_63 = arith.extui %lt3A_62 : i1 to i32
    %cond3A_64 = arith.constant 0 : i32
    %cond3A_65 = arith.cmpi ne, %convert_element_type3A_63, %cond3A_64 : i32
    scf.if %cond3A_65 {
      %dma_start3A = arith.constant 0 : i32
      %dma_start3A_296 = tpu.memref_slice %arg2[%mul3A_58, %dma_start3A] : memref<100000x128xf32, #tpu.memory_space<hbm>> -> memref<256x128xf32, #tpu.memory_space<hbm>>
      %dma_start3A_297 = arith.constant 0 : i32
      %dma_start3A_298 = tpu.memref_slice %arg2[%mul3A_58, %dma_start3A_297] : memref<100000x128xf32, #tpu.memory_space<hbm>> -> memref<256x128xf32, #tpu.memory_space<hbm>>
      tpu.enqueue_dma source(%dma_start3A_298 : memref<256x128xf32, #tpu.memory_space<hbm>>) target(%arg8 : memref<256x128xf32, #tpu.memory_space<vmem>>) target_semaphore(%arg14 : memref<!tpu.dma_semaphore, #tpu.memory_space<semaphore_mem>>)
      %dma_start3A_299 = arith.constant 0 : i32
      %dma_start3A_300 = tpu.memref_slice %arg3[%mul3A_60, %dma_start3A_299] : memref<782x128xi32, #tpu.memory_space<hbm>> -> memref<2x128xi32, #tpu.memory_space<hbm>>
      %dma_start3A_301 = arith.constant 0 : i32
      %dma_start3A_302 = tpu.memref_slice %arg3[%mul3A_60, %dma_start3A_301] : memref<782x128xi32, #tpu.memory_space<hbm>> -> memref<2x128xi32, #tpu.memory_space<hbm>>
      tpu.enqueue_dma source(%dma_start3A_302 : memref<2x128xi32, #tpu.memory_space<hbm>>) target(%arg10 : memref<2x128xi32, #tpu.memory_space<vmem>>) target_semaphore(%arg14 : memref<!tpu.dma_semaphore, #tpu.memory_space<semaphore_mem>>)
    } else {
    }
    %add3A_66 = arith.constant 64 : i32
    %add3A_67 = arith.addi %add3A, %add3A_66 : i32
    %mul3A_68 = arith.constant 256 : i32
    %mul3A_69 = arith.muli %add3A_67, %mul3A_68 : i32
    %mul3A_70 = arith.constant 2 : i32
    %mul3A_71 = arith.muli %add3A_67, %mul3A_70 : i32
    %lt3A_72 = arith.constant 390 : i32
    %lt3A_73 = arith.cmpi slt, %add3A_67, %lt3A_72 : i32
    %convert_element_type3A_74 = arith.extui %lt3A_73 : i1 to i32
    %cond3A_75 = arith.constant 0 : i32
    %cond3A_76 = arith.cmpi ne, %convert_element_type3A_74, %cond3A_75 : i32
    scf.if %cond3A_76 {
      %dma_wait3A = arith.constant 0 : i32
      %dma_wait3A_296 = tpu.memref_slice %arg2[%mul3A_69, %dma_wait3A] : memref<100000x128xf32, #tpu.memory_space<hbm>> -> memref<256x128xf32, #tpu.memory_space<hbm>>
      %dma_wait3A_297 = arith.constant 0 : i32
      %dma_wait3A_298 = tpu.memref_slice %arg2[%mul3A_69, %dma_wait3A_297] : memref<100000x128xf32, #tpu.memory_space<hbm>> -> memref<256x128xf32, #tpu.memory_space<hbm>>
      tpu.wait_dma2 semaphore(%arg13 : memref<!tpu.dma_semaphore, #tpu.memory_space<semaphore_mem>>) src(%dma_wait3A_298 : memref<256x128xf32, #tpu.memory_space<hbm>>) dst(%arg7 : memref<256x128xf32, #tpu.memory_space<vmem>>)
      %dma_wait3A_299 = arith.constant 0 : i32
      %dma_wait3A_300 = tpu.memref_slice %arg3[%mul3A_71, %dma_wait3A_299] : memref<782x128xi32, #tpu.memory_space<hbm>> -> memref<2x128xi32, #tpu.memory_space<hbm>>
      %dma_wait3A_301 = arith.constant 0 : i32
      %dma_wait3A_302 = tpu.memref_slice %arg3[%mul3A_71, %dma_wait3A_301] : memref<782x128xi32, #tpu.memory_space<hbm>> -> memref<2x128xi32, #tpu.memory_space<hbm>>
      tpu.wait_dma2 semaphore(%arg13 : memref<!tpu.dma_semaphore, #tpu.memory_space<semaphore_mem>>) src(%dma_wait3A_302 : memref<2x128xi32, #tpu.memory_space<hbm>>) dst(%arg9 : memref<2x128xi32, #tpu.memory_space<vmem>>)
      %run_scoped3A = arith.constant 0 : i32
      "tpu.region"() ({
        %run_scoped3A_304 = tpu.sem_alloc : memref<!tpu.dma_semaphore, #tpu.memory_space<semaphore_mem>>
        %dma_start3A = arith.constant 0 : i32
        %dma_start3A_305 = arith.constant 0 : i32
        %dma_start3A_306 = tpu.memref_slice %arg7[%dma_start3A, %dma_start3A_305] : memref<256x128xf32, #tpu.memory_space<vmem>> -> memref<128x128xf32, #tpu.memory_space<vmem>>
        %dma_start3A_307 = arith.constant 0 : i32
        %dma_start3A_308 = tpu.memref_slice %arg9[%run_scoped3A, %dma_start3A_307] : memref<2x128xi32, #tpu.memory_space<vmem>> -> memref<1x128xi32, #tpu.memory_space<vmem>>
        %dma_start3A_309 = tpu.memref_squeeze %dma_start3A_308 : memref<1x128xi32, #tpu.memory_space<vmem>> -> memref<128xi32, #tpu.memory_space<vmem>>
        %dma_start3A_310 = arith.constant 0 : i32
        %dma_start3A_311 = arith.constant 0 : i32
        %dma_start3A_312 = tpu.memref_slice %arg12[%dma_start3A_310, %dma_start3A_311] : memref<1024x128xf32, #tpu.memory_space<vmem_shared>> -> memref<1024x128xf32, #tpu.memory_space<vmem_shared>>
        tpu.enqueue_indirect_dma source(%dma_start3A_306 : memref<128x128xf32, #tpu.memory_space<vmem>>) target(%dma_start3A_312 : memref<1024x128xf32, #tpu.memory_space<vmem_shared>>) offsets(%dma_start3A_309 : memref<128xi32, #tpu.memory_space<vmem>>) semaphore(%run_scoped3A_304 : memref<!tpu.dma_semaphore, #tpu.memory_space<semaphore_mem>>) {add = true}
        %dma_wait3A_313 = arith.constant 0 : i32
        %dma_wait3A_314 = arith.constant 0 : i32
        %dma_wait3A_315 = tpu.memref_slice %arg7[%dma_wait3A_313, %dma_wait3A_314] : memref<256x128xf32, #tpu.memory_space<vmem>> -> memref<128x128xf32, #tpu.memory_space<vmem>>
        %dma_wait3A_316 = arith.constant 0 : i32
        %dma_wait3A_317 = tpu.memref_slice %arg9[%run_scoped3A, %dma_wait3A_316] : memref<2x128xi32, #tpu.memory_space<vmem>> -> memref<1x128xi32, #tpu.memory_space<vmem>>
        %dma_wait3A_318 = tpu.memref_squeeze %dma_wait3A_317 : memref<1x128xi32, #tpu.memory_space<vmem>> -> memref<128xi32, #tpu.memory_space<vmem>>
        %dma_wait3A_319 = arith.constant 0 : i32
        %dma_wait3A_320 = arith.constant 0 : i32
        %dma_wait3A_321 = tpu.memref_slice %arg12[%dma_wait3A_319, %dma_wait3A_320] : memref<1024x128xf32, #tpu.memory_space<vmem_shared>> -> memref<1024x128xf32, #tpu.memory_space<vmem_shared>>
        tpu.wait_indirect_dma semaphore(%run_scoped3A_304 : memref<!tpu.dma_semaphore, #tpu.memory_space<semaphore_mem>>) src(%dma_wait3A_315 : memref<128x128xf32, #tpu.memory_space<vmem>>) dst(%dma_wait3A_321 : memref<1024x128xf32, #tpu.memory_space<vmem_shared>>)
        tpu.yield
      }) : () -> ()
      %run_scoped3A_303 = arith.constant 1 : i32
      "tpu.region"() ({
        %run_scoped3A_304 = tpu.sem_alloc : memref<!tpu.dma_semaphore, #tpu.memory_space<semaphore_mem>>
        %dma_start3A = arith.constant 128 : i32
        %dma_start3A_305 = arith.constant 0 : i32
        %dma_start3A_306 = tpu.memref_slice %arg7[%dma_start3A, %dma_start3A_305] : memref<256x128xf32, #tpu.memory_space<vmem>> -> memref<128x128xf32, #tpu.memory_space<vmem>>
        %dma_start3A_307 = arith.constant 0 : i32
        %dma_start3A_308 = tpu.memref_slice %arg9[%run_scoped3A_303, %dma_start3A_307] : memref<2x128xi32, #tpu.memory_space<vmem>> -> memref<1x128xi32, #tpu.memory_space<vmem>>
        %dma_start3A_309 = tpu.memref_squeeze %dma_start3A_308 : memref<1x128xi32, #tpu.memory_space<vmem>> -> memref<128xi32, #tpu.memory_space<vmem>>
        %dma_start3A_310 = arith.constant 0 : i32
        %dma_start3A_311 = arith.constant 0 : i32
        %dma_start3A_312 = tpu.memref_slice %arg12[%dma_start3A_310, %dma_start3A_311] : memref<1024x128xf32, #tpu.memory_space<vmem_shared>> -> memref<1024x128xf32, #tpu.memory_space<vmem_shared>>
        tpu.enqueue_indirect_dma source(%dma_start3A_306 : memref<128x128xf32, #tpu.memory_space<vmem>>) target(%dma_start3A_312 : memref<1024x128xf32, #tpu.memory_space<vmem_shared>>) offsets(%dma_start3A_309 : memref<128xi32, #tpu.memory_space<vmem>>) semaphore(%run_scoped3A_304 : memref<!tpu.dma_semaphore, #tpu.memory_space<semaphore_mem>>) {add = true}
        %dma_wait3A_313 = arith.constant 128 : i32
        %dma_wait3A_314 = arith.constant 0 : i32
        %dma_wait3A_315 = tpu.memref_slice %arg7[%dma_wait3A_313, %dma_wait3A_314] : memref<256x128xf32, #tpu.memory_space<vmem>> -> memref<128x128xf32, #tpu.memory_space<vmem>>
        %dma_wait3A_316 = arith.constant 0 : i32
        %dma_wait3A_317 = tpu.memref_slice %arg9[%run_scoped3A_303, %dma_wait3A_316] : memref<2x128xi32, #tpu.memory_space<vmem>> -> memref<1x128xi32, #tpu.memory_space<vmem>>
        %dma_wait3A_318 = tpu.memref_squeeze %dma_wait3A_317 : memref<1x128xi32, #tpu.memory_space<vmem>> -> memref<128xi32, #tpu.memory_space<vmem>>
        %dma_wait3A_319 = arith.constant 0 : i32
        %dma_wait3A_320 = arith.constant 0 : i32
        %dma_wait3A_321 = tpu.memref_slice %arg12[%dma_wait3A_319, %dma_wait3A_320] : memref<1024x128xf32, #tpu.memory_space<vmem_shared>> -> memref<1024x128xf32, #tpu.memory_space<vmem_shared>>
        tpu.wait_indirect_dma semaphore(%run_scoped3A_304 : memref<!tpu.dma_semaphore, #tpu.memory_space<semaphore_mem>>) src(%dma_wait3A_315 : memref<128x128xf32, #tpu.memory_space<vmem>>) dst(%dma_wait3A_321 : memref<1024x128xf32, #tpu.memory_space<vmem_shared>>)
        tpu.yield
      }) : () -> ()
    } else {
    }
    %add3A_77 = arith.constant 128 : i32
    %add3A_78 = arith.addi %add3A, %add3A_77 : i32
    %mul3A_79 = arith.constant 256 : i32
    %mul3A_80 = arith.muli %add3A_78, %mul3A_79 : i32
    %mul3A_81 = arith.constant 2 : i32
    %mul3A_82 = arith.muli %add3A_78, %mul3A_81 : i32
    %lt3A_83 = arith.constant 390 : i32
    %lt3A_84 = arith.cmpi slt, %add3A_78, %lt3A_83 : i32
    %convert_element_type3A_85 = arith.extui %lt3A_84 : i1 to i32
    %cond3A_86 = arith.constant 0 : i32
    %cond3A_87 = arith.cmpi ne, %convert_element_type3A_85, %cond3A_86 : i32
    scf.if %cond3A_87 {
      %dma_start3A = arith.constant 0 : i32
      %dma_start3A_296 = tpu.memref_slice %arg2[%mul3A_80, %dma_start3A] : memref<100000x128xf32, #tpu.memory_space<hbm>> -> memref<256x128xf32, #tpu.memory_space<hbm>>
      %dma_start3A_297 = arith.constant 0 : i32
      %dma_start3A_298 = tpu.memref_slice %arg2[%mul3A_80, %dma_start3A_297] : memref<100000x128xf32, #tpu.memory_space<hbm>> -> memref<256x128xf32, #tpu.memory_space<hbm>>
      tpu.enqueue_dma source(%dma_start3A_298 : memref<256x128xf32, #tpu.memory_space<hbm>>) target(%arg7 : memref<256x128xf32, #tpu.memory_space<vmem>>) target_semaphore(%arg13 : memref<!tpu.dma_semaphore, #tpu.memory_space<semaphore_mem>>)
      %dma_start3A_299 = arith.constant 0 : i32
      %dma_start3A_300 = tpu.memref_slice %arg3[%mul3A_82, %dma_start3A_299] : memref<782x128xi32, #tpu.memory_space<hbm>> -> memref<2x128xi32, #tpu.memory_space<hbm>>
      %dma_start3A_301 = arith.constant 0 : i32
      %dma_start3A_302 = tpu.memref_slice %arg3[%mul3A_82, %dma_start3A_301] : memref<782x128xi32, #tpu.memory_space<hbm>> -> memref<2x128xi32, #tpu.memory_space<hbm>>
      tpu.enqueue_dma source(%dma_start3A_302 : memref<2x128xi32, #tpu.memory_space<hbm>>) target(%arg9 : memref<2x128xi32, #tpu.memory_space<vmem>>) target_semaphore(%arg13 : memref<!tpu.dma_semaphore, #tpu.memory_space<semaphore_mem>>)
    } else {
    }
    %add3A_88 = arith.constant 96 : i32
    %add3A_89 = arith.addi %add3A, %add3A_88 : i32
    %mul3A_90 = arith.constant 256 : i32
    %mul3A_91 = arith.muli %add3A_89, %mul3A_90 : i32
    %mul3A_92 = arith.constant 2 : i32
    %mul3A_93 = arith.muli %add3A_89, %mul3A_92 : i32
    %lt3A_94 = arith.constant 390 : i32
    %lt3A_95 = arith.cmpi slt, %add3A_89, %lt3A_94 : i32
    %convert_element_type3A_96 = arith.extui %lt3A_95 : i1 to i32
    %cond3A_97 = arith.constant 0 : i32
    %cond3A_98 = arith.cmpi ne, %convert_element_type3A_96, %cond3A_97 : i32
    scf.if %cond3A_98 {
      %dma_wait3A = arith.constant 0 : i32
      %dma_wait3A_296 = tpu.memref_slice %arg2[%mul3A_91, %dma_wait3A] : memref<100000x128xf32, #tpu.memory_space<hbm>> -> memref<256x128xf32, #tpu.memory_space<hbm>>
      %dma_wait3A_297 = arith.constant 0 : i32
      %dma_wait3A_298 = tpu.memref_slice %arg2[%mul3A_91, %dma_wait3A_297] : memref<100000x128xf32, #tpu.memory_space<hbm>> -> memref<256x128xf32, #tpu.memory_space<hbm>>
      tpu.wait_dma2 semaphore(%arg14 : memref<!tpu.dma_semaphore, #tpu.memory_space<semaphore_mem>>) src(%dma_wait3A_298 : memref<256x128xf32, #tpu.memory_space<hbm>>) dst(%arg8 : memref<256x128xf32, #tpu.memory_space<vmem>>)
      %dma_wait3A_299 = arith.constant 0 : i32
      %dma_wait3A_300 = tpu.memref_slice %arg3[%mul3A_93, %dma_wait3A_299] : memref<782x128xi32, #tpu.memory_space<hbm>> -> memref<2x128xi32, #tpu.memory_space<hbm>>
      %dma_wait3A_301 = arith.constant 0 : i32
      %dma_wait3A_302 = tpu.memref_slice %arg3[%mul3A_93, %dma_wait3A_301] : memref<782x128xi32, #tpu.memory_space<hbm>> -> memref<2x128xi32, #tpu.memory_space<hbm>>
      tpu.wait_dma2 semaphore(%arg14 : memref<!tpu.dma_semaphore, #tpu.memory_space<semaphore_mem>>) src(%dma_wait3A_302 : memref<2x128xi32, #tpu.memory_space<hbm>>) dst(%arg10 : memref<2x128xi32, #tpu.memory_space<vmem>>)
      %run_scoped3A = arith.constant 0 : i32
      "tpu.region"() ({
        %run_scoped3A_304 = tpu.sem_alloc : memref<!tpu.dma_semaphore, #tpu.memory_space<semaphore_mem>>
        %dma_start3A = arith.constant 0 : i32
        %dma_start3A_305 = arith.constant 0 : i32
        %dma_start3A_306 = tpu.memref_slice %arg8[%dma_start3A, %dma_start3A_305] : memref<256x128xf32, #tpu.memory_space<vmem>> -> memref<128x128xf32, #tpu.memory_space<vmem>>
        %dma_start3A_307 = arith.constant 0 : i32
        %dma_start3A_308 = tpu.memref_slice %arg10[%run_scoped3A, %dma_start3A_307] : memref<2x128xi32, #tpu.memory_space<vmem>> -> memref<1x128xi32, #tpu.memory_space<vmem>>
        %dma_start3A_309 = tpu.memref_squeeze %dma_start3A_308 : memref<1x128xi32, #tpu.memory_space<vmem>> -> memref<128xi32, #tpu.memory_space<vmem>>
        %dma_start3A_310 = arith.constant 0 : i32
        %dma_start3A_311 = arith.constant 0 : i32
        %dma_start3A_312 = tpu.memref_slice %arg12[%dma_start3A_310, %dma_start3A_311] : memref<1024x128xf32, #tpu.memory_space<vmem_shared>> -> memref<1024x128xf32, #tpu.memory_space<vmem_shared>>
        tpu.enqueue_indirect_dma source(%dma_start3A_306 : memref<128x128xf32, #tpu.memory_space<vmem>>) target(%dma_start3A_312 : memref<1024x128xf32, #tpu.memory_space<vmem_shared>>) offsets(%dma_start3A_309 : memref<128xi32, #tpu.memory_space<vmem>>) semaphore(%run_scoped3A_304 : memref<!tpu.dma_semaphore, #tpu.memory_space<semaphore_mem>>) {add = true}
        %dma_wait3A_313 = arith.constant 0 : i32
        %dma_wait3A_314 = arith.constant 0 : i32
        %dma_wait3A_315 = tpu.memref_slice %arg8[%dma_wait3A_313, %dma_wait3A_314] : memref<256x128xf32, #tpu.memory_space<vmem>> -> memref<128x128xf32, #tpu.memory_space<vmem>>
        %dma_wait3A_316 = arith.constant 0 : i32
        %dma_wait3A_317 = tpu.memref_slice %arg10[%run_scoped3A, %dma_wait3A_316] : memref<2x128xi32, #tpu.memory_space<vmem>> -> memref<1x128xi32, #tpu.memory_space<vmem>>
        %dma_wait3A_318 = tpu.memref_squeeze %dma_wait3A_317 : memref<1x128xi32, #tpu.memory_space<vmem>> -> memref<128xi32, #tpu.memory_space<vmem>>
        %dma_wait3A_319 = arith.constant 0 : i32
        %dma_wait3A_320 = arith.constant 0 : i32
        %dma_wait3A_321 = tpu.memref_slice %arg12[%dma_wait3A_319, %dma_wait3A_320] : memref<1024x128xf32, #tpu.memory_space<vmem_shared>> -> memref<1024x128xf32, #tpu.memory_space<vmem_shared>>
        tpu.wait_indirect_dma semaphore(%run_scoped3A_304 : memref<!tpu.dma_semaphore, #tpu.memory_space<semaphore_mem>>) src(%dma_wait3A_315 : memref<128x128xf32, #tpu.memory_space<vmem>>) dst(%dma_wait3A_321 : memref<1024x128xf32, #tpu.memory_space<vmem_shared>>)
        tpu.yield
      }) : () -> ()
      %run_scoped3A_303 = arith.constant 1 : i32
      "tpu.region"() ({
        %run_scoped3A_304 = tpu.sem_alloc : memref<!tpu.dma_semaphore, #tpu.memory_space<semaphore_mem>>
        %dma_start3A = arith.constant 128 : i32
        %dma_start3A_305 = arith.constant 0 : i32
        %dma_start3A_306 = tpu.memref_slice %arg8[%dma_start3A, %dma_start3A_305] : memref<256x128xf32, #tpu.memory_space<vmem>> -> memref<128x128xf32, #tpu.memory_space<vmem>>
        %dma_start3A_307 = arith.constant 0 : i32
        %dma_start3A_308 = tpu.memref_slice %arg10[%run_scoped3A_303, %dma_start3A_307] : memref<2x128xi32, #tpu.memory_space<vmem>> -> memref<1x128xi32, #tpu.memory_space<vmem>>
        %dma_start3A_309 = tpu.memref_squeeze %dma_start3A_308 : memref<1x128xi32, #tpu.memory_space<vmem>> -> memref<128xi32, #tpu.memory_space<vmem>>
        %dma_start3A_310 = arith.constant 0 : i32
        %dma_start3A_311 = arith.constant 0 : i32
        %dma_start3A_312 = tpu.memref_slice %arg12[%dma_start3A_310, %dma_start3A_311] : memref<1024x128xf32, #tpu.memory_space<vmem_shared>> -> memref<1024x128xf32, #tpu.memory_space<vmem_shared>>
        tpu.enqueue_indirect_dma source(%dma_start3A_306 : memref<128x128xf32, #tpu.memory_space<vmem>>) target(%dma_start3A_312 : memref<1024x128xf32, #tpu.memory_space<vmem_shared>>) offsets(%dma_start3A_309 : memref<128xi32, #tpu.memory_space<vmem>>) semaphore(%run_scoped3A_304 : memref<!tpu.dma_semaphore, #tpu.memory_space<semaphore_mem>>) {add = true}
        %dma_wait3A_313 = arith.constant 128 : i32
        %dma_wait3A_314 = arith.constant 0 : i32
        %dma_wait3A_315 = tpu.memref_slice %arg8[%dma_wait3A_313, %dma_wait3A_314] : memref<256x128xf32, #tpu.memory_space<vmem>> -> memref<128x128xf32, #tpu.memory_space<vmem>>
        %dma_wait3A_316 = arith.constant 0 : i32
        %dma_wait3A_317 = tpu.memref_slice %arg10[%run_scoped3A_303, %dma_wait3A_316] : memref<2x128xi32, #tpu.memory_space<vmem>> -> memref<1x128xi32, #tpu.memory_space<vmem>>
        %dma_wait3A_318 = tpu.memref_squeeze %dma_wait3A_317 : memref<1x128xi32, #tpu.memory_space<vmem>> -> memref<128xi32, #tpu.memory_space<vmem>>
        %dma_wait3A_319 = arith.constant 0 : i32
        %dma_wait3A_320 = arith.constant 0 : i32
        %dma_wait3A_321 = tpu.memref_slice %arg12[%dma_wait3A_319, %dma_wait3A_320] : memref<1024x128xf32, #tpu.memory_space<vmem_shared>> -> memref<1024x128xf32, #tpu.memory_space<vmem_shared>>
        tpu.wait_indirect_dma semaphore(%run_scoped3A_304 : memref<!tpu.dma_semaphore, #tpu.memory_space<semaphore_mem>>) src(%dma_wait3A_315 : memref<128x128xf32, #tpu.memory_space<vmem>>) dst(%dma_wait3A_321 : memref<1024x128xf32, #tpu.memory_space<vmem_shared>>)
        tpu.yield
      }) : () -> ()
    } else {
    }
    %add3A_99 = arith.constant 160 : i32
    %add3A_100 = arith.addi %add3A, %add3A_99 : i32
    %mul3A_101 = arith.constant 256 : i32
    %mul3A_102 = arith.muli %add3A_100, %mul3A_101 : i32
    %mul3A_103 = arith.constant 2 : i32
    %mul3A_104 = arith.muli %add3A_100, %mul3A_103 : i32
    %lt3A_105 = arith.constant 390 : i32
    %lt3A_106 = arith.cmpi slt, %add3A_100, %lt3A_105 : i32
    %convert_element_type3A_107 = arith.extui %lt3A_106 : i1 to i32
    %cond3A_108 = arith.constant 0 : i32
    %cond3A_109 = arith.cmpi ne, %convert_element_type3A_107, %cond3A_108 : i32
    scf.if %cond3A_109 {
      %dma_start3A = arith.constant 0 : i32
      %dma_start3A_296 = tpu.memref_slice %arg2[%mul3A_102, %dma_start3A] : memref<100000x128xf32, #tpu.memory_space<hbm>> -> memref<256x128xf32, #tpu.memory_space<hbm>>
      %dma_start3A_297 = arith.constant 0 : i32
      %dma_start3A_298 = tpu.memref_slice %arg2[%mul3A_102, %dma_start3A_297] : memref<100000x128xf32, #tpu.memory_space<hbm>> -> memref<256x128xf32, #tpu.memory_space<hbm>>
      tpu.enqueue_dma source(%dma_start3A_298 : memref<256x128xf32, #tpu.memory_space<hbm>>) target(%arg8 : memref<256x128xf32, #tpu.memory_space<vmem>>) target_semaphore(%arg14 : memref<!tpu.dma_semaphore, #tpu.memory_space<semaphore_mem>>)
      %dma_start3A_299 = arith.constant 0 : i32
      %dma_start3A_300 = tpu.memref_slice %arg3[%mul3A_104, %dma_start3A_299] : memref<782x128xi32, #tpu.memory_space<hbm>> -> memref<2x128xi32, #tpu.memory_space<hbm>>
      %dma_start3A_301 = arith.constant 0 : i32
      %dma_start3A_302 = tpu.memref_slice %arg3[%mul3A_104, %dma_start3A_301] : memref<782x128xi32, #tpu.memory_space<hbm>> -> memref<2x128xi32, #tpu.memory_space<hbm>>
      tpu.enqueue_dma source(%dma_start3A_302 : memref<2x128xi32, #tpu.memory_space<hbm>>) target(%arg10 : memref<2x128xi32, #tpu.memory_space<vmem>>) target_semaphore(%arg14 : memref<!tpu.dma_semaphore, #tpu.memory_space<semaphore_mem>>)
    } else {
    }
    %add3A_110 = arith.constant 128 : i32
    %add3A_111 = arith.addi %add3A, %add3A_110 : i32
    %mul3A_112 = arith.constant 256 : i32
    %mul3A_113 = arith.muli %add3A_111, %mul3A_112 : i32
    %mul3A_114 = arith.constant 2 : i32
    %mul3A_115 = arith.muli %add3A_111, %mul3A_114 : i32
    %lt3A_116 = arith.constant 390 : i32
    %lt3A_117 = arith.cmpi slt, %add3A_111, %lt3A_116 : i32
    %convert_element_type3A_118 = arith.extui %lt3A_117 : i1 to i32
    %cond3A_119 = arith.constant 0 : i32
    %cond3A_120 = arith.cmpi ne, %convert_element_type3A_118, %cond3A_119 : i32
    scf.if %cond3A_120 {
      %dma_wait3A = arith.constant 0 : i32
      %dma_wait3A_296 = tpu.memref_slice %arg2[%mul3A_113, %dma_wait3A] : memref<100000x128xf32, #tpu.memory_space<hbm>> -> memref<256x128xf32, #tpu.memory_space<hbm>>
      %dma_wait3A_297 = arith.constant 0 : i32
      %dma_wait3A_298 = tpu.memref_slice %arg2[%mul3A_113, %dma_wait3A_297] : memref<100000x128xf32, #tpu.memory_space<hbm>> -> memref<256x128xf32, #tpu.memory_space<hbm>>
      tpu.wait_dma2 semaphore(%arg13 : memref<!tpu.dma_semaphore, #tpu.memory_space<semaphore_mem>>) src(%dma_wait3A_298 : memref<256x128xf32, #tpu.memory_space<hbm>>) dst(%arg7 : memref<256x128xf32, #tpu.memory_space<vmem>>)
      %dma_wait3A_299 = arith.constant 0 : i32
      %dma_wait3A_300 = tpu.memref_slice %arg3[%mul3A_115, %dma_wait3A_299] : memref<782x128xi32, #tpu.memory_space<hbm>> -> memref<2x128xi32, #tpu.memory_space<hbm>>
      %dma_wait3A_301 = arith.constant 0 : i32
      %dma_wait3A_302 = tpu.memref_slice %arg3[%mul3A_115, %dma_wait3A_301] : memref<782x128xi32, #tpu.memory_space<hbm>> -> memref<2x128xi32, #tpu.memory_space<hbm>>
      tpu.wait_dma2 semaphore(%arg13 : memref<!tpu.dma_semaphore, #tpu.memory_space<semaphore_mem>>) src(%dma_wait3A_302 : memref<2x128xi32, #tpu.memory_space<hbm>>) dst(%arg9 : memref<2x128xi32, #tpu.memory_space<vmem>>)
      %run_scoped3A = arith.constant 0 : i32
      "tpu.region"() ({
        %run_scoped3A_304 = tpu.sem_alloc : memref<!tpu.dma_semaphore, #tpu.memory_space<semaphore_mem>>
        %dma_start3A = arith.constant 0 : i32
        %dma_start3A_305 = arith.constant 0 : i32
        %dma_start3A_306 = tpu.memref_slice %arg7[%dma_start3A, %dma_start3A_305] : memref<256x128xf32, #tpu.memory_space<vmem>> -> memref<128x128xf32, #tpu.memory_space<vmem>>
        %dma_start3A_307 = arith.constant 0 : i32
        %dma_start3A_308 = tpu.memref_slice %arg9[%run_scoped3A, %dma_start3A_307] : memref<2x128xi32, #tpu.memory_space<vmem>> -> memref<1x128xi32, #tpu.memory_space<vmem>>
        %dma_start3A_309 = tpu.memref_squeeze %dma_start3A_308 : memref<1x128xi32, #tpu.memory_space<vmem>> -> memref<128xi32, #tpu.memory_space<vmem>>
        %dma_start3A_310 = arith.constant 0 : i32
        %dma_start3A_311 = arith.constant 0 : i32
        %dma_start3A_312 = tpu.memref_slice %arg12[%dma_start3A_310, %dma_start3A_311] : memref<1024x128xf32, #tpu.memory_space<vmem_shared>> -> memref<1024x128xf32, #tpu.memory_space<vmem_shared>>
        tpu.enqueue_indirect_dma source(%dma_start3A_306 : memref<128x128xf32, #tpu.memory_space<vmem>>) target(%dma_start3A_312 : memref<1024x128xf32, #tpu.memory_space<vmem_shared>>) offsets(%dma_start3A_309 : memref<128xi32, #tpu.memory_space<vmem>>) semaphore(%run_scoped3A_304 : memref<!tpu.dma_semaphore, #tpu.memory_space<semaphore_mem>>) {add = true}
        %dma_wait3A_313 = arith.constant 0 : i32
        %dma_wait3A_314 = arith.constant 0 : i32
        %dma_wait3A_315 = tpu.memref_slice %arg7[%dma_wait3A_313, %dma_wait3A_314] : memref<256x128xf32, #tpu.memory_space<vmem>> -> memref<128x128xf32, #tpu.memory_space<vmem>>
        %dma_wait3A_316 = arith.constant 0 : i32
        %dma_wait3A_317 = tpu.memref_slice %arg9[%run_scoped3A, %dma_wait3A_316] : memref<2x128xi32, #tpu.memory_space<vmem>> -> memref<1x128xi32, #tpu.memory_space<vmem>>
        %dma_wait3A_318 = tpu.memref_squeeze %dma_wait3A_317 : memref<1x128xi32, #tpu.memory_space<vmem>> -> memref<128xi32, #tpu.memory_space<vmem>>
        %dma_wait3A_319 = arith.constant 0 : i32
        %dma_wait3A_320 = arith.constant 0 : i32
        %dma_wait3A_321 = tpu.memref_slice %arg12[%dma_wait3A_319, %dma_wait3A_320] : memref<1024x128xf32, #tpu.memory_space<vmem_shared>> -> memref<1024x128xf32, #tpu.memory_space<vmem_shared>>
        tpu.wait_indirect_dma semaphore(%run_scoped3A_304 : memref<!tpu.dma_semaphore, #tpu.memory_space<semaphore_mem>>) src(%dma_wait3A_315 : memref<128x128xf32, #tpu.memory_space<vmem>>) dst(%dma_wait3A_321 : memref<1024x128xf32, #tpu.memory_space<vmem_shared>>)
        tpu.yield
      }) : () -> ()
      %run_scoped3A_303 = arith.constant 1 : i32
      "tpu.region"() ({
        %run_scoped3A_304 = tpu.sem_alloc : memref<!tpu.dma_semaphore, #tpu.memory_space<semaphore_mem>>
        %dma_start3A = arith.constant 128 : i32
        %dma_start3A_305 = arith.constant 0 : i32
        %dma_start3A_306 = tpu.memref_slice %arg7[%dma_start3A, %dma_start3A_305] : memref<256x128xf32, #tpu.memory_space<vmem>> -> memref<128x128xf32, #tpu.memory_space<vmem>>
        %dma_start3A_307 = arith.constant 0 : i32
        %dma_start3A_308 = tpu.memref_slice %arg9[%run_scoped3A_303, %dma_start3A_307] : memref<2x128xi32, #tpu.memory_space<vmem>> -> memref<1x128xi32, #tpu.memory_space<vmem>>
        %dma_start3A_309 = tpu.memref_squeeze %dma_start3A_308 : memref<1x128xi32, #tpu.memory_space<vmem>> -> memref<128xi32, #tpu.memory_space<vmem>>
        %dma_start3A_310 = arith.constant 0 : i32
        %dma_start3A_311 = arith.constant 0 : i32
        %dma_start3A_312 = tpu.memref_slice %arg12[%dma_start3A_310, %dma_start3A_311] : memref<1024x128xf32, #tpu.memory_space<vmem_shared>> -> memref<1024x128xf32, #tpu.memory_space<vmem_shared>>
        tpu.enqueue_indirect_dma source(%dma_start3A_306 : memref<128x128xf32, #tpu.memory_space<vmem>>) target(%dma_start3A_312 : memref<1024x128xf32, #tpu.memory_space<vmem_shared>>) offsets(%dma_start3A_309 : memref<128xi32, #tpu.memory_space<vmem>>) semaphore(%run_scoped3A_304 : memref<!tpu.dma_semaphore, #tpu.memory_space<semaphore_mem>>) {add = true}
        %dma_wait3A_313 = arith.constant 128 : i32
        %dma_wait3A_314 = arith.constant 0 : i32
        %dma_wait3A_315 = tpu.memref_slice %arg7[%dma_wait3A_313, %dma_wait3A_314] : memref<256x128xf32, #tpu.memory_space<vmem>> -> memref<128x128xf32, #tpu.memory_space<vmem>>
        %dma_wait3A_316 = arith.constant 0 : i32
        %dma_wait3A_317 = tpu.memref_slice %arg9[%run_scoped3A_303, %dma_wait3A_316] : memref<2x128xi32, #tpu.memory_space<vmem>> -> memref<1x128xi32, #tpu.memory_space<vmem>>
        %dma_wait3A_318 = tpu.memref_squeeze %dma_wait3A_317 : memref<1x128xi32, #tpu.memory_space<vmem>> -> memref<128xi32, #tpu.memory_space<vmem>>
        %dma_wait3A_319 = arith.constant 0 : i32
        %dma_wait3A_320 = arith.constant 0 : i32
        %dma_wait3A_321 = tpu.memref_slice %arg12[%dma_wait3A_319, %dma_wait3A_320] : memref<1024x128xf32, #tpu.memory_space<vmem_shared>> -> memref<1024x128xf32, #tpu.memory_space<vmem_shared>>
        tpu.wait_indirect_dma semaphore(%run_scoped3A_304 : memref<!tpu.dma_semaphore, #tpu.memory_space<semaphore_mem>>) src(%dma_wait3A_315 : memref<128x128xf32, #tpu.memory_space<vmem>>) dst(%dma_wait3A_321 : memref<1024x128xf32, #tpu.memory_space<vmem_shared>>)
        tpu.yield
      }) : () -> ()
    } else {
    }
    %add3A_121 = arith.constant 192 : i32
    %add3A_122 = arith.addi %add3A, %add3A_121 : i32
    %mul3A_123 = arith.constant 256 : i32
    %mul3A_124 = arith.muli %add3A_122, %mul3A_123 : i32
    %mul3A_125 = arith.constant 2 : i32
    %mul3A_126 = arith.muli %add3A_122, %mul3A_125 : i32
    %lt3A_127 = arith.constant 390 : i32
    %lt3A_128 = arith.cmpi slt, %add3A_122, %lt3A_127 : i32
    %convert_element_type3A_129 = arith.extui %lt3A_128 : i1 to i32
    %cond3A_130 = arith.constant 0 : i32
    %cond3A_131 = arith.cmpi ne, %convert_element_type3A_129, %cond3A_130 : i32
    scf.if %cond3A_131 {
      %dma_start3A = arith.constant 0 : i32
      %dma_start3A_296 = tpu.memref_slice %arg2[%mul3A_124, %dma_start3A] : memref<100000x128xf32, #tpu.memory_space<hbm>> -> memref<256x128xf32, #tpu.memory_space<hbm>>
      %dma_start3A_297 = arith.constant 0 : i32
      %dma_start3A_298 = tpu.memref_slice %arg2[%mul3A_124, %dma_start3A_297] : memref<100000x128xf32, #tpu.memory_space<hbm>> -> memref<256x128xf32, #tpu.memory_space<hbm>>
      tpu.enqueue_dma source(%dma_start3A_298 : memref<256x128xf32, #tpu.memory_space<hbm>>) target(%arg7 : memref<256x128xf32, #tpu.memory_space<vmem>>) target_semaphore(%arg13 : memref<!tpu.dma_semaphore, #tpu.memory_space<semaphore_mem>>)
      %dma_start3A_299 = arith.constant 0 : i32
      %dma_start3A_300 = tpu.memref_slice %arg3[%mul3A_126, %dma_start3A_299] : memref<782x128xi32, #tpu.memory_space<hbm>> -> memref<2x128xi32, #tpu.memory_space<hbm>>
      %dma_start3A_301 = arith.constant 0 : i32
      %dma_start3A_302 = tpu.memref_slice %arg3[%mul3A_126, %dma_start3A_301] : memref<782x128xi32, #tpu.memory_space<hbm>> -> memref<2x128xi32, #tpu.memory_space<hbm>>
      tpu.enqueue_dma source(%dma_start3A_302 : memref<2x128xi32, #tpu.memory_space<hbm>>) target(%arg9 : memref<2x128xi32, #tpu.memory_space<vmem>>) target_semaphore(%arg13 : memref<!tpu.dma_semaphore, #tpu.memory_space<semaphore_mem>>)
    } else {
    }
    %add3A_132 = arith.constant 160 : i32
    %add3A_133 = arith.addi %add3A, %add3A_132 : i32
    %mul3A_134 = arith.constant 256 : i32
    %mul3A_135 = arith.muli %add3A_133, %mul3A_134 : i32
    %mul3A_136 = arith.constant 2 : i32
    %mul3A_137 = arith.muli %add3A_133, %mul3A_136 : i32
    %lt3A_138 = arith.constant 390 : i32
    %lt3A_139 = arith.cmpi slt, %add3A_133, %lt3A_138 : i32
    %convert_element_type3A_140 = arith.extui %lt3A_139 : i1 to i32
    %cond3A_141 = arith.constant 0 : i32
    %cond3A_142 = arith.cmpi ne, %convert_element_type3A_140, %cond3A_141 : i32
    scf.if %cond3A_142 {
      %dma_wait3A = arith.constant 0 : i32
      %dma_wait3A_296 = tpu.memref_slice %arg2[%mul3A_135, %dma_wait3A] : memref<100000x128xf32, #tpu.memory_space<hbm>> -> memref<256x128xf32, #tpu.memory_space<hbm>>
      %dma_wait3A_297 = arith.constant 0 : i32
      %dma_wait3A_298 = tpu.memref_slice %arg2[%mul3A_135, %dma_wait3A_297] : memref<100000x128xf32, #tpu.memory_space<hbm>> -> memref<256x128xf32, #tpu.memory_space<hbm>>
      tpu.wait_dma2 semaphore(%arg14 : memref<!tpu.dma_semaphore, #tpu.memory_space<semaphore_mem>>) src(%dma_wait3A_298 : memref<256x128xf32, #tpu.memory_space<hbm>>) dst(%arg8 : memref<256x128xf32, #tpu.memory_space<vmem>>)
      %dma_wait3A_299 = arith.constant 0 : i32
      %dma_wait3A_300 = tpu.memref_slice %arg3[%mul3A_137, %dma_wait3A_299] : memref<782x128xi32, #tpu.memory_space<hbm>> -> memref<2x128xi32, #tpu.memory_space<hbm>>
      %dma_wait3A_301 = arith.constant 0 : i32
      %dma_wait3A_302 = tpu.memref_slice %arg3[%mul3A_137, %dma_wait3A_301] : memref<782x128xi32, #tpu.memory_space<hbm>> -> memref<2x128xi32, #tpu.memory_space<hbm>>
      tpu.wait_dma2 semaphore(%arg14 : memref<!tpu.dma_semaphore, #tpu.memory_space<semaphore_mem>>) src(%dma_wait3A_302 : memref<2x128xi32, #tpu.memory_space<hbm>>) dst(%arg10 : memref<2x128xi32, #tpu.memory_space<vmem>>)
      %run_scoped3A = arith.constant 0 : i32
      "tpu.region"() ({
        %run_scoped3A_304 = tpu.sem_alloc : memref<!tpu.dma_semaphore, #tpu.memory_space<semaphore_mem>>
        %dma_start3A = arith.constant 0 : i32
        %dma_start3A_305 = arith.constant 0 : i32
        %dma_start3A_306 = tpu.memref_slice %arg8[%dma_start3A, %dma_start3A_305] : memref<256x128xf32, #tpu.memory_space<vmem>> -> memref<128x128xf32, #tpu.memory_space<vmem>>
        %dma_start3A_307 = arith.constant 0 : i32
        %dma_start3A_308 = tpu.memref_slice %arg10[%run_scoped3A, %dma_start3A_307] : memref<2x128xi32, #tpu.memory_space<vmem>> -> memref<1x128xi32, #tpu.memory_space<vmem>>
        %dma_start3A_309 = tpu.memref_squeeze %dma_start3A_308 : memref<1x128xi32, #tpu.memory_space<vmem>> -> memref<128xi32, #tpu.memory_space<vmem>>
        %dma_start3A_310 = arith.constant 0 : i32
        %dma_start3A_311 = arith.constant 0 : i32
        %dma_start3A_312 = tpu.memref_slice %arg12[%dma_start3A_310, %dma_start3A_311] : memref<1024x128xf32, #tpu.memory_space<vmem_shared>> -> memref<1024x128xf32, #tpu.memory_space<vmem_shared>>
        tpu.enqueue_indirect_dma source(%dma_start3A_306 : memref<128x128xf32, #tpu.memory_space<vmem>>) target(%dma_start3A_312 : memref<1024x128xf32, #tpu.memory_space<vmem_shared>>) offsets(%dma_start3A_309 : memref<128xi32, #tpu.memory_space<vmem>>) semaphore(%run_scoped3A_304 : memref<!tpu.dma_semaphore, #tpu.memory_space<semaphore_mem>>) {add = true}
        %dma_wait3A_313 = arith.constant 0 : i32
        %dma_wait3A_314 = arith.constant 0 : i32
        %dma_wait3A_315 = tpu.memref_slice %arg8[%dma_wait3A_313, %dma_wait3A_314] : memref<256x128xf32, #tpu.memory_space<vmem>> -> memref<128x128xf32, #tpu.memory_space<vmem>>
        %dma_wait3A_316 = arith.constant 0 : i32
        %dma_wait3A_317 = tpu.memref_slice %arg10[%run_scoped3A, %dma_wait3A_316] : memref<2x128xi32, #tpu.memory_space<vmem>> -> memref<1x128xi32, #tpu.memory_space<vmem>>
        %dma_wait3A_318 = tpu.memref_squeeze %dma_wait3A_317 : memref<1x128xi32, #tpu.memory_space<vmem>> -> memref<128xi32, #tpu.memory_space<vmem>>
        %dma_wait3A_319 = arith.constant 0 : i32
        %dma_wait3A_320 = arith.constant 0 : i32
        %dma_wait3A_321 = tpu.memref_slice %arg12[%dma_wait3A_319, %dma_wait3A_320] : memref<1024x128xf32, #tpu.memory_space<vmem_shared>> -> memref<1024x128xf32, #tpu.memory_space<vmem_shared>>
        tpu.wait_indirect_dma semaphore(%run_scoped3A_304 : memref<!tpu.dma_semaphore, #tpu.memory_space<semaphore_mem>>) src(%dma_wait3A_315 : memref<128x128xf32, #tpu.memory_space<vmem>>) dst(%dma_wait3A_321 : memref<1024x128xf32, #tpu.memory_space<vmem_shared>>)
        tpu.yield
      }) : () -> ()
      %run_scoped3A_303 = arith.constant 1 : i32
      "tpu.region"() ({
        %run_scoped3A_304 = tpu.sem_alloc : memref<!tpu.dma_semaphore, #tpu.memory_space<semaphore_mem>>
        %dma_start3A = arith.constant 128 : i32
        %dma_start3A_305 = arith.constant 0 : i32
        %dma_start3A_306 = tpu.memref_slice %arg8[%dma_start3A, %dma_start3A_305] : memref<256x128xf32, #tpu.memory_space<vmem>> -> memref<128x128xf32, #tpu.memory_space<vmem>>
        %dma_start3A_307 = arith.constant 0 : i32
        %dma_start3A_308 = tpu.memref_slice %arg10[%run_scoped3A_303, %dma_start3A_307] : memref<2x128xi32, #tpu.memory_space<vmem>> -> memref<1x128xi32, #tpu.memory_space<vmem>>
        %dma_start3A_309 = tpu.memref_squeeze %dma_start3A_308 : memref<1x128xi32, #tpu.memory_space<vmem>> -> memref<128xi32, #tpu.memory_space<vmem>>
        %dma_start3A_310 = arith.constant 0 : i32
        %dma_start3A_311 = arith.constant 0 : i32
        %dma_start3A_312 = tpu.memref_slice %arg12[%dma_start3A_310, %dma_start3A_311] : memref<1024x128xf32, #tpu.memory_space<vmem_shared>> -> memref<1024x128xf32, #tpu.memory_space<vmem_shared>>
        tpu.enqueue_indirect_dma source(%dma_start3A_306 : memref<128x128xf32, #tpu.memory_space<vmem>>) target(%dma_start3A_312 : memref<1024x128xf32, #tpu.memory_space<vmem_shared>>) offsets(%dma_start3A_309 : memref<128xi32, #tpu.memory_space<vmem>>) semaphore(%run_scoped3A_304 : memref<!tpu.dma_semaphore, #tpu.memory_space<semaphore_mem>>) {add = true}
        %dma_wait3A_313 = arith.constant 128 : i32
        %dma_wait3A_314 = arith.constant 0 : i32
        %dma_wait3A_315 = tpu.memref_slice %arg8[%dma_wait3A_313, %dma_wait3A_314] : memref<256x128xf32, #tpu.memory_space<vmem>> -> memref<128x128xf32, #tpu.memory_space<vmem>>
        %dma_wait3A_316 = arith.constant 0 : i32
        %dma_wait3A_317 = tpu.memref_slice %arg10[%run_scoped3A_303, %dma_wait3A_316] : memref<2x128xi32, #tpu.memory_space<vmem>> -> memref<1x128xi32, #tpu.memory_space<vmem>>
        %dma_wait3A_318 = tpu.memref_squeeze %dma_wait3A_317 : memref<1x128xi32, #tpu.memory_space<vmem>> -> memref<128xi32, #tpu.memory_space<vmem>>
        %dma_wait3A_319 = arith.constant 0 : i32
        %dma_wait3A_320 = arith.constant 0 : i32
        %dma_wait3A_321 = tpu.memref_slice %arg12[%dma_wait3A_319, %dma_wait3A_320] : memref<1024x128xf32, #tpu.memory_space<vmem_shared>> -> memref<1024x128xf32, #tpu.memory_space<vmem_shared>>
        tpu.wait_indirect_dma semaphore(%run_scoped3A_304 : memref<!tpu.dma_semaphore, #tpu.memory_space<semaphore_mem>>) src(%dma_wait3A_315 : memref<128x128xf32, #tpu.memory_space<vmem>>) dst(%dma_wait3A_321 : memref<1024x128xf32, #tpu.memory_space<vmem_shared>>)
        tpu.yield
      }) : () -> ()
    } else {
    }
    %add3A_143 = arith.constant 224 : i32
    %add3A_144 = arith.addi %add3A, %add3A_143 : i32
    %mul3A_145 = arith.constant 256 : i32
    %mul3A_146 = arith.muli %add3A_144, %mul3A_145 : i32
    %mul3A_147 = arith.constant 2 : i32
    %mul3A_148 = arith.muli %add3A_144, %mul3A_147 : i32
    %lt3A_149 = arith.constant 390 : i32
    %lt3A_150 = arith.cmpi slt, %add3A_144, %lt3A_149 : i32
    %convert_element_type3A_151 = arith.extui %lt3A_150 : i1 to i32
    %cond3A_152 = arith.constant 0 : i32
    %cond3A_153 = arith.cmpi ne, %convert_element_type3A_151, %cond3A_152 : i32
    scf.if %cond3A_153 {
      %dma_start3A = arith.constant 0 : i32
      %dma_start3A_296 = tpu.memref_slice %arg2[%mul3A_146, %dma_start3A] : memref<100000x128xf32, #tpu.memory_space<hbm>> -> memref<256x128xf32, #tpu.memory_space<hbm>>
      %dma_start3A_297 = arith.constant 0 : i32
      %dma_start3A_298 = tpu.memref_slice %arg2[%mul3A_146, %dma_start3A_297] : memref<100000x128xf32, #tpu.memory_space<hbm>> -> memref<256x128xf32, #tpu.memory_space<hbm>>
      tpu.enqueue_dma source(%dma_start3A_298 : memref<256x128xf32, #tpu.memory_space<hbm>>) target(%arg8 : memref<256x128xf32, #tpu.memory_space<vmem>>) target_semaphore(%arg14 : memref<!tpu.dma_semaphore, #tpu.memory_space<semaphore_mem>>)
      %dma_start3A_299 = arith.constant 0 : i32
      %dma_start3A_300 = tpu.memref_slice %arg3[%mul3A_148, %dma_start3A_299] : memref<782x128xi32, #tpu.memory_space<hbm>> -> memref<2x128xi32, #tpu.memory_space<hbm>>
      %dma_start3A_301 = arith.constant 0 : i32
      %dma_start3A_302 = tpu.memref_slice %arg3[%mul3A_148, %dma_start3A_301] : memref<782x128xi32, #tpu.memory_space<hbm>> -> memref<2x128xi32, #tpu.memory_space<hbm>>
      tpu.enqueue_dma source(%dma_start3A_302 : memref<2x128xi32, #tpu.memory_space<hbm>>) target(%arg10 : memref<2x128xi32, #tpu.memory_space<vmem>>) target_semaphore(%arg14 : memref<!tpu.dma_semaphore, #tpu.memory_space<semaphore_mem>>)
    } else {
    }
    %add3A_154 = arith.constant 192 : i32
    %add3A_155 = arith.addi %add3A, %add3A_154 : i32
    %mul3A_156 = arith.constant 256 : i32
    %mul3A_157 = arith.muli %add3A_155, %mul3A_156 : i32
    %mul3A_158 = arith.constant 2 : i32
    %mul3A_159 = arith.muli %add3A_155, %mul3A_158 : i32
    %lt3A_160 = arith.constant 390 : i32
    %lt3A_161 = arith.cmpi slt, %add3A_155, %lt3A_160 : i32
    %convert_element_type3A_162 = arith.extui %lt3A_161 : i1 to i32
    %cond3A_163 = arith.constant 0 : i32
    %cond3A_164 = arith.cmpi ne, %convert_element_type3A_162, %cond3A_163 : i32
    scf.if %cond3A_164 {
      %dma_wait3A = arith.constant 0 : i32
      %dma_wait3A_296 = tpu.memref_slice %arg2[%mul3A_157, %dma_wait3A] : memref<100000x128xf32, #tpu.memory_space<hbm>> -> memref<256x128xf32, #tpu.memory_space<hbm>>
      %dma_wait3A_297 = arith.constant 0 : i32
      %dma_wait3A_298 = tpu.memref_slice %arg2[%mul3A_157, %dma_wait3A_297] : memref<100000x128xf32, #tpu.memory_space<hbm>> -> memref<256x128xf32, #tpu.memory_space<hbm>>
      tpu.wait_dma2 semaphore(%arg13 : memref<!tpu.dma_semaphore, #tpu.memory_space<semaphore_mem>>) src(%dma_wait3A_298 : memref<256x128xf32, #tpu.memory_space<hbm>>) dst(%arg7 : memref<256x128xf32, #tpu.memory_space<vmem>>)
      %dma_wait3A_299 = arith.constant 0 : i32
      %dma_wait3A_300 = tpu.memref_slice %arg3[%mul3A_159, %dma_wait3A_299] : memref<782x128xi32, #tpu.memory_space<hbm>> -> memref<2x128xi32, #tpu.memory_space<hbm>>
      %dma_wait3A_301 = arith.constant 0 : i32
      %dma_wait3A_302 = tpu.memref_slice %arg3[%mul3A_159, %dma_wait3A_301] : memref<782x128xi32, #tpu.memory_space<hbm>> -> memref<2x128xi32, #tpu.memory_space<hbm>>
      tpu.wait_dma2 semaphore(%arg13 : memref<!tpu.dma_semaphore, #tpu.memory_space<semaphore_mem>>) src(%dma_wait3A_302 : memref<2x128xi32, #tpu.memory_space<hbm>>) dst(%arg9 : memref<2x128xi32, #tpu.memory_space<vmem>>)
      %run_scoped3A = arith.constant 0 : i32
      "tpu.region"() ({
        %run_scoped3A_304 = tpu.sem_alloc : memref<!tpu.dma_semaphore, #tpu.memory_space<semaphore_mem>>
        %dma_start3A = arith.constant 0 : i32
        %dma_start3A_305 = arith.constant 0 : i32
        %dma_start3A_306 = tpu.memref_slice %arg7[%dma_start3A, %dma_start3A_305] : memref<256x128xf32, #tpu.memory_space<vmem>> -> memref<128x128xf32, #tpu.memory_space<vmem>>
        %dma_start3A_307 = arith.constant 0 : i32
        %dma_start3A_308 = tpu.memref_slice %arg9[%run_scoped3A, %dma_start3A_307] : memref<2x128xi32, #tpu.memory_space<vmem>> -> memref<1x128xi32, #tpu.memory_space<vmem>>
        %dma_start3A_309 = tpu.memref_squeeze %dma_start3A_308 : memref<1x128xi32, #tpu.memory_space<vmem>> -> memref<128xi32, #tpu.memory_space<vmem>>
        %dma_start3A_310 = arith.constant 0 : i32
        %dma_start3A_311 = arith.constant 0 : i32
        %dma_start3A_312 = tpu.memref_slice %arg12[%dma_start3A_310, %dma_start3A_311] : memref<1024x128xf32, #tpu.memory_space<vmem_shared>> -> memref<1024x128xf32, #tpu.memory_space<vmem_shared>>
        tpu.enqueue_indirect_dma source(%dma_start3A_306 : memref<128x128xf32, #tpu.memory_space<vmem>>) target(%dma_start3A_312 : memref<1024x128xf32, #tpu.memory_space<vmem_shared>>) offsets(%dma_start3A_309 : memref<128xi32, #tpu.memory_space<vmem>>) semaphore(%run_scoped3A_304 : memref<!tpu.dma_semaphore, #tpu.memory_space<semaphore_mem>>) {add = true}
        %dma_wait3A_313 = arith.constant 0 : i32
        %dma_wait3A_314 = arith.constant 0 : i32
        %dma_wait3A_315 = tpu.memref_slice %arg7[%dma_wait3A_313, %dma_wait3A_314] : memref<256x128xf32, #tpu.memory_space<vmem>> -> memref<128x128xf32, #tpu.memory_space<vmem>>
        %dma_wait3A_316 = arith.constant 0 : i32
        %dma_wait3A_317 = tpu.memref_slice %arg9[%run_scoped3A, %dma_wait3A_316] : memref<2x128xi32, #tpu.memory_space<vmem>> -> memref<1x128xi32, #tpu.memory_space<vmem>>
        %dma_wait3A_318 = tpu.memref_squeeze %dma_wait3A_317 : memref<1x128xi32, #tpu.memory_space<vmem>> -> memref<128xi32, #tpu.memory_space<vmem>>
        %dma_wait3A_319 = arith.constant 0 : i32
        %dma_wait3A_320 = arith.constant 0 : i32
        %dma_wait3A_321 = tpu.memref_slice %arg12[%dma_wait3A_319, %dma_wait3A_320] : memref<1024x128xf32, #tpu.memory_space<vmem_shared>> -> memref<1024x128xf32, #tpu.memory_space<vmem_shared>>
        tpu.wait_indirect_dma semaphore(%run_scoped3A_304 : memref<!tpu.dma_semaphore, #tpu.memory_space<semaphore_mem>>) src(%dma_wait3A_315 : memref<128x128xf32, #tpu.memory_space<vmem>>) dst(%dma_wait3A_321 : memref<1024x128xf32, #tpu.memory_space<vmem_shared>>)
        tpu.yield
      }) : () -> ()
      %run_scoped3A_303 = arith.constant 1 : i32
      "tpu.region"() ({
        %run_scoped3A_304 = tpu.sem_alloc : memref<!tpu.dma_semaphore, #tpu.memory_space<semaphore_mem>>
        %dma_start3A = arith.constant 128 : i32
        %dma_start3A_305 = arith.constant 0 : i32
        %dma_start3A_306 = tpu.memref_slice %arg7[%dma_start3A, %dma_start3A_305] : memref<256x128xf32, #tpu.memory_space<vmem>> -> memref<128x128xf32, #tpu.memory_space<vmem>>
        %dma_start3A_307 = arith.constant 0 : i32
        %dma_start3A_308 = tpu.memref_slice %arg9[%run_scoped3A_303, %dma_start3A_307] : memref<2x128xi32, #tpu.memory_space<vmem>> -> memref<1x128xi32, #tpu.memory_space<vmem>>
        %dma_start3A_309 = tpu.memref_squeeze %dma_start3A_308 : memref<1x128xi32, #tpu.memory_space<vmem>> -> memref<128xi32, #tpu.memory_space<vmem>>
        %dma_start3A_310 = arith.constant 0 : i32
        %dma_start3A_311 = arith.constant 0 : i32
        %dma_start3A_312 = tpu.memref_slice %arg12[%dma_start3A_310, %dma_start3A_311] : memref<1024x128xf32, #tpu.memory_space<vmem_shared>> -> memref<1024x128xf32, #tpu.memory_space<vmem_shared>>
        tpu.enqueue_indirect_dma source(%dma_start3A_306 : memref<128x128xf32, #tpu.memory_space<vmem>>) target(%dma_start3A_312 : memref<1024x128xf32, #tpu.memory_space<vmem_shared>>) offsets(%dma_start3A_309 : memref<128xi32, #tpu.memory_space<vmem>>) semaphore(%run_scoped3A_304 : memref<!tpu.dma_semaphore, #tpu.memory_space<semaphore_mem>>) {add = true}
        %dma_wait3A_313 = arith.constant 128 : i32
        %dma_wait3A_314 = arith.constant 0 : i32
        %dma_wait3A_315 = tpu.memref_slice %arg7[%dma_wait3A_313, %dma_wait3A_314] : memref<256x128xf32, #tpu.memory_space<vmem>> -> memref<128x128xf32, #tpu.memory_space<vmem>>
        %dma_wait3A_316 = arith.constant 0 : i32
        %dma_wait3A_317 = tpu.memref_slice %arg9[%run_scoped3A_303, %dma_wait3A_316] : memref<2x128xi32, #tpu.memory_space<vmem>> -> memref<1x128xi32, #tpu.memory_space<vmem>>
        %dma_wait3A_318 = tpu.memref_squeeze %dma_wait3A_317 : memref<1x128xi32, #tpu.memory_space<vmem>> -> memref<128xi32, #tpu.memory_space<vmem>>
        %dma_wait3A_319 = arith.constant 0 : i32
        %dma_wait3A_320 = arith.constant 0 : i32
        %dma_wait3A_321 = tpu.memref_slice %arg12[%dma_wait3A_319, %dma_wait3A_320] : memref<1024x128xf32, #tpu.memory_space<vmem_shared>> -> memref<1024x128xf32, #tpu.memory_space<vmem_shared>>
        tpu.wait_indirect_dma semaphore(%run_scoped3A_304 : memref<!tpu.dma_semaphore, #tpu.memory_space<semaphore_mem>>) src(%dma_wait3A_315 : memref<128x128xf32, #tpu.memory_space<vmem>>) dst(%dma_wait3A_321 : memref<1024x128xf32, #tpu.memory_space<vmem_shared>>)
        tpu.yield
      }) : () -> ()
    } else {
    }
    %add3A_165 = arith.constant 256 : i32
    %add3A_166 = arith.addi %add3A, %add3A_165 : i32
    %mul3A_167 = arith.constant 256 : i32
    %mul3A_168 = arith.muli %add3A_166, %mul3A_167 : i32
    %mul3A_169 = arith.constant 2 : i32
    %mul3A_170 = arith.muli %add3A_166, %mul3A_169 : i32
    %lt3A_171 = arith.constant 390 : i32
    %lt3A_172 = arith.cmpi slt, %add3A_166, %lt3A_171 : i32
    %convert_element_type3A_173 = arith.extui %lt3A_172 : i1 to i32
    %cond3A_174 = arith.constant 0 : i32
    %cond3A_175 = arith.cmpi ne, %convert_element_type3A_173, %cond3A_174 : i32
    scf.if %cond3A_175 {
      %dma_start3A = arith.constant 0 : i32
      %dma_start3A_296 = tpu.memref_slice %arg2[%mul3A_168, %dma_start3A] : memref<100000x128xf32, #tpu.memory_space<hbm>> -> memref<256x128xf32, #tpu.memory_space<hbm>>
      %dma_start3A_297 = arith.constant 0 : i32
      %dma_start3A_298 = tpu.memref_slice %arg2[%mul3A_168, %dma_start3A_297] : memref<100000x128xf32, #tpu.memory_space<hbm>> -> memref<256x128xf32, #tpu.memory_space<hbm>>
      tpu.enqueue_dma source(%dma_start3A_298 : memref<256x128xf32, #tpu.memory_space<hbm>>) target(%arg7 : memref<256x128xf32, #tpu.memory_space<vmem>>) target_semaphore(%arg13 : memref<!tpu.dma_semaphore, #tpu.memory_space<semaphore_mem>>)
      %dma_start3A_299 = arith.constant 0 : i32
      %dma_start3A_300 = tpu.memref_slice %arg3[%mul3A_170, %dma_start3A_299] : memref<782x128xi32, #tpu.memory_space<hbm>> -> memref<2x128xi32, #tpu.memory_space<hbm>>
      %dma_start3A_301 = arith.constant 0 : i32
      %dma_start3A_302 = tpu.memref_slice %arg3[%mul3A_170, %dma_start3A_301] : memref<782x128xi32, #tpu.memory_space<hbm>> -> memref<2x128xi32, #tpu.memory_space<hbm>>
      tpu.enqueue_dma source(%dma_start3A_302 : memref<2x128xi32, #tpu.memory_space<hbm>>) target(%arg9 : memref<2x128xi32, #tpu.memory_space<vmem>>) target_semaphore(%arg13 : memref<!tpu.dma_semaphore, #tpu.memory_space<semaphore_mem>>)
    } else {
    }
    %add3A_176 = arith.constant 224 : i32
    %add3A_177 = arith.addi %add3A, %add3A_176 : i32
    %mul3A_178 = arith.constant 256 : i32
    %mul3A_179 = arith.muli %add3A_177, %mul3A_178 : i32
    %mul3A_180 = arith.constant 2 : i32
    %mul3A_181 = arith.muli %add3A_177, %mul3A_180 : i32
    %lt3A_182 = arith.constant 390 : i32
    %lt3A_183 = arith.cmpi slt, %add3A_177, %lt3A_182 : i32
    %convert_element_type3A_184 = arith.extui %lt3A_183 : i1 to i32
    %cond3A_185 = arith.constant 0 : i32
    %cond3A_186 = arith.cmpi ne, %convert_element_type3A_184, %cond3A_185 : i32
    scf.if %cond3A_186 {
      %dma_wait3A = arith.constant 0 : i32
      %dma_wait3A_296 = tpu.memref_slice %arg2[%mul3A_179, %dma_wait3A] : memref<100000x128xf32, #tpu.memory_space<hbm>> -> memref<256x128xf32, #tpu.memory_space<hbm>>
      %dma_wait3A_297 = arith.constant 0 : i32
      %dma_wait3A_298 = tpu.memref_slice %arg2[%mul3A_179, %dma_wait3A_297] : memref<100000x128xf32, #tpu.memory_space<hbm>> -> memref<256x128xf32, #tpu.memory_space<hbm>>
      tpu.wait_dma2 semaphore(%arg14 : memref<!tpu.dma_semaphore, #tpu.memory_space<semaphore_mem>>) src(%dma_wait3A_298 : memref<256x128xf32, #tpu.memory_space<hbm>>) dst(%arg8 : memref<256x128xf32, #tpu.memory_space<vmem>>)
      %dma_wait3A_299 = arith.constant 0 : i32
      %dma_wait3A_300 = tpu.memref_slice %arg3[%mul3A_181, %dma_wait3A_299] : memref<782x128xi32, #tpu.memory_space<hbm>> -> memref<2x128xi32, #tpu.memory_space<hbm>>
      %dma_wait3A_301 = arith.constant 0 : i32
      %dma_wait3A_302 = tpu.memref_slice %arg3[%mul3A_181, %dma_wait3A_301] : memref<782x128xi32, #tpu.memory_space<hbm>> -> memref<2x128xi32, #tpu.memory_space<hbm>>
      tpu.wait_dma2 semaphore(%arg14 : memref<!tpu.dma_semaphore, #tpu.memory_space<semaphore_mem>>) src(%dma_wait3A_302 : memref<2x128xi32, #tpu.memory_space<hbm>>) dst(%arg10 : memref<2x128xi32, #tpu.memory_space<vmem>>)
      %run_scoped3A = arith.constant 0 : i32
      "tpu.region"() ({
        %run_scoped3A_304 = tpu.sem_alloc : memref<!tpu.dma_semaphore, #tpu.memory_space<semaphore_mem>>
        %dma_start3A = arith.constant 0 : i32
        %dma_start3A_305 = arith.constant 0 : i32
        %dma_start3A_306 = tpu.memref_slice %arg8[%dma_start3A, %dma_start3A_305] : memref<256x128xf32, #tpu.memory_space<vmem>> -> memref<128x128xf32, #tpu.memory_space<vmem>>
        %dma_start3A_307 = arith.constant 0 : i32
        %dma_start3A_308 = tpu.memref_slice %arg10[%run_scoped3A, %dma_start3A_307] : memref<2x128xi32, #tpu.memory_space<vmem>> -> memref<1x128xi32, #tpu.memory_space<vmem>>
        %dma_start3A_309 = tpu.memref_squeeze %dma_start3A_308 : memref<1x128xi32, #tpu.memory_space<vmem>> -> memref<128xi32, #tpu.memory_space<vmem>>
        %dma_start3A_310 = arith.constant 0 : i32
        %dma_start3A_311 = arith.constant 0 : i32
        %dma_start3A_312 = tpu.memref_slice %arg12[%dma_start3A_310, %dma_start3A_311] : memref<1024x128xf32, #tpu.memory_space<vmem_shared>> -> memref<1024x128xf32, #tpu.memory_space<vmem_shared>>
        tpu.enqueue_indirect_dma source(%dma_start3A_306 : memref<128x128xf32, #tpu.memory_space<vmem>>) target(%dma_start3A_312 : memref<1024x128xf32, #tpu.memory_space<vmem_shared>>) offsets(%dma_start3A_309 : memref<128xi32, #tpu.memory_space<vmem>>) semaphore(%run_scoped3A_304 : memref<!tpu.dma_semaphore, #tpu.memory_space<semaphore_mem>>) {add = true}
        %dma_wait3A_313 = arith.constant 0 : i32
        %dma_wait3A_314 = arith.constant 0 : i32
        %dma_wait3A_315 = tpu.memref_slice %arg8[%dma_wait3A_313, %dma_wait3A_314] : memref<256x128xf32, #tpu.memory_space<vmem>> -> memref<128x128xf32, #tpu.memory_space<vmem>>
        %dma_wait3A_316 = arith.constant 0 : i32
        %dma_wait3A_317 = tpu.memref_slice %arg10[%run_scoped3A, %dma_wait3A_316] : memref<2x128xi32, #tpu.memory_space<vmem>> -> memref<1x128xi32, #tpu.memory_space<vmem>>
        %dma_wait3A_318 = tpu.memref_squeeze %dma_wait3A_317 : memref<1x128xi32, #tpu.memory_space<vmem>> -> memref<128xi32, #tpu.memory_space<vmem>>
        %dma_wait3A_319 = arith.constant 0 : i32
        %dma_wait3A_320 = arith.constant 0 : i32
        %dma_wait3A_321 = tpu.memref_slice %arg12[%dma_wait3A_319, %dma_wait3A_320] : memref<1024x128xf32, #tpu.memory_space<vmem_shared>> -> memref<1024x128xf32, #tpu.memory_space<vmem_shared>>
        tpu.wait_indirect_dma semaphore(%run_scoped3A_304 : memref<!tpu.dma_semaphore, #tpu.memory_space<semaphore_mem>>) src(%dma_wait3A_315 : memref<128x128xf32, #tpu.memory_space<vmem>>) dst(%dma_wait3A_321 : memref<1024x128xf32, #tpu.memory_space<vmem_shared>>)
        tpu.yield
      }) : () -> ()
      %run_scoped3A_303 = arith.constant 1 : i32
      "tpu.region"() ({
        %run_scoped3A_304 = tpu.sem_alloc : memref<!tpu.dma_semaphore, #tpu.memory_space<semaphore_mem>>
        %dma_start3A = arith.constant 128 : i32
        %dma_start3A_305 = arith.constant 0 : i32
        %dma_start3A_306 = tpu.memref_slice %arg8[%dma_start3A, %dma_start3A_305] : memref<256x128xf32, #tpu.memory_space<vmem>> -> memref<128x128xf32, #tpu.memory_space<vmem>>
        %dma_start3A_307 = arith.constant 0 : i32
        %dma_start3A_308 = tpu.memref_slice %arg10[%run_scoped3A_303, %dma_start3A_307] : memref<2x128xi32, #tpu.memory_space<vmem>> -> memref<1x128xi32, #tpu.memory_space<vmem>>
        %dma_start3A_309 = tpu.memref_squeeze %dma_start3A_308 : memref<1x128xi32, #tpu.memory_space<vmem>> -> memref<128xi32, #tpu.memory_space<vmem>>
        %dma_start3A_310 = arith.constant 0 : i32
        %dma_start3A_311 = arith.constant 0 : i32
        %dma_start3A_312 = tpu.memref_slice %arg12[%dma_start3A_310, %dma_start3A_311] : memref<1024x128xf32, #tpu.memory_space<vmem_shared>> -> memref<1024x128xf32, #tpu.memory_space<vmem_shared>>
        tpu.enqueue_indirect_dma source(%dma_start3A_306 : memref<128x128xf32, #tpu.memory_space<vmem>>) target(%dma_start3A_312 : memref<1024x128xf32, #tpu.memory_space<vmem_shared>>) offsets(%dma_start3A_309 : memref<128xi32, #tpu.memory_space<vmem>>) semaphore(%run_scoped3A_304 : memref<!tpu.dma_semaphore, #tpu.memory_space<semaphore_mem>>) {add = true}
        %dma_wait3A_313 = arith.constant 128 : i32
        %dma_wait3A_314 = arith.constant 0 : i32
        %dma_wait3A_315 = tpu.memref_slice %arg8[%dma_wait3A_313, %dma_wait3A_314] : memref<256x128xf32, #tpu.memory_space<vmem>> -> memref<128x128xf32, #tpu.memory_space<vmem>>
        %dma_wait3A_316 = arith.constant 0 : i32
        %dma_wait3A_317 = tpu.memref_slice %arg10[%run_scoped3A_303, %dma_wait3A_316] : memref<2x128xi32, #tpu.memory_space<vmem>> -> memref<1x128xi32, #tpu.memory_space<vmem>>
        %dma_wait3A_318 = tpu.memref_squeeze %dma_wait3A_317 : memref<1x128xi32, #tpu.memory_space<vmem>> -> memref<128xi32, #tpu.memory_space<vmem>>
        %dma_wait3A_319 = arith.constant 0 : i32
        %dma_wait3A_320 = arith.constant 0 : i32
        %dma_wait3A_321 = tpu.memref_slice %arg12[%dma_wait3A_319, %dma_wait3A_320] : memref<1024x128xf32, #tpu.memory_space<vmem_shared>> -> memref<1024x128xf32, #tpu.memory_space<vmem_shared>>
        tpu.wait_indirect_dma semaphore(%run_scoped3A_304 : memref<!tpu.dma_semaphore, #tpu.memory_space<semaphore_mem>>) src(%dma_wait3A_315 : memref<128x128xf32, #tpu.memory_space<vmem>>) dst(%dma_wait3A_321 : memref<1024x128xf32, #tpu.memory_space<vmem_shared>>)
        tpu.yield
      }) : () -> ()
    } else {
    }
    %add3A_187 = arith.constant 288 : i32
    %add3A_188 = arith.addi %add3A, %add3A_187 : i32
    %mul3A_189 = arith.constant 256 : i32
    %mul3A_190 = arith.muli %add3A_188, %mul3A_189 : i32
    %mul3A_191 = arith.constant 2 : i32
    %mul3A_192 = arith.muli %add3A_188, %mul3A_191 : i32
    %lt3A_193 = arith.constant 390 : i32
    %lt3A_194 = arith.cmpi slt, %add3A_188, %lt3A_193 : i32
    %convert_element_type3A_195 = arith.extui %lt3A_194 : i1 to i32
    %cond3A_196 = arith.constant 0 : i32
    %cond3A_197 = arith.cmpi ne, %convert_element_type3A_195, %cond3A_196 : i32
    scf.if %cond3A_197 {
      %dma_start3A = arith.constant 0 : i32
      %dma_start3A_296 = tpu.memref_slice %arg2[%mul3A_190, %dma_start3A] : memref<100000x128xf32, #tpu.memory_space<hbm>> -> memref<256x128xf32, #tpu.memory_space<hbm>>
      %dma_start3A_297 = arith.constant 0 : i32
      %dma_start3A_298 = tpu.memref_slice %arg2[%mul3A_190, %dma_start3A_297] : memref<100000x128xf32, #tpu.memory_space<hbm>> -> memref<256x128xf32, #tpu.memory_space<hbm>>
      tpu.enqueue_dma source(%dma_start3A_298 : memref<256x128xf32, #tpu.memory_space<hbm>>) target(%arg8 : memref<256x128xf32, #tpu.memory_space<vmem>>) target_semaphore(%arg14 : memref<!tpu.dma_semaphore, #tpu.memory_space<semaphore_mem>>)
      %dma_start3A_299 = arith.constant 0 : i32
      %dma_start3A_300 = tpu.memref_slice %arg3[%mul3A_192, %dma_start3A_299] : memref<782x128xi32, #tpu.memory_space<hbm>> -> memref<2x128xi32, #tpu.memory_space<hbm>>
      %dma_start3A_301 = arith.constant 0 : i32
      %dma_start3A_302 = tpu.memref_slice %arg3[%mul3A_192, %dma_start3A_301] : memref<782x128xi32, #tpu.memory_space<hbm>> -> memref<2x128xi32, #tpu.memory_space<hbm>>
      tpu.enqueue_dma source(%dma_start3A_302 : memref<2x128xi32, #tpu.memory_space<hbm>>) target(%arg10 : memref<2x128xi32, #tpu.memory_space<vmem>>) target_semaphore(%arg14 : memref<!tpu.dma_semaphore, #tpu.memory_space<semaphore_mem>>)
    } else {
    }
    %add3A_198 = arith.constant 256 : i32
    %add3A_199 = arith.addi %add3A, %add3A_198 : i32
    %mul3A_200 = arith.constant 256 : i32
    %mul3A_201 = arith.muli %add3A_199, %mul3A_200 : i32
    %mul3A_202 = arith.constant 2 : i32
    %mul3A_203 = arith.muli %add3A_199, %mul3A_202 : i32
    %lt3A_204 = arith.constant 390 : i32
    %lt3A_205 = arith.cmpi slt, %add3A_199, %lt3A_204 : i32
    %convert_element_type3A_206 = arith.extui %lt3A_205 : i1 to i32
    %cond3A_207 = arith.constant 0 : i32
    %cond3A_208 = arith.cmpi ne, %convert_element_type3A_206, %cond3A_207 : i32
    scf.if %cond3A_208 {
      %dma_wait3A = arith.constant 0 : i32
      %dma_wait3A_296 = tpu.memref_slice %arg2[%mul3A_201, %dma_wait3A] : memref<100000x128xf32, #tpu.memory_space<hbm>> -> memref<256x128xf32, #tpu.memory_space<hbm>>
      %dma_wait3A_297 = arith.constant 0 : i32
      %dma_wait3A_298 = tpu.memref_slice %arg2[%mul3A_201, %dma_wait3A_297] : memref<100000x128xf32, #tpu.memory_space<hbm>> -> memref<256x128xf32, #tpu.memory_space<hbm>>
      tpu.wait_dma2 semaphore(%arg13 : memref<!tpu.dma_semaphore, #tpu.memory_space<semaphore_mem>>) src(%dma_wait3A_298 : memref<256x128xf32, #tpu.memory_space<hbm>>) dst(%arg7 : memref<256x128xf32, #tpu.memory_space<vmem>>)
      %dma_wait3A_299 = arith.constant 0 : i32
      %dma_wait3A_300 = tpu.memref_slice %arg3[%mul3A_203, %dma_wait3A_299] : memref<782x128xi32, #tpu.memory_space<hbm>> -> memref<2x128xi32, #tpu.memory_space<hbm>>
      %dma_wait3A_301 = arith.constant 0 : i32
      %dma_wait3A_302 = tpu.memref_slice %arg3[%mul3A_203, %dma_wait3A_301] : memref<782x128xi32, #tpu.memory_space<hbm>> -> memref<2x128xi32, #tpu.memory_space<hbm>>
      tpu.wait_dma2 semaphore(%arg13 : memref<!tpu.dma_semaphore, #tpu.memory_space<semaphore_mem>>) src(%dma_wait3A_302 : memref<2x128xi32, #tpu.memory_space<hbm>>) dst(%arg9 : memref<2x128xi32, #tpu.memory_space<vmem>>)
      %run_scoped3A = arith.constant 0 : i32
      "tpu.region"() ({
        %run_scoped3A_304 = tpu.sem_alloc : memref<!tpu.dma_semaphore, #tpu.memory_space<semaphore_mem>>
        %dma_start3A = arith.constant 0 : i32
        %dma_start3A_305 = arith.constant 0 : i32
        %dma_start3A_306 = tpu.memref_slice %arg7[%dma_start3A, %dma_start3A_305] : memref<256x128xf32, #tpu.memory_space<vmem>> -> memref<128x128xf32, #tpu.memory_space<vmem>>
        %dma_start3A_307 = arith.constant 0 : i32
        %dma_start3A_308 = tpu.memref_slice %arg9[%run_scoped3A, %dma_start3A_307] : memref<2x128xi32, #tpu.memory_space<vmem>> -> memref<1x128xi32, #tpu.memory_space<vmem>>
        %dma_start3A_309 = tpu.memref_squeeze %dma_start3A_308 : memref<1x128xi32, #tpu.memory_space<vmem>> -> memref<128xi32, #tpu.memory_space<vmem>>
        %dma_start3A_310 = arith.constant 0 : i32
        %dma_start3A_311 = arith.constant 0 : i32
        %dma_start3A_312 = tpu.memref_slice %arg12[%dma_start3A_310, %dma_start3A_311] : memref<1024x128xf32, #tpu.memory_space<vmem_shared>> -> memref<1024x128xf32, #tpu.memory_space<vmem_shared>>
        tpu.enqueue_indirect_dma source(%dma_start3A_306 : memref<128x128xf32, #tpu.memory_space<vmem>>) target(%dma_start3A_312 : memref<1024x128xf32, #tpu.memory_space<vmem_shared>>) offsets(%dma_start3A_309 : memref<128xi32, #tpu.memory_space<vmem>>) semaphore(%run_scoped3A_304 : memref<!tpu.dma_semaphore, #tpu.memory_space<semaphore_mem>>) {add = true}
        %dma_wait3A_313 = arith.constant 0 : i32
        %dma_wait3A_314 = arith.constant 0 : i32
        %dma_wait3A_315 = tpu.memref_slice %arg7[%dma_wait3A_313, %dma_wait3A_314] : memref<256x128xf32, #tpu.memory_space<vmem>> -> memref<128x128xf32, #tpu.memory_space<vmem>>
        %dma_wait3A_316 = arith.constant 0 : i32
        %dma_wait3A_317 = tpu.memref_slice %arg9[%run_scoped3A, %dma_wait3A_316] : memref<2x128xi32, #tpu.memory_space<vmem>> -> memref<1x128xi32, #tpu.memory_space<vmem>>
        %dma_wait3A_318 = tpu.memref_squeeze %dma_wait3A_317 : memref<1x128xi32, #tpu.memory_space<vmem>> -> memref<128xi32, #tpu.memory_space<vmem>>
        %dma_wait3A_319 = arith.constant 0 : i32
        %dma_wait3A_320 = arith.constant 0 : i32
        %dma_wait3A_321 = tpu.memref_slice %arg12[%dma_wait3A_319, %dma_wait3A_320] : memref<1024x128xf32, #tpu.memory_space<vmem_shared>> -> memref<1024x128xf32, #tpu.memory_space<vmem_shared>>
        tpu.wait_indirect_dma semaphore(%run_scoped3A_304 : memref<!tpu.dma_semaphore, #tpu.memory_space<semaphore_mem>>) src(%dma_wait3A_315 : memref<128x128xf32, #tpu.memory_space<vmem>>) dst(%dma_wait3A_321 : memref<1024x128xf32, #tpu.memory_space<vmem_shared>>)
        tpu.yield
      }) : () -> ()
      %run_scoped3A_303 = arith.constant 1 : i32
      "tpu.region"() ({
        %run_scoped3A_304 = tpu.sem_alloc : memref<!tpu.dma_semaphore, #tpu.memory_space<semaphore_mem>>
        %dma_start3A = arith.constant 128 : i32
        %dma_start3A_305 = arith.constant 0 : i32
        %dma_start3A_306 = tpu.memref_slice %arg7[%dma_start3A, %dma_start3A_305] : memref<256x128xf32, #tpu.memory_space<vmem>> -> memref<128x128xf32, #tpu.memory_space<vmem>>
        %dma_start3A_307 = arith.constant 0 : i32
        %dma_start3A_308 = tpu.memref_slice %arg9[%run_scoped3A_303, %dma_start3A_307] : memref<2x128xi32, #tpu.memory_space<vmem>> -> memref<1x128xi32, #tpu.memory_space<vmem>>
        %dma_start3A_309 = tpu.memref_squeeze %dma_start3A_308 : memref<1x128xi32, #tpu.memory_space<vmem>> -> memref<128xi32, #tpu.memory_space<vmem>>
        %dma_start3A_310 = arith.constant 0 : i32
        %dma_start3A_311 = arith.constant 0 : i32
        %dma_start3A_312 = tpu.memref_slice %arg12[%dma_start3A_310, %dma_start3A_311] : memref<1024x128xf32, #tpu.memory_space<vmem_shared>> -> memref<1024x128xf32, #tpu.memory_space<vmem_shared>>
        tpu.enqueue_indirect_dma source(%dma_start3A_306 : memref<128x128xf32, #tpu.memory_space<vmem>>) target(%dma_start3A_312 : memref<1024x128xf32, #tpu.memory_space<vmem_shared>>) offsets(%dma_start3A_309 : memref<128xi32, #tpu.memory_space<vmem>>) semaphore(%run_scoped3A_304 : memref<!tpu.dma_semaphore, #tpu.memory_space<semaphore_mem>>) {add = true}
        %dma_wait3A_313 = arith.constant 128 : i32
        %dma_wait3A_314 = arith.constant 0 : i32
        %dma_wait3A_315 = tpu.memref_slice %arg7[%dma_wait3A_313, %dma_wait3A_314] : memref<256x128xf32, #tpu.memory_space<vmem>> -> memref<128x128xf32, #tpu.memory_space<vmem>>
        %dma_wait3A_316 = arith.constant 0 : i32
        %dma_wait3A_317 = tpu.memref_slice %arg9[%run_scoped3A_303, %dma_wait3A_316] : memref<2x128xi32, #tpu.memory_space<vmem>> -> memref<1x128xi32, #tpu.memory_space<vmem>>
        %dma_wait3A_318 = tpu.memref_squeeze %dma_wait3A_317 : memref<1x128xi32, #tpu.memory_space<vmem>> -> memref<128xi32, #tpu.memory_space<vmem>>
        %dma_wait3A_319 = arith.constant 0 : i32
        %dma_wait3A_320 = arith.constant 0 : i32
        %dma_wait3A_321 = tpu.memref_slice %arg12[%dma_wait3A_319, %dma_wait3A_320] : memref<1024x128xf32, #tpu.memory_space<vmem_shared>> -> memref<1024x128xf32, #tpu.memory_space<vmem_shared>>
        tpu.wait_indirect_dma semaphore(%run_scoped3A_304 : memref<!tpu.dma_semaphore, #tpu.memory_space<semaphore_mem>>) src(%dma_wait3A_315 : memref<128x128xf32, #tpu.memory_space<vmem>>) dst(%dma_wait3A_321 : memref<1024x128xf32, #tpu.memory_space<vmem_shared>>)
        tpu.yield
      }) : () -> ()
    } else {
    }
    %add3A_209 = arith.constant 320 : i32
    %add3A_210 = arith.addi %add3A, %add3A_209 : i32
    %mul3A_211 = arith.constant 256 : i32
    %mul3A_212 = arith.muli %add3A_210, %mul3A_211 : i32
    %mul3A_213 = arith.constant 2 : i32
    %mul3A_214 = arith.muli %add3A_210, %mul3A_213 : i32
    %lt3A_215 = arith.constant 390 : i32
    %lt3A_216 = arith.cmpi slt, %add3A_210, %lt3A_215 : i32
    %convert_element_type3A_217 = arith.extui %lt3A_216 : i1 to i32
    %cond3A_218 = arith.constant 0 : i32
    %cond3A_219 = arith.cmpi ne, %convert_element_type3A_217, %cond3A_218 : i32
    scf.if %cond3A_219 {
      %dma_start3A = arith.constant 0 : i32
      %dma_start3A_296 = tpu.memref_slice %arg2[%mul3A_212, %dma_start3A] : memref<100000x128xf32, #tpu.memory_space<hbm>> -> memref<256x128xf32, #tpu.memory_space<hbm>>
      %dma_start3A_297 = arith.constant 0 : i32
      %dma_start3A_298 = tpu.memref_slice %arg2[%mul3A_212, %dma_start3A_297] : memref<100000x128xf32, #tpu.memory_space<hbm>> -> memref<256x128xf32, #tpu.memory_space<hbm>>
      tpu.enqueue_dma source(%dma_start3A_298 : memref<256x128xf32, #tpu.memory_space<hbm>>) target(%arg7 : memref<256x128xf32, #tpu.memory_space<vmem>>) target_semaphore(%arg13 : memref<!tpu.dma_semaphore, #tpu.memory_space<semaphore_mem>>)
      %dma_start3A_299 = arith.constant 0 : i32
      %dma_start3A_300 = tpu.memref_slice %arg3[%mul3A_214, %dma_start3A_299] : memref<782x128xi32, #tpu.memory_space<hbm>> -> memref<2x128xi32, #tpu.memory_space<hbm>>
      %dma_start3A_301 = arith.constant 0 : i32
      %dma_start3A_302 = tpu.memref_slice %arg3[%mul3A_214, %dma_start3A_301] : memref<782x128xi32, #tpu.memory_space<hbm>> -> memref<2x128xi32, #tpu.memory_space<hbm>>
      tpu.enqueue_dma source(%dma_start3A_302 : memref<2x128xi32, #tpu.memory_space<hbm>>) target(%arg9 : memref<2x128xi32, #tpu.memory_space<vmem>>) target_semaphore(%arg13 : memref<!tpu.dma_semaphore, #tpu.memory_space<semaphore_mem>>)
    } else {
    }
    %add3A_220 = arith.constant 288 : i32
    %add3A_221 = arith.addi %add3A, %add3A_220 : i32
    %mul3A_222 = arith.constant 256 : i32
    %mul3A_223 = arith.muli %add3A_221, %mul3A_222 : i32
    %mul3A_224 = arith.constant 2 : i32
    %mul3A_225 = arith.muli %add3A_221, %mul3A_224 : i32
    %lt3A_226 = arith.constant 390 : i32
    %lt3A_227 = arith.cmpi slt, %add3A_221, %lt3A_226 : i32
    %convert_element_type3A_228 = arith.extui %lt3A_227 : i1 to i32
    %cond3A_229 = arith.constant 0 : i32
    %cond3A_230 = arith.cmpi ne, %convert_element_type3A_228, %cond3A_229 : i32
    scf.if %cond3A_230 {
      %dma_wait3A = arith.constant 0 : i32
      %dma_wait3A_296 = tpu.memref_slice %arg2[%mul3A_223, %dma_wait3A] : memref<100000x128xf32, #tpu.memory_space<hbm>> -> memref<256x128xf32, #tpu.memory_space<hbm>>
      %dma_wait3A_297 = arith.constant 0 : i32
      %dma_wait3A_298 = tpu.memref_slice %arg2[%mul3A_223, %dma_wait3A_297] : memref<100000x128xf32, #tpu.memory_space<hbm>> -> memref<256x128xf32, #tpu.memory_space<hbm>>
      tpu.wait_dma2 semaphore(%arg14 : memref<!tpu.dma_semaphore, #tpu.memory_space<semaphore_mem>>) src(%dma_wait3A_298 : memref<256x128xf32, #tpu.memory_space<hbm>>) dst(%arg8 : memref<256x128xf32, #tpu.memory_space<vmem>>)
      %dma_wait3A_299 = arith.constant 0 : i32
      %dma_wait3A_300 = tpu.memref_slice %arg3[%mul3A_225, %dma_wait3A_299] : memref<782x128xi32, #tpu.memory_space<hbm>> -> memref<2x128xi32, #tpu.memory_space<hbm>>
      %dma_wait3A_301 = arith.constant 0 : i32
      %dma_wait3A_302 = tpu.memref_slice %arg3[%mul3A_225, %dma_wait3A_301] : memref<782x128xi32, #tpu.memory_space<hbm>> -> memref<2x128xi32, #tpu.memory_space<hbm>>
      tpu.wait_dma2 semaphore(%arg14 : memref<!tpu.dma_semaphore, #tpu.memory_space<semaphore_mem>>) src(%dma_wait3A_302 : memref<2x128xi32, #tpu.memory_space<hbm>>) dst(%arg10 : memref<2x128xi32, #tpu.memory_space<vmem>>)
      %run_scoped3A = arith.constant 0 : i32
      "tpu.region"() ({
        %run_scoped3A_304 = tpu.sem_alloc : memref<!tpu.dma_semaphore, #tpu.memory_space<semaphore_mem>>
        %dma_start3A = arith.constant 0 : i32
        %dma_start3A_305 = arith.constant 0 : i32
        %dma_start3A_306 = tpu.memref_slice %arg8[%dma_start3A, %dma_start3A_305] : memref<256x128xf32, #tpu.memory_space<vmem>> -> memref<128x128xf32, #tpu.memory_space<vmem>>
        %dma_start3A_307 = arith.constant 0 : i32
        %dma_start3A_308 = tpu.memref_slice %arg10[%run_scoped3A, %dma_start3A_307] : memref<2x128xi32, #tpu.memory_space<vmem>> -> memref<1x128xi32, #tpu.memory_space<vmem>>
        %dma_start3A_309 = tpu.memref_squeeze %dma_start3A_308 : memref<1x128xi32, #tpu.memory_space<vmem>> -> memref<128xi32, #tpu.memory_space<vmem>>
        %dma_start3A_310 = arith.constant 0 : i32
        %dma_start3A_311 = arith.constant 0 : i32
        %dma_start3A_312 = tpu.memref_slice %arg12[%dma_start3A_310, %dma_start3A_311] : memref<1024x128xf32, #tpu.memory_space<vmem_shared>> -> memref<1024x128xf32, #tpu.memory_space<vmem_shared>>
        tpu.enqueue_indirect_dma source(%dma_start3A_306 : memref<128x128xf32, #tpu.memory_space<vmem>>) target(%dma_start3A_312 : memref<1024x128xf32, #tpu.memory_space<vmem_shared>>) offsets(%dma_start3A_309 : memref<128xi32, #tpu.memory_space<vmem>>) semaphore(%run_scoped3A_304 : memref<!tpu.dma_semaphore, #tpu.memory_space<semaphore_mem>>) {add = true}
        %dma_wait3A_313 = arith.constant 0 : i32
        %dma_wait3A_314 = arith.constant 0 : i32
        %dma_wait3A_315 = tpu.memref_slice %arg8[%dma_wait3A_313, %dma_wait3A_314] : memref<256x128xf32, #tpu.memory_space<vmem>> -> memref<128x128xf32, #tpu.memory_space<vmem>>
        %dma_wait3A_316 = arith.constant 0 : i32
        %dma_wait3A_317 = tpu.memref_slice %arg10[%run_scoped3A, %dma_wait3A_316] : memref<2x128xi32, #tpu.memory_space<vmem>> -> memref<1x128xi32, #tpu.memory_space<vmem>>
        %dma_wait3A_318 = tpu.memref_squeeze %dma_wait3A_317 : memref<1x128xi32, #tpu.memory_space<vmem>> -> memref<128xi32, #tpu.memory_space<vmem>>
        %dma_wait3A_319 = arith.constant 0 : i32
        %dma_wait3A_320 = arith.constant 0 : i32
        %dma_wait3A_321 = tpu.memref_slice %arg12[%dma_wait3A_319, %dma_wait3A_320] : memref<1024x128xf32, #tpu.memory_space<vmem_shared>> -> memref<1024x128xf32, #tpu.memory_space<vmem_shared>>
        tpu.wait_indirect_dma semaphore(%run_scoped3A_304 : memref<!tpu.dma_semaphore, #tpu.memory_space<semaphore_mem>>) src(%dma_wait3A_315 : memref<128x128xf32, #tpu.memory_space<vmem>>) dst(%dma_wait3A_321 : memref<1024x128xf32, #tpu.memory_space<vmem_shared>>)
        tpu.yield
      }) : () -> ()
      %run_scoped3A_303 = arith.constant 1 : i32
      "tpu.region"() ({
        %run_scoped3A_304 = tpu.sem_alloc : memref<!tpu.dma_semaphore, #tpu.memory_space<semaphore_mem>>
        %dma_start3A = arith.constant 128 : i32
        %dma_start3A_305 = arith.constant 0 : i32
        %dma_start3A_306 = tpu.memref_slice %arg8[%dma_start3A, %dma_start3A_305] : memref<256x128xf32, #tpu.memory_space<vmem>> -> memref<128x128xf32, #tpu.memory_space<vmem>>
        %dma_start3A_307 = arith.constant 0 : i32
        %dma_start3A_308 = tpu.memref_slice %arg10[%run_scoped3A_303, %dma_start3A_307] : memref<2x128xi32, #tpu.memory_space<vmem>> -> memref<1x128xi32, #tpu.memory_space<vmem>>
        %dma_start3A_309 = tpu.memref_squeeze %dma_start3A_308 : memref<1x128xi32, #tpu.memory_space<vmem>> -> memref<128xi32, #tpu.memory_space<vmem>>
        %dma_start3A_310 = arith.constant 0 : i32
        %dma_start3A_311 = arith.constant 0 : i32
        %dma_start3A_312 = tpu.memref_slice %arg12[%dma_start3A_310, %dma_start3A_311] : memref<1024x128xf32, #tpu.memory_space<vmem_shared>> -> memref<1024x128xf32, #tpu.memory_space<vmem_shared>>
        tpu.enqueue_indirect_dma source(%dma_start3A_306 : memref<128x128xf32, #tpu.memory_space<vmem>>) target(%dma_start3A_312 : memref<1024x128xf32, #tpu.memory_space<vmem_shared>>) offsets(%dma_start3A_309 : memref<128xi32, #tpu.memory_space<vmem>>) semaphore(%run_scoped3A_304 : memref<!tpu.dma_semaphore, #tpu.memory_space<semaphore_mem>>) {add = true}
        %dma_wait3A_313 = arith.constant 128 : i32
        %dma_wait3A_314 = arith.constant 0 : i32
        %dma_wait3A_315 = tpu.memref_slice %arg8[%dma_wait3A_313, %dma_wait3A_314] : memref<256x128xf32, #tpu.memory_space<vmem>> -> memref<128x128xf32, #tpu.memory_space<vmem>>
        %dma_wait3A_316 = arith.constant 0 : i32
        %dma_wait3A_317 = tpu.memref_slice %arg10[%run_scoped3A_303, %dma_wait3A_316] : memref<2x128xi32, #tpu.memory_space<vmem>> -> memref<1x128xi32, #tpu.memory_space<vmem>>
        %dma_wait3A_318 = tpu.memref_squeeze %dma_wait3A_317 : memref<1x128xi32, #tpu.memory_space<vmem>> -> memref<128xi32, #tpu.memory_space<vmem>>
        %dma_wait3A_319 = arith.constant 0 : i32
        %dma_wait3A_320 = arith.constant 0 : i32
        %dma_wait3A_321 = tpu.memref_slice %arg12[%dma_wait3A_319, %dma_wait3A_320] : memref<1024x128xf32, #tpu.memory_space<vmem_shared>> -> memref<1024x128xf32, #tpu.memory_space<vmem_shared>>
        tpu.wait_indirect_dma semaphore(%run_scoped3A_304 : memref<!tpu.dma_semaphore, #tpu.memory_space<semaphore_mem>>) src(%dma_wait3A_315 : memref<128x128xf32, #tpu.memory_space<vmem>>) dst(%dma_wait3A_321 : memref<1024x128xf32, #tpu.memory_space<vmem_shared>>)
        tpu.yield
      }) : () -> ()
    } else {
    }
    %add3A_231 = arith.constant 352 : i32
    %add3A_232 = arith.addi %add3A, %add3A_231 : i32
    %mul3A_233 = arith.constant 256 : i32
    %mul3A_234 = arith.muli %add3A_232, %mul3A_233 : i32
    %mul3A_235 = arith.constant 2 : i32
    %mul3A_236 = arith.muli %add3A_232, %mul3A_235 : i32
    %lt3A_237 = arith.constant 390 : i32
    %lt3A_238 = arith.cmpi slt, %add3A_232, %lt3A_237 : i32
    %convert_element_type3A_239 = arith.extui %lt3A_238 : i1 to i32
    %cond3A_240 = arith.constant 0 : i32
    %cond3A_241 = arith.cmpi ne, %convert_element_type3A_239, %cond3A_240 : i32
    scf.if %cond3A_241 {
      %dma_start3A = arith.constant 0 : i32
      %dma_start3A_296 = tpu.memref_slice %arg2[%mul3A_234, %dma_start3A] : memref<100000x128xf32, #tpu.memory_space<hbm>> -> memref<256x128xf32, #tpu.memory_space<hbm>>
      %dma_start3A_297 = arith.constant 0 : i32
      %dma_start3A_298 = tpu.memref_slice %arg2[%mul3A_234, %dma_start3A_297] : memref<100000x128xf32, #tpu.memory_space<hbm>> -> memref<256x128xf32, #tpu.memory_space<hbm>>
      tpu.enqueue_dma source(%dma_start3A_298 : memref<256x128xf32, #tpu.memory_space<hbm>>) target(%arg8 : memref<256x128xf32, #tpu.memory_space<vmem>>) target_semaphore(%arg14 : memref<!tpu.dma_semaphore, #tpu.memory_space<semaphore_mem>>)
      %dma_start3A_299 = arith.constant 0 : i32
      %dma_start3A_300 = tpu.memref_slice %arg3[%mul3A_236, %dma_start3A_299] : memref<782x128xi32, #tpu.memory_space<hbm>> -> memref<2x128xi32, #tpu.memory_space<hbm>>
      %dma_start3A_301 = arith.constant 0 : i32
      %dma_start3A_302 = tpu.memref_slice %arg3[%mul3A_236, %dma_start3A_301] : memref<782x128xi32, #tpu.memory_space<hbm>> -> memref<2x128xi32, #tpu.memory_space<hbm>>
      tpu.enqueue_dma source(%dma_start3A_302 : memref<2x128xi32, #tpu.memory_space<hbm>>) target(%arg10 : memref<2x128xi32, #tpu.memory_space<vmem>>) target_semaphore(%arg14 : memref<!tpu.dma_semaphore, #tpu.memory_space<semaphore_mem>>)
    } else {
    }
    %add3A_242 = arith.constant 320 : i32
    %add3A_243 = arith.addi %add3A, %add3A_242 : i32
    %mul3A_244 = arith.constant 256 : i32
    %mul3A_245 = arith.muli %add3A_243, %mul3A_244 : i32
    %mul3A_246 = arith.constant 2 : i32
    %mul3A_247 = arith.muli %add3A_243, %mul3A_246 : i32
    %lt3A_248 = arith.constant 390 : i32
    %lt3A_249 = arith.cmpi slt, %add3A_243, %lt3A_248 : i32
    %convert_element_type3A_250 = arith.extui %lt3A_249 : i1 to i32
    %cond3A_251 = arith.constant 0 : i32
    %cond3A_252 = arith.cmpi ne, %convert_element_type3A_250, %cond3A_251 : i32
    scf.if %cond3A_252 {
      %dma_wait3A = arith.constant 0 : i32
      %dma_wait3A_296 = tpu.memref_slice %arg2[%mul3A_245, %dma_wait3A] : memref<100000x128xf32, #tpu.memory_space<hbm>> -> memref<256x128xf32, #tpu.memory_space<hbm>>
      %dma_wait3A_297 = arith.constant 0 : i32
      %dma_wait3A_298 = tpu.memref_slice %arg2[%mul3A_245, %dma_wait3A_297] : memref<100000x128xf32, #tpu.memory_space<hbm>> -> memref<256x128xf32, #tpu.memory_space<hbm>>
      tpu.wait_dma2 semaphore(%arg13 : memref<!tpu.dma_semaphore, #tpu.memory_space<semaphore_mem>>) src(%dma_wait3A_298 : memref<256x128xf32, #tpu.memory_space<hbm>>) dst(%arg7 : memref<256x128xf32, #tpu.memory_space<vmem>>)
      %dma_wait3A_299 = arith.constant 0 : i32
      %dma_wait3A_300 = tpu.memref_slice %arg3[%mul3A_247, %dma_wait3A_299] : memref<782x128xi32, #tpu.memory_space<hbm>> -> memref<2x128xi32, #tpu.memory_space<hbm>>
      %dma_wait3A_301 = arith.constant 0 : i32
      %dma_wait3A_302 = tpu.memref_slice %arg3[%mul3A_247, %dma_wait3A_301] : memref<782x128xi32, #tpu.memory_space<hbm>> -> memref<2x128xi32, #tpu.memory_space<hbm>>
      tpu.wait_dma2 semaphore(%arg13 : memref<!tpu.dma_semaphore, #tpu.memory_space<semaphore_mem>>) src(%dma_wait3A_302 : memref<2x128xi32, #tpu.memory_space<hbm>>) dst(%arg9 : memref<2x128xi32, #tpu.memory_space<vmem>>)
      %run_scoped3A = arith.constant 0 : i32
      "tpu.region"() ({
        %run_scoped3A_304 = tpu.sem_alloc : memref<!tpu.dma_semaphore, #tpu.memory_space<semaphore_mem>>
        %dma_start3A = arith.constant 0 : i32
        %dma_start3A_305 = arith.constant 0 : i32
        %dma_start3A_306 = tpu.memref_slice %arg7[%dma_start3A, %dma_start3A_305] : memref<256x128xf32, #tpu.memory_space<vmem>> -> memref<128x128xf32, #tpu.memory_space<vmem>>
        %dma_start3A_307 = arith.constant 0 : i32
        %dma_start3A_308 = tpu.memref_slice %arg9[%run_scoped3A, %dma_start3A_307] : memref<2x128xi32, #tpu.memory_space<vmem>> -> memref<1x128xi32, #tpu.memory_space<vmem>>
        %dma_start3A_309 = tpu.memref_squeeze %dma_start3A_308 : memref<1x128xi32, #tpu.memory_space<vmem>> -> memref<128xi32, #tpu.memory_space<vmem>>
        %dma_start3A_310 = arith.constant 0 : i32
        %dma_start3A_311 = arith.constant 0 : i32
        %dma_start3A_312 = tpu.memref_slice %arg12[%dma_start3A_310, %dma_start3A_311] : memref<1024x128xf32, #tpu.memory_space<vmem_shared>> -> memref<1024x128xf32, #tpu.memory_space<vmem_shared>>
        tpu.enqueue_indirect_dma source(%dma_start3A_306 : memref<128x128xf32, #tpu.memory_space<vmem>>) target(%dma_start3A_312 : memref<1024x128xf32, #tpu.memory_space<vmem_shared>>) offsets(%dma_start3A_309 : memref<128xi32, #tpu.memory_space<vmem>>) semaphore(%run_scoped3A_304 : memref<!tpu.dma_semaphore, #tpu.memory_space<semaphore_mem>>) {add = true}
        %dma_wait3A_313 = arith.constant 0 : i32
        %dma_wait3A_314 = arith.constant 0 : i32
        %dma_wait3A_315 = tpu.memref_slice %arg7[%dma_wait3A_313, %dma_wait3A_314] : memref<256x128xf32, #tpu.memory_space<vmem>> -> memref<128x128xf32, #tpu.memory_space<vmem>>
        %dma_wait3A_316 = arith.constant 0 : i32
        %dma_wait3A_317 = tpu.memref_slice %arg9[%run_scoped3A, %dma_wait3A_316] : memref<2x128xi32, #tpu.memory_space<vmem>> -> memref<1x128xi32, #tpu.memory_space<vmem>>
        %dma_wait3A_318 = tpu.memref_squeeze %dma_wait3A_317 : memref<1x128xi32, #tpu.memory_space<vmem>> -> memref<128xi32, #tpu.memory_space<vmem>>
        %dma_wait3A_319 = arith.constant 0 : i32
        %dma_wait3A_320 = arith.constant 0 : i32
        %dma_wait3A_321 = tpu.memref_slice %arg12[%dma_wait3A_319, %dma_wait3A_320] : memref<1024x128xf32, #tpu.memory_space<vmem_shared>> -> memref<1024x128xf32, #tpu.memory_space<vmem_shared>>
        tpu.wait_indirect_dma semaphore(%run_scoped3A_304 : memref<!tpu.dma_semaphore, #tpu.memory_space<semaphore_mem>>) src(%dma_wait3A_315 : memref<128x128xf32, #tpu.memory_space<vmem>>) dst(%dma_wait3A_321 : memref<1024x128xf32, #tpu.memory_space<vmem_shared>>)
        tpu.yield
      }) : () -> ()
      %run_scoped3A_303 = arith.constant 1 : i32
      "tpu.region"() ({
        %run_scoped3A_304 = tpu.sem_alloc : memref<!tpu.dma_semaphore, #tpu.memory_space<semaphore_mem>>
        %dma_start3A = arith.constant 128 : i32
        %dma_start3A_305 = arith.constant 0 : i32
        %dma_start3A_306 = tpu.memref_slice %arg7[%dma_start3A, %dma_start3A_305] : memref<256x128xf32, #tpu.memory_space<vmem>> -> memref<128x128xf32, #tpu.memory_space<vmem>>
        %dma_start3A_307 = arith.constant 0 : i32
        %dma_start3A_308 = tpu.memref_slice %arg9[%run_scoped3A_303, %dma_start3A_307] : memref<2x128xi32, #tpu.memory_space<vmem>> -> memref<1x128xi32, #tpu.memory_space<vmem>>
        %dma_start3A_309 = tpu.memref_squeeze %dma_start3A_308 : memref<1x128xi32, #tpu.memory_space<vmem>> -> memref<128xi32, #tpu.memory_space<vmem>>
        %dma_start3A_310 = arith.constant 0 : i32
        %dma_start3A_311 = arith.constant 0 : i32
        %dma_start3A_312 = tpu.memref_slice %arg12[%dma_start3A_310, %dma_start3A_311] : memref<1024x128xf32, #tpu.memory_space<vmem_shared>> -> memref<1024x128xf32, #tpu.memory_space<vmem_shared>>
        tpu.enqueue_indirect_dma source(%dma_start3A_306 : memref<128x128xf32, #tpu.memory_space<vmem>>) target(%dma_start3A_312 : memref<1024x128xf32, #tpu.memory_space<vmem_shared>>) offsets(%dma_start3A_309 : memref<128xi32, #tpu.memory_space<vmem>>) semaphore(%run_scoped3A_304 : memref<!tpu.dma_semaphore, #tpu.memory_space<semaphore_mem>>) {add = true}
        %dma_wait3A_313 = arith.constant 128 : i32
        %dma_wait3A_314 = arith.constant 0 : i32
        %dma_wait3A_315 = tpu.memref_slice %arg7[%dma_wait3A_313, %dma_wait3A_314] : memref<256x128xf32, #tpu.memory_space<vmem>> -> memref<128x128xf32, #tpu.memory_space<vmem>>
        %dma_wait3A_316 = arith.constant 0 : i32
        %dma_wait3A_317 = tpu.memref_slice %arg9[%run_scoped3A_303, %dma_wait3A_316] : memref<2x128xi32, #tpu.memory_space<vmem>> -> memref<1x128xi32, #tpu.memory_space<vmem>>
        %dma_wait3A_318 = tpu.memref_squeeze %dma_wait3A_317 : memref<1x128xi32, #tpu.memory_space<vmem>> -> memref<128xi32, #tpu.memory_space<vmem>>
        %dma_wait3A_319 = arith.constant 0 : i32
        %dma_wait3A_320 = arith.constant 0 : i32
        %dma_wait3A_321 = tpu.memref_slice %arg12[%dma_wait3A_319, %dma_wait3A_320] : memref<1024x128xf32, #tpu.memory_space<vmem_shared>> -> memref<1024x128xf32, #tpu.memory_space<vmem_shared>>
        tpu.wait_indirect_dma semaphore(%run_scoped3A_304 : memref<!tpu.dma_semaphore, #tpu.memory_space<semaphore_mem>>) src(%dma_wait3A_315 : memref<128x128xf32, #tpu.memory_space<vmem>>) dst(%dma_wait3A_321 : memref<1024x128xf32, #tpu.memory_space<vmem_shared>>)
        tpu.yield
      }) : () -> ()
    } else {
    }
    %add3A_253 = arith.constant 384 : i32
    %add3A_254 = arith.addi %add3A, %add3A_253 : i32
    %mul3A_255 = arith.constant 256 : i32
    %mul3A_256 = arith.muli %add3A_254, %mul3A_255 : i32
    %mul3A_257 = arith.constant 2 : i32
    %mul3A_258 = arith.muli %add3A_254, %mul3A_257 : i32
    %lt3A_259 = arith.constant 390 : i32
    %lt3A_260 = arith.cmpi slt, %add3A_254, %lt3A_259 : i32
    %convert_element_type3A_261 = arith.extui %lt3A_260 : i1 to i32
    %cond3A_262 = arith.constant 0 : i32
    %cond3A_263 = arith.cmpi ne, %convert_element_type3A_261, %cond3A_262 : i32
    scf.if %cond3A_263 {
      %dma_start3A = arith.constant 0 : i32
      %dma_start3A_296 = tpu.memref_slice %arg2[%mul3A_256, %dma_start3A] : memref<100000x128xf32, #tpu.memory_space<hbm>> -> memref<256x128xf32, #tpu.memory_space<hbm>>
      %dma_start3A_297 = arith.constant 0 : i32
      %dma_start3A_298 = tpu.memref_slice %arg2[%mul3A_256, %dma_start3A_297] : memref<100000x128xf32, #tpu.memory_space<hbm>> -> memref<256x128xf32, #tpu.memory_space<hbm>>
      tpu.enqueue_dma source(%dma_start3A_298 : memref<256x128xf32, #tpu.memory_space<hbm>>) target(%arg7 : memref<256x128xf32, #tpu.memory_space<vmem>>) target_semaphore(%arg13 : memref<!tpu.dma_semaphore, #tpu.memory_space<semaphore_mem>>)
      %dma_start3A_299 = arith.constant 0 : i32
      %dma_start3A_300 = tpu.memref_slice %arg3[%mul3A_258, %dma_start3A_299] : memref<782x128xi32, #tpu.memory_space<hbm>> -> memref<2x128xi32, #tpu.memory_space<hbm>>
      %dma_start3A_301 = arith.constant 0 : i32
      %dma_start3A_302 = tpu.memref_slice %arg3[%mul3A_258, %dma_start3A_301] : memref<782x128xi32, #tpu.memory_space<hbm>> -> memref<2x128xi32, #tpu.memory_space<hbm>>
      tpu.enqueue_dma source(%dma_start3A_302 : memref<2x128xi32, #tpu.memory_space<hbm>>) target(%arg9 : memref<2x128xi32, #tpu.memory_space<vmem>>) target_semaphore(%arg13 : memref<!tpu.dma_semaphore, #tpu.memory_space<semaphore_mem>>)
    } else {
    }
    %add3A_264 = arith.constant 352 : i32
    %add3A_265 = arith.addi %add3A, %add3A_264 : i32
    %mul3A_266 = arith.constant 256 : i32
    %mul3A_267 = arith.muli %add3A_265, %mul3A_266 : i32
    %mul3A_268 = arith.constant 2 : i32
    %mul3A_269 = arith.muli %add3A_265, %mul3A_268 : i32
    %lt3A_270 = arith.constant 390 : i32
    %lt3A_271 = arith.cmpi slt, %add3A_265, %lt3A_270 : i32
    %convert_element_type3A_272 = arith.extui %lt3A_271 : i1 to i32
    %cond3A_273 = arith.constant 0 : i32
    %cond3A_274 = arith.cmpi ne, %convert_element_type3A_272, %cond3A_273 : i32
    scf.if %cond3A_274 {
      %dma_wait3A = arith.constant 0 : i32
      %dma_wait3A_296 = tpu.memref_slice %arg2[%mul3A_267, %dma_wait3A] : memref<100000x128xf32, #tpu.memory_space<hbm>> -> memref<256x128xf32, #tpu.memory_space<hbm>>
      %dma_wait3A_297 = arith.constant 0 : i32
      %dma_wait3A_298 = tpu.memref_slice %arg2[%mul3A_267, %dma_wait3A_297] : memref<100000x128xf32, #tpu.memory_space<hbm>> -> memref<256x128xf32, #tpu.memory_space<hbm>>
      tpu.wait_dma2 semaphore(%arg14 : memref<!tpu.dma_semaphore, #tpu.memory_space<semaphore_mem>>) src(%dma_wait3A_298 : memref<256x128xf32, #tpu.memory_space<hbm>>) dst(%arg8 : memref<256x128xf32, #tpu.memory_space<vmem>>)
      %dma_wait3A_299 = arith.constant 0 : i32
      %dma_wait3A_300 = tpu.memref_slice %arg3[%mul3A_269, %dma_wait3A_299] : memref<782x128xi32, #tpu.memory_space<hbm>> -> memref<2x128xi32, #tpu.memory_space<hbm>>
      %dma_wait3A_301 = arith.constant 0 : i32
      %dma_wait3A_302 = tpu.memref_slice %arg3[%mul3A_269, %dma_wait3A_301] : memref<782x128xi32, #tpu.memory_space<hbm>> -> memref<2x128xi32, #tpu.memory_space<hbm>>
      tpu.wait_dma2 semaphore(%arg14 : memref<!tpu.dma_semaphore, #tpu.memory_space<semaphore_mem>>) src(%dma_wait3A_302 : memref<2x128xi32, #tpu.memory_space<hbm>>) dst(%arg10 : memref<2x128xi32, #tpu.memory_space<vmem>>)
      %run_scoped3A = arith.constant 0 : i32
      "tpu.region"() ({
        %run_scoped3A_304 = tpu.sem_alloc : memref<!tpu.dma_semaphore, #tpu.memory_space<semaphore_mem>>
        %dma_start3A = arith.constant 0 : i32
        %dma_start3A_305 = arith.constant 0 : i32
        %dma_start3A_306 = tpu.memref_slice %arg8[%dma_start3A, %dma_start3A_305] : memref<256x128xf32, #tpu.memory_space<vmem>> -> memref<128x128xf32, #tpu.memory_space<vmem>>
        %dma_start3A_307 = arith.constant 0 : i32
        %dma_start3A_308 = tpu.memref_slice %arg10[%run_scoped3A, %dma_start3A_307] : memref<2x128xi32, #tpu.memory_space<vmem>> -> memref<1x128xi32, #tpu.memory_space<vmem>>
        %dma_start3A_309 = tpu.memref_squeeze %dma_start3A_308 : memref<1x128xi32, #tpu.memory_space<vmem>> -> memref<128xi32, #tpu.memory_space<vmem>>
        %dma_start3A_310 = arith.constant 0 : i32
        %dma_start3A_311 = arith.constant 0 : i32
        %dma_start3A_312 = tpu.memref_slice %arg12[%dma_start3A_310, %dma_start3A_311] : memref<1024x128xf32, #tpu.memory_space<vmem_shared>> -> memref<1024x128xf32, #tpu.memory_space<vmem_shared>>
        tpu.enqueue_indirect_dma source(%dma_start3A_306 : memref<128x128xf32, #tpu.memory_space<vmem>>) target(%dma_start3A_312 : memref<1024x128xf32, #tpu.memory_space<vmem_shared>>) offsets(%dma_start3A_309 : memref<128xi32, #tpu.memory_space<vmem>>) semaphore(%run_scoped3A_304 : memref<!tpu.dma_semaphore, #tpu.memory_space<semaphore_mem>>) {add = true}
        %dma_wait3A_313 = arith.constant 0 : i32
        %dma_wait3A_314 = arith.constant 0 : i32
        %dma_wait3A_315 = tpu.memref_slice %arg8[%dma_wait3A_313, %dma_wait3A_314] : memref<256x128xf32, #tpu.memory_space<vmem>> -> memref<128x128xf32, #tpu.memory_space<vmem>>
        %dma_wait3A_316 = arith.constant 0 : i32
        %dma_wait3A_317 = tpu.memref_slice %arg10[%run_scoped3A, %dma_wait3A_316] : memref<2x128xi32, #tpu.memory_space<vmem>> -> memref<1x128xi32, #tpu.memory_space<vmem>>
        %dma_wait3A_318 = tpu.memref_squeeze %dma_wait3A_317 : memref<1x128xi32, #tpu.memory_space<vmem>> -> memref<128xi32, #tpu.memory_space<vmem>>
        %dma_wait3A_319 = arith.constant 0 : i32
        %dma_wait3A_320 = arith.constant 0 : i32
        %dma_wait3A_321 = tpu.memref_slice %arg12[%dma_wait3A_319, %dma_wait3A_320] : memref<1024x128xf32, #tpu.memory_space<vmem_shared>> -> memref<1024x128xf32, #tpu.memory_space<vmem_shared>>
        tpu.wait_indirect_dma semaphore(%run_scoped3A_304 : memref<!tpu.dma_semaphore, #tpu.memory_space<semaphore_mem>>) src(%dma_wait3A_315 : memref<128x128xf32, #tpu.memory_space<vmem>>) dst(%dma_wait3A_321 : memref<1024x128xf32, #tpu.memory_space<vmem_shared>>)
        tpu.yield
      }) : () -> ()
      %run_scoped3A_303 = arith.constant 1 : i32
      "tpu.region"() ({
        %run_scoped3A_304 = tpu.sem_alloc : memref<!tpu.dma_semaphore, #tpu.memory_space<semaphore_mem>>
        %dma_start3A = arith.constant 128 : i32
        %dma_start3A_305 = arith.constant 0 : i32
        %dma_start3A_306 = tpu.memref_slice %arg8[%dma_start3A, %dma_start3A_305] : memref<256x128xf32, #tpu.memory_space<vmem>> -> memref<128x128xf32, #tpu.memory_space<vmem>>
        %dma_start3A_307 = arith.constant 0 : i32
        %dma_start3A_308 = tpu.memref_slice %arg10[%run_scoped3A_303, %dma_start3A_307] : memref<2x128xi32, #tpu.memory_space<vmem>> -> memref<1x128xi32, #tpu.memory_space<vmem>>
        %dma_start3A_309 = tpu.memref_squeeze %dma_start3A_308 : memref<1x128xi32, #tpu.memory_space<vmem>> -> memref<128xi32, #tpu.memory_space<vmem>>
        %dma_start3A_310 = arith.constant 0 : i32
        %dma_start3A_311 = arith.constant 0 : i32
        %dma_start3A_312 = tpu.memref_slice %arg12[%dma_start3A_310, %dma_start3A_311] : memref<1024x128xf32, #tpu.memory_space<vmem_shared>> -> memref<1024x128xf32, #tpu.memory_space<vmem_shared>>
        tpu.enqueue_indirect_dma source(%dma_start3A_306 : memref<128x128xf32, #tpu.memory_space<vmem>>) target(%dma_start3A_312 : memref<1024x128xf32, #tpu.memory_space<vmem_shared>>) offsets(%dma_start3A_309 : memref<128xi32, #tpu.memory_space<vmem>>) semaphore(%run_scoped3A_304 : memref<!tpu.dma_semaphore, #tpu.memory_space<semaphore_mem>>) {add = true}
        %dma_wait3A_313 = arith.constant 128 : i32
        %dma_wait3A_314 = arith.constant 0 : i32
        %dma_wait3A_315 = tpu.memref_slice %arg8[%dma_wait3A_313, %dma_wait3A_314] : memref<256x128xf32, #tpu.memory_space<vmem>> -> memref<128x128xf32, #tpu.memory_space<vmem>>
        %dma_wait3A_316 = arith.constant 0 : i32
        %dma_wait3A_317 = tpu.memref_slice %arg10[%run_scoped3A_303, %dma_wait3A_316] : memref<2x128xi32, #tpu.memory_space<vmem>> -> memref<1x128xi32, #tpu.memory_space<vmem>>
        %dma_wait3A_318 = tpu.memref_squeeze %dma_wait3A_317 : memref<1x128xi32, #tpu.memory_space<vmem>> -> memref<128xi32, #tpu.memory_space<vmem>>
        %dma_wait3A_319 = arith.constant 0 : i32
        %dma_wait3A_320 = arith.constant 0 : i32
        %dma_wait3A_321 = tpu.memref_slice %arg12[%dma_wait3A_319, %dma_wait3A_320] : memref<1024x128xf32, #tpu.memory_space<vmem_shared>> -> memref<1024x128xf32, #tpu.memory_space<vmem_shared>>
        tpu.wait_indirect_dma semaphore(%run_scoped3A_304 : memref<!tpu.dma_semaphore, #tpu.memory_space<semaphore_mem>>) src(%dma_wait3A_315 : memref<128x128xf32, #tpu.memory_space<vmem>>) dst(%dma_wait3A_321 : memref<1024x128xf32, #tpu.memory_space<vmem_shared>>)
        tpu.yield
      }) : () -> ()
    } else {
    }
    %add3A_275 = arith.constant 384 : i32
    %add3A_276 = arith.addi %add3A, %add3A_275 : i32
    %mul3A_277 = arith.constant 256 : i32
    %mul3A_278 = arith.muli %add3A_276, %mul3A_277 : i32
    %mul3A_279 = arith.constant 2 : i32
    %mul3A_280 = arith.muli %add3A_276, %mul3A_279 : i32
    %lt3A_281 = arith.constant 390 : i32
    %lt3A_282 = arith.cmpi slt, %add3A_276, %lt3A_281 : i32
    %convert_element_type3A_283 = arith.extui %lt3A_282 : i1 to i32
    %cond3A_284 = arith.constant 0 : i32
    %cond3A_285 = arith.cmpi ne, %convert_element_type3A_283, %cond3A_284 : i32
    scf.if %cond3A_285 {
      %dma_wait3A = arith.constant 0 : i32
      %dma_wait3A_296 = tpu.memref_slice %arg2[%mul3A_278, %dma_wait3A] : memref<100000x128xf32, #tpu.memory_space<hbm>> -> memref<256x128xf32, #tpu.memory_space<hbm>>
      %dma_wait3A_297 = arith.constant 0 : i32
      %dma_wait3A_298 = tpu.memref_slice %arg2[%mul3A_278, %dma_wait3A_297] : memref<100000x128xf32, #tpu.memory_space<hbm>> -> memref<256x128xf32, #tpu.memory_space<hbm>>
      tpu.wait_dma2 semaphore(%arg13 : memref<!tpu.dma_semaphore, #tpu.memory_space<semaphore_mem>>) src(%dma_wait3A_298 : memref<256x128xf32, #tpu.memory_space<hbm>>) dst(%arg7 : memref<256x128xf32, #tpu.memory_space<vmem>>)
      %dma_wait3A_299 = arith.constant 0 : i32
      %dma_wait3A_300 = tpu.memref_slice %arg3[%mul3A_280, %dma_wait3A_299] : memref<782x128xi32, #tpu.memory_space<hbm>> -> memref<2x128xi32, #tpu.memory_space<hbm>>
      %dma_wait3A_301 = arith.constant 0 : i32
      %dma_wait3A_302 = tpu.memref_slice %arg3[%mul3A_280, %dma_wait3A_301] : memref<782x128xi32, #tpu.memory_space<hbm>> -> memref<2x128xi32, #tpu.memory_space<hbm>>
      tpu.wait_dma2 semaphore(%arg13 : memref<!tpu.dma_semaphore, #tpu.memory_space<semaphore_mem>>) src(%dma_wait3A_302 : memref<2x128xi32, #tpu.memory_space<hbm>>) dst(%arg9 : memref<2x128xi32, #tpu.memory_space<vmem>>)
      %run_scoped3A = arith.constant 0 : i32
      "tpu.region"() ({
        %run_scoped3A_304 = tpu.sem_alloc : memref<!tpu.dma_semaphore, #tpu.memory_space<semaphore_mem>>
        %dma_start3A = arith.constant 0 : i32
        %dma_start3A_305 = arith.constant 0 : i32
        %dma_start3A_306 = tpu.memref_slice %arg7[%dma_start3A, %dma_start3A_305] : memref<256x128xf32, #tpu.memory_space<vmem>> -> memref<128x128xf32, #tpu.memory_space<vmem>>
        %dma_start3A_307 = arith.constant 0 : i32
        %dma_start3A_308 = tpu.memref_slice %arg9[%run_scoped3A, %dma_start3A_307] : memref<2x128xi32, #tpu.memory_space<vmem>> -> memref<1x128xi32, #tpu.memory_space<vmem>>
        %dma_start3A_309 = tpu.memref_squeeze %dma_start3A_308 : memref<1x128xi32, #tpu.memory_space<vmem>> -> memref<128xi32, #tpu.memory_space<vmem>>
        %dma_start3A_310 = arith.constant 0 : i32
        %dma_start3A_311 = arith.constant 0 : i32
        %dma_start3A_312 = tpu.memref_slice %arg12[%dma_start3A_310, %dma_start3A_311] : memref<1024x128xf32, #tpu.memory_space<vmem_shared>> -> memref<1024x128xf32, #tpu.memory_space<vmem_shared>>
        tpu.enqueue_indirect_dma source(%dma_start3A_306 : memref<128x128xf32, #tpu.memory_space<vmem>>) target(%dma_start3A_312 : memref<1024x128xf32, #tpu.memory_space<vmem_shared>>) offsets(%dma_start3A_309 : memref<128xi32, #tpu.memory_space<vmem>>) semaphore(%run_scoped3A_304 : memref<!tpu.dma_semaphore, #tpu.memory_space<semaphore_mem>>) {add = true}
        %dma_wait3A_313 = arith.constant 0 : i32
        %dma_wait3A_314 = arith.constant 0 : i32
        %dma_wait3A_315 = tpu.memref_slice %arg7[%dma_wait3A_313, %dma_wait3A_314] : memref<256x128xf32, #tpu.memory_space<vmem>> -> memref<128x128xf32, #tpu.memory_space<vmem>>
        %dma_wait3A_316 = arith.constant 0 : i32
        %dma_wait3A_317 = tpu.memref_slice %arg9[%run_scoped3A, %dma_wait3A_316] : memref<2x128xi32, #tpu.memory_space<vmem>> -> memref<1x128xi32, #tpu.memory_space<vmem>>
        %dma_wait3A_318 = tpu.memref_squeeze %dma_wait3A_317 : memref<1x128xi32, #tpu.memory_space<vmem>> -> memref<128xi32, #tpu.memory_space<vmem>>
        %dma_wait3A_319 = arith.constant 0 : i32
        %dma_wait3A_320 = arith.constant 0 : i32
        %dma_wait3A_321 = tpu.memref_slice %arg12[%dma_wait3A_319, %dma_wait3A_320] : memref<1024x128xf32, #tpu.memory_space<vmem_shared>> -> memref<1024x128xf32, #tpu.memory_space<vmem_shared>>
        tpu.wait_indirect_dma semaphore(%run_scoped3A_304 : memref<!tpu.dma_semaphore, #tpu.memory_space<semaphore_mem>>) src(%dma_wait3A_315 : memref<128x128xf32, #tpu.memory_space<vmem>>) dst(%dma_wait3A_321 : memref<1024x128xf32, #tpu.memory_space<vmem_shared>>)
        tpu.yield
      }) : () -> ()
      %run_scoped3A_303 = arith.constant 1 : i32
      "tpu.region"() ({
        %run_scoped3A_304 = tpu.sem_alloc : memref<!tpu.dma_semaphore, #tpu.memory_space<semaphore_mem>>
        %dma_start3A = arith.constant 128 : i32
        %dma_start3A_305 = arith.constant 0 : i32
        %dma_start3A_306 = tpu.memref_slice %arg7[%dma_start3A, %dma_start3A_305] : memref<256x128xf32, #tpu.memory_space<vmem>> -> memref<128x128xf32, #tpu.memory_space<vmem>>
        %dma_start3A_307 = arith.constant 0 : i32
        %dma_start3A_308 = tpu.memref_slice %arg9[%run_scoped3A_303, %dma_start3A_307] : memref<2x128xi32, #tpu.memory_space<vmem>> -> memref<1x128xi32, #tpu.memory_space<vmem>>
        %dma_start3A_309 = tpu.memref_squeeze %dma_start3A_308 : memref<1x128xi32, #tpu.memory_space<vmem>> -> memref<128xi32, #tpu.memory_space<vmem>>
        %dma_start3A_310 = arith.constant 0 : i32
        %dma_start3A_311 = arith.constant 0 : i32
        %dma_start3A_312 = tpu.memref_slice %arg12[%dma_start3A_310, %dma_start3A_311] : memref<1024x128xf32, #tpu.memory_space<vmem_shared>> -> memref<1024x128xf32, #tpu.memory_space<vmem_shared>>
        tpu.enqueue_indirect_dma source(%dma_start3A_306 : memref<128x128xf32, #tpu.memory_space<vmem>>) target(%dma_start3A_312 : memref<1024x128xf32, #tpu.memory_space<vmem_shared>>) offsets(%dma_start3A_309 : memref<128xi32, #tpu.memory_space<vmem>>) semaphore(%run_scoped3A_304 : memref<!tpu.dma_semaphore, #tpu.memory_space<semaphore_mem>>) {add = true}
        %dma_wait3A_313 = arith.constant 128 : i32
        %dma_wait3A_314 = arith.constant 0 : i32
        %dma_wait3A_315 = tpu.memref_slice %arg7[%dma_wait3A_313, %dma_wait3A_314] : memref<256x128xf32, #tpu.memory_space<vmem>> -> memref<128x128xf32, #tpu.memory_space<vmem>>
        %dma_wait3A_316 = arith.constant 0 : i32
        %dma_wait3A_317 = tpu.memref_slice %arg9[%run_scoped3A_303, %dma_wait3A_316] : memref<2x128xi32, #tpu.memory_space<vmem>> -> memref<1x128xi32, #tpu.memory_space<vmem>>
        %dma_wait3A_318 = tpu.memref_squeeze %dma_wait3A_317 : memref<1x128xi32, #tpu.memory_space<vmem>> -> memref<128xi32, #tpu.memory_space<vmem>>
        %dma_wait3A_319 = arith.constant 0 : i32
        %dma_wait3A_320 = arith.constant 0 : i32
        %dma_wait3A_321 = tpu.memref_slice %arg12[%dma_wait3A_319, %dma_wait3A_320] : memref<1024x128xf32, #tpu.memory_space<vmem_shared>> -> memref<1024x128xf32, #tpu.memory_space<vmem_shared>>
        tpu.wait_indirect_dma semaphore(%run_scoped3A_304 : memref<!tpu.dma_semaphore, #tpu.memory_space<semaphore_mem>>) src(%dma_wait3A_315 : memref<128x128xf32, #tpu.memory_space<vmem>>) dst(%dma_wait3A_321 : memref<1024x128xf32, #tpu.memory_space<vmem_shared>>)
        tpu.yield
      }) : () -> ()
    } else {
    }
    %eq3A = arith.constant 31 : i32
    %eq3A_286 = arith.cmpi eq, %add3A, %eq3A : i32
    %convert_element_type3A_287 = arith.extui %eq3A_286 : i1 to i32
    %cond3A_288 = arith.constant 0 : i32
    %cond3A_289 = arith.cmpi ne, %convert_element_type3A_287, %cond3A_288 : i32
    scf.if %cond3A_289 {
      "tpu.region"() ({
        %run_scoped3A_296 = tpu.sem_alloc : memref<!tpu.dma_semaphore, #tpu.memory_space<semaphore_mem>>
        %dma_start3A = arith.constant 0 : i32
        %dma_start3A_297 = arith.constant 0 : i32
        %dma_start3A_298 = tpu.memref_slice %arg7[%dma_start3A, %dma_start3A_297] : memref<256x128xf32, #tpu.memory_space<vmem>> -> memref<160x128xf32, #tpu.memory_space<vmem>>
        %dma_start3A_299 = arith.constant 99840 : i32
        %dma_start3A_300 = arith.constant 0 : i32
        %dma_start3A_301 = tpu.memref_slice %arg2[%dma_start3A_299, %dma_start3A_300] : memref<100000x128xf32, #tpu.memory_space<hbm>> -> memref<160x128xf32, #tpu.memory_space<hbm>>
        %dma_start3A_302 = arith.constant 0 : i32
        %dma_start3A_303 = arith.constant 0 : i32
        %dma_start3A_304 = tpu.memref_slice %arg7[%dma_start3A_302, %dma_start3A_303] : memref<256x128xf32, #tpu.memory_space<vmem>> -> memref<160x128xf32, #tpu.memory_space<vmem>>
        %dma_start3A_305 = arith.constant 99840 : i32
        %dma_start3A_306 = arith.constant 0 : i32
        %dma_start3A_307 = tpu.memref_slice %arg2[%dma_start3A_305, %dma_start3A_306] : memref<100000x128xf32, #tpu.memory_space<hbm>> -> memref<160x128xf32, #tpu.memory_space<hbm>>
        tpu.enqueue_dma source(%dma_start3A_307 : memref<160x128xf32, #tpu.memory_space<hbm>>) target(%dma_start3A_304 : memref<160x128xf32, #tpu.memory_space<vmem>>) target_semaphore(%run_scoped3A_296 : memref<!tpu.dma_semaphore, #tpu.memory_space<semaphore_mem>>)
        %dma_wait3A = arith.constant 0 : i32
        %dma_wait3A_308 = arith.constant 0 : i32
        %dma_wait3A_309 = tpu.memref_slice %arg7[%dma_wait3A, %dma_wait3A_308] : memref<256x128xf32, #tpu.memory_space<vmem>> -> memref<160x128xf32, #tpu.memory_space<vmem>>
        %dma_wait3A_310 = arith.constant 99840 : i32
        %dma_wait3A_311 = arith.constant 0 : i32
        %dma_wait3A_312 = tpu.memref_slice %arg2[%dma_wait3A_310, %dma_wait3A_311] : memref<100000x128xf32, #tpu.memory_space<hbm>> -> memref<160x128xf32, #tpu.memory_space<hbm>>
        %dma_wait3A_313 = arith.constant 0 : i32
        %dma_wait3A_314 = arith.constant 0 : i32
        %dma_wait3A_315 = tpu.memref_slice %arg7[%dma_wait3A_313, %dma_wait3A_314] : memref<256x128xf32, #tpu.memory_space<vmem>> -> memref<160x128xf32, #tpu.memory_space<vmem>>
        %dma_wait3A_316 = arith.constant 99840 : i32
        %dma_wait3A_317 = arith.constant 0 : i32
        %dma_wait3A_318 = tpu.memref_slice %arg2[%dma_wait3A_316, %dma_wait3A_317] : memref<100000x128xf32, #tpu.memory_space<hbm>> -> memref<160x128xf32, #tpu.memory_space<hbm>>
        tpu.wait_dma2 semaphore(%run_scoped3A_296 : memref<!tpu.dma_semaphore, #tpu.memory_space<semaphore_mem>>) src(%dma_wait3A_318 : memref<160x128xf32, #tpu.memory_space<hbm>>) dst(%dma_wait3A_315 : memref<160x128xf32, #tpu.memory_space<vmem>>)
        tpu.yield
      }) : () -> ()
      "tpu.region"() ({
        %run_scoped3A_296 = tpu.sem_alloc : memref<!tpu.dma_semaphore, #tpu.memory_space<semaphore_mem>>
        %dma_start3A = arith.constant 0 : i32
        %dma_start3A_297 = arith.constant 0 : i32
        %dma_start3A_298 = tpu.memref_slice %arg9[%dma_start3A, %dma_start3A_297] : memref<2x128xi32, #tpu.memory_space<vmem>> -> memref<1x128xi32, #tpu.memory_space<vmem>>
        %dma_start3A_299 = arith.constant 780 : i32
        %dma_start3A_300 = arith.constant 0 : i32
        %dma_start3A_301 = tpu.memref_slice %arg3[%dma_start3A_299, %dma_start3A_300] : memref<782x128xi32, #tpu.memory_space<hbm>> -> memref<1x128xi32, #tpu.memory_space<hbm>>
        %dma_start3A_302 = arith.constant 0 : i32
        %dma_start3A_303 = arith.constant 0 : i32
        %dma_start3A_304 = tpu.memref_slice %arg9[%dma_start3A_302, %dma_start3A_303] : memref<2x128xi32, #tpu.memory_space<vmem>> -> memref<1x128xi32, #tpu.memory_space<vmem>>
        %dma_start3A_305 = arith.constant 780 : i32
        %dma_start3A_306 = arith.constant 0 : i32
        %dma_start3A_307 = tpu.memref_slice %arg3[%dma_start3A_305, %dma_start3A_306] : memref<782x128xi32, #tpu.memory_space<hbm>> -> memref<1x128xi32, #tpu.memory_space<hbm>>
        tpu.enqueue_dma source(%dma_start3A_307 : memref<1x128xi32, #tpu.memory_space<hbm>>) target(%dma_start3A_304 : memref<1x128xi32, #tpu.memory_space<vmem>>) target_semaphore(%run_scoped3A_296 : memref<!tpu.dma_semaphore, #tpu.memory_space<semaphore_mem>>)
        %dma_wait3A = arith.constant 0 : i32
        %dma_wait3A_308 = arith.constant 0 : i32
        %dma_wait3A_309 = tpu.memref_slice %arg9[%dma_wait3A, %dma_wait3A_308] : memref<2x128xi32, #tpu.memory_space<vmem>> -> memref<1x128xi32, #tpu.memory_space<vmem>>
        %dma_wait3A_310 = arith.constant 780 : i32
        %dma_wait3A_311 = arith.constant 0 : i32
        %dma_wait3A_312 = tpu.memref_slice %arg3[%dma_wait3A_310, %dma_wait3A_311] : memref<782x128xi32, #tpu.memory_space<hbm>> -> memref<1x128xi32, #tpu.memory_space<hbm>>
        %dma_wait3A_313 = arith.constant 0 : i32
        %dma_wait3A_314 = arith.constant 0 : i32
        %dma_wait3A_315 = tpu.memref_slice %arg9[%dma_wait3A_313, %dma_wait3A_314] : memref<2x128xi32, #tpu.memory_space<vmem>> -> memref<1x128xi32, #tpu.memory_space<vmem>>
        %dma_wait3A_316 = arith.constant 780 : i32
        %dma_wait3A_317 = arith.constant 0 : i32
        %dma_wait3A_318 = tpu.memref_slice %arg3[%dma_wait3A_316, %dma_wait3A_317] : memref<782x128xi32, #tpu.memory_space<hbm>> -> memref<1x128xi32, #tpu.memory_space<hbm>>
        tpu.wait_dma2 semaphore(%run_scoped3A_296 : memref<!tpu.dma_semaphore, #tpu.memory_space<semaphore_mem>>) src(%dma_wait3A_318 : memref<1x128xi32, #tpu.memory_space<hbm>>) dst(%dma_wait3A_315 : memref<1x128xi32, #tpu.memory_space<vmem>>)
        tpu.yield
      }) : () -> ()
      "tpu.region"() ({
        %run_scoped3A_296 = tpu.sem_alloc : memref<!tpu.dma_semaphore, #tpu.memory_space<semaphore_mem>>
        %dma_start3A = arith.constant 99968 : i32
        %dma_start3A_297 = tpu.memref_slice %arg4[%dma_start3A] : memref<100096xi32, #tpu.memory_space<hbm>> -> memref<32xi32, #tpu.memory_space<hbm>>
        %dma_start3A_298 = arith.constant 99968 : i32
        %dma_start3A_299 = tpu.memref_slice %arg4[%dma_start3A_298] : memref<100096xi32, #tpu.memory_space<hbm>> -> memref<32xi32, #tpu.memory_space<hbm>>
        tpu.enqueue_dma source(%dma_start3A_299 : memref<32xi32, #tpu.memory_space<hbm>>) target(%arg11 : memref<32xi32, #tpu.memory_space<vmem>>) target_semaphore(%run_scoped3A_296 : memref<!tpu.dma_semaphore, #tpu.memory_space<semaphore_mem>>)
        %dma_wait3A = arith.constant 99968 : i32
        %dma_wait3A_300 = tpu.memref_slice %arg4[%dma_wait3A] : memref<100096xi32, #tpu.memory_space<hbm>> -> memref<32xi32, #tpu.memory_space<hbm>>
        %dma_wait3A_301 = arith.constant 99968 : i32
        %dma_wait3A_302 = tpu.memref_slice %arg4[%dma_wait3A_301] : memref<100096xi32, #tpu.memory_space<hbm>> -> memref<32xi32, #tpu.memory_space<hbm>>
        tpu.wait_dma2 semaphore(%run_scoped3A_296 : memref<!tpu.dma_semaphore, #tpu.memory_space<semaphore_mem>>) src(%dma_wait3A_302 : memref<32xi32, #tpu.memory_space<hbm>>) dst(%arg11 : memref<32xi32, #tpu.memory_space<vmem>>)
        tpu.yield
      }) : () -> ()
      %run_scoped3A = arith.constant 0 : i32
      "tpu.region"() ({
        %run_scoped3A_296 = tpu.sem_alloc : memref<!tpu.dma_semaphore, #tpu.memory_space<semaphore_mem>>
        %dma_start3A = arith.constant 0 : i32
        %dma_start3A_297 = arith.constant 0 : i32
        %dma_start3A_298 = tpu.memref_slice %arg7[%dma_start3A, %dma_start3A_297] : memref<256x128xf32, #tpu.memory_space<vmem>> -> memref<128x128xf32, #tpu.memory_space<vmem>>
        %dma_start3A_299 = arith.constant 0 : i32
        %dma_start3A_300 = tpu.memref_slice %arg9[%run_scoped3A, %dma_start3A_299] : memref<2x128xi32, #tpu.memory_space<vmem>> -> memref<1x128xi32, #tpu.memory_space<vmem>>
        %dma_start3A_301 = tpu.memref_squeeze %dma_start3A_300 : memref<1x128xi32, #tpu.memory_space<vmem>> -> memref<128xi32, #tpu.memory_space<vmem>>
        %dma_start3A_302 = arith.constant 0 : i32
        %dma_start3A_303 = arith.constant 0 : i32
        %dma_start3A_304 = tpu.memref_slice %arg12[%dma_start3A_302, %dma_start3A_303] : memref<1024x128xf32, #tpu.memory_space<vmem_shared>> -> memref<1024x128xf32, #tpu.memory_space<vmem_shared>>
        tpu.enqueue_indirect_dma source(%dma_start3A_298 : memref<128x128xf32, #tpu.memory_space<vmem>>) target(%dma_start3A_304 : memref<1024x128xf32, #tpu.memory_space<vmem_shared>>) offsets(%dma_start3A_301 : memref<128xi32, #tpu.memory_space<vmem>>) semaphore(%run_scoped3A_296 : memref<!tpu.dma_semaphore, #tpu.memory_space<semaphore_mem>>) {add = true}
        %dma_wait3A = arith.constant 0 : i32
        %dma_wait3A_305 = arith.constant 0 : i32
        %dma_wait3A_306 = tpu.memref_slice %arg7[%dma_wait3A, %dma_wait3A_305] : memref<256x128xf32, #tpu.memory_space<vmem>> -> memref<128x128xf32, #tpu.memory_space<vmem>>
        %dma_wait3A_307 = arith.constant 0 : i32
        %dma_wait3A_308 = tpu.memref_slice %arg9[%run_scoped3A, %dma_wait3A_307] : memref<2x128xi32, #tpu.memory_space<vmem>> -> memref<1x128xi32, #tpu.memory_space<vmem>>
        %dma_wait3A_309 = tpu.memref_squeeze %dma_wait3A_308 : memref<1x128xi32, #tpu.memory_space<vmem>> -> memref<128xi32, #tpu.memory_space<vmem>>
        %dma_wait3A_310 = arith.constant 0 : i32
        %dma_wait3A_311 = arith.constant 0 : i32
        %dma_wait3A_312 = tpu.memref_slice %arg12[%dma_wait3A_310, %dma_wait3A_311] : memref<1024x128xf32, #tpu.memory_space<vmem_shared>> -> memref<1024x128xf32, #tpu.memory_space<vmem_shared>>
        tpu.wait_indirect_dma semaphore(%run_scoped3A_296 : memref<!tpu.dma_semaphore, #tpu.memory_space<semaphore_mem>>) src(%dma_wait3A_306 : memref<128x128xf32, #tpu.memory_space<vmem>>) dst(%dma_wait3A_312 : memref<1024x128xf32, #tpu.memory_space<vmem_shared>>)
        tpu.yield
      }) : () -> ()
      "tpu.region"() ({
        %run_scoped3A_296 = tpu.sem_alloc : memref<!tpu.dma_semaphore, #tpu.memory_space<semaphore_mem>>
        %dma_start3A = arith.constant 128 : i32
        %dma_start3A_297 = arith.constant 0 : i32
        %dma_start3A_298 = tpu.memref_slice %arg7[%dma_start3A, %dma_start3A_297] : memref<256x128xf32, #tpu.memory_space<vmem>> -> memref<32x128xf32, #tpu.memory_space<vmem>>
        %dma_start3A_299 = arith.constant 0 : i32
        %dma_start3A_300 = arith.constant 0 : i32
        %dma_start3A_301 = tpu.memref_slice %arg12[%dma_start3A_299, %dma_start3A_300] : memref<1024x128xf32, #tpu.memory_space<vmem_shared>> -> memref<1024x128xf32, #tpu.memory_space<vmem_shared>>
        tpu.enqueue_indirect_dma source(%dma_start3A_298 : memref<32x128xf32, #tpu.memory_space<vmem>>) target(%dma_start3A_301 : memref<1024x128xf32, #tpu.memory_space<vmem_shared>>) offsets(%arg11 : memref<32xi32, #tpu.memory_space<vmem>>) semaphore(%run_scoped3A_296 : memref<!tpu.dma_semaphore, #tpu.memory_space<semaphore_mem>>) {add = true}
        %dma_wait3A = arith.constant 128 : i32
        %dma_wait3A_302 = arith.constant 0 : i32
        %dma_wait3A_303 = tpu.memref_slice %arg7[%dma_wait3A, %dma_wait3A_302] : memref<256x128xf32, #tpu.memory_space<vmem>> -> memref<32x128xf32, #tpu.memory_space<vmem>>
        %dma_wait3A_304 = arith.constant 0 : i32
        %dma_wait3A_305 = arith.constant 0 : i32
        %dma_wait3A_306 = tpu.memref_slice %arg12[%dma_wait3A_304, %dma_wait3A_305] : memref<1024x128xf32, #tpu.memory_space<vmem_shared>> -> memref<1024x128xf32, #tpu.memory_space<vmem_shared>>
        tpu.wait_indirect_dma semaphore(%run_scoped3A_296 : memref<!tpu.dma_semaphore, #tpu.memory_space<semaphore_mem>>) src(%dma_wait3A_303 : memref<32x128xf32, #tpu.memory_space<vmem>>) dst(%dma_wait3A_306 : memref<1024x128xf32, #tpu.memory_space<vmem_shared>>)
        tpu.yield
      }) : () -> ()
    } else {
    }
    %barrier3A_290 = arith.constant 0 : index
    tpu.barrier barrier_id(%barrier3A_290)
    %mul3A_291 = arith.constant 64 : i32
    %mul3A_292 = arith.muli %arg1, %mul3A_291 : i32
    %mul3A_293 = arith.constant 1024 : i32
    %mul3A_294 = arith.muli %arg0, %mul3A_293 : i32
    %add3A_295 = arith.addi %mul3A_294, %mul3A_292 : i32
    "tpu.region"() ({
      %run_scoped3A = tpu.sem_alloc : memref<!tpu.dma_semaphore, #tpu.memory_space<semaphore_mem>>
      %dma_start3A = arith.constant 0 : i32
      %dma_start3A_296 = tpu.memref_slice %arg6[%add3A_295, %dma_start3A] : memref<2048x128xf32, #tpu.memory_space<hbm>> -> memref<64x128xf32, #tpu.memory_space<hbm>>
      %dma_start3A_297 = arith.constant 0 : i32
      %dma_start3A_298 = tpu.memref_slice %arg12[%mul3A_292, %dma_start3A_297] : memref<1024x128xf32, #tpu.memory_space<vmem_shared>> -> memref<64x128xf32, #tpu.memory_space<vmem_shared>>
      tpu.enqueue_dma source(%dma_start3A_298 : memref<64x128xf32, #tpu.memory_space<vmem_shared>>) target(%dma_start3A_296 : memref<64x128xf32, #tpu.memory_space<hbm>>) target_semaphore(%run_scoped3A : memref<!tpu.dma_semaphore, #tpu.memory_space<semaphore_mem>>)
      %dma_wait3A = arith.constant 0 : i32
      %dma_wait3A_299 = tpu.memref_slice %arg6[%add3A_295, %dma_wait3A] : memref<2048x128xf32, #tpu.memory_space<hbm>> -> memref<64x128xf32, #tpu.memory_space<hbm>>
      %dma_wait3A_300 = arith.constant 0 : i32
      %dma_wait3A_301 = tpu.memref_slice %arg12[%mul3A_292, %dma_wait3A_300] : memref<1024x128xf32, #tpu.memory_space<vmem_shared>> -> memref<64x128xf32, #tpu.memory_space<vmem_shared>>
      tpu.wait_dma2 semaphore(%run_scoped3A : memref<!tpu.dma_semaphore, #tpu.memory_space<semaphore_mem>>) src(%dma_wait3A_301 : memref<64x128xf32, #tpu.memory_space<vmem_shared>>) dst(%dma_wait3A_299 : memref<64x128xf32, #tpu.memory_space<hbm>>)
      tpu.yield
    }) : () -> ()
    return
  }
}

module attributes {stable_mosaic.version = 14 : i64} {
  func.func @_mlp_body(%arg0: memref<2x1024x128xf32, #tpu.memory_space<vmem>>, %arg1: memref<128x128xf32, #tpu.memory_space<vmem>>, %arg2: memref<1x128xf32, #tpu.memory_space<vmem>>, %arg3: memref<1x128xf32, #tpu.memory_space<vmem>>, %arg4: memref<1x128xf32, #tpu.memory_space<vmem>>, %arg5: memref<128x256xf32, #tpu.memory_space<vmem>>, %arg6: memref<1x256xf32, #tpu.memory_space<vmem>>, %arg7: memref<1x256xf32, #tpu.memory_space<vmem>>, %arg8: memref<1x256xf32, #tpu.memory_space<vmem>>, %arg9: memref<256x1xf32, #tpu.memory_space<vmem>>, %arg10: memref<1x1xf32, #tpu.memory_space<vmem>>, %arg11: memref<1024x1xf32, #tpu.memory_space<vmem>>) attributes {dimension_semantics = [], scalar_prefetch = 0 : i64, scratch_operands = 0 : i64, tpu.core_type = #tpu.core_type<tc>} {
    %get3A = arith.constant 0 : index
    %get3A_0 = arith.constant 0 : index
    %get3A_1 = arith.constant 0 : index
    %get3A_2 = vector.load %arg0[%get3A, %get3A_0, %get3A_1] : memref<2x1024x128xf32, #tpu.memory_space<vmem>>, vector<1x1024x128xf32>
    %get3A_3 = vector.shape_cast %get3A_2 : vector<1x1024x128xf32> to vector<1024x128xf32>
    %get3A_4 = arith.constant 1 : index
    %get3A_5 = arith.constant 0 : index
    %get3A_6 = arith.constant 0 : index
    %get3A_7 = vector.load %arg0[%get3A_4, %get3A_5, %get3A_6] : memref<2x1024x128xf32, #tpu.memory_space<vmem>>, vector<1x1024x128xf32>
    %get3A_8 = vector.shape_cast %get3A_7 : vector<1x1024x128xf32> to vector<1024x128xf32>
    %add3A = arith.addf %get3A_3, %get3A_8 : vector<1024x128xf32>
    %get3A_9 = arith.constant 0 : index
    %get3A_10 = arith.constant 0 : index
    %get3A_11 = vector.load %arg1[%get3A_9, %get3A_10] : memref<128x128xf32, #tpu.memory_space<vmem>>, vector<128x128xf32>
    %dot_general3A = arith.constant dense<0.000000e+00> : vector<1024x128xf32>
    %dot_general3A_12 = tpu.matmul %add3A, %get3A_11, %dot_general3A {dimension_numbers = #tpu.dot_dimension_numbers<[1], [0], [0], [1], [0, 0, 1, 1], [], []>, transpose_lhs_hint = false} : vector<1024x128xf32>, vector<128x128xf32>, vector<1024x128xf32> -> vector<1024x128xf32>
    %get3A_13 = arith.constant 0 : index
    %get3A_14 = arith.constant 0 : index
    %get3A_15 = vector.load %arg2[%get3A_13, %get3A_14] : memref<1x128xf32, #tpu.memory_space<vmem>>, vector<1x128xf32>
    %add3A_16 = vector.broadcast %get3A_15 : vector<1x128xf32> to vector<1024x128xf32>
    %add3A_17 = arith.addf %dot_general3A_12, %add3A_16 : vector<1024x128xf32>
    %get3A_18 = arith.constant 0 : index
    %get3A_19 = arith.constant 0 : index
    %get3A_20 = vector.load %arg3[%get3A_18, %get3A_19] : memref<1x128xf32, #tpu.memory_space<vmem>>, vector<1x128xf32>
    %mul3A = arith.constant 0.999994993 : f32
    %mul3A_21 = vector.broadcast %mul3A : f32 to vector<1024x128xf32>
    %mul3A_22 = arith.mulf %add3A_17, %mul3A_21 : vector<1024x128xf32>
    %mul3A_23 = vector.broadcast %get3A_20 : vector<1x128xf32> to vector<1024x128xf32>
    %mul3A_24 = arith.mulf %mul3A_23, %mul3A_22 : vector<1024x128xf32>
    %get3A_25 = arith.constant 0 : index
    %get3A_26 = arith.constant 0 : index
    %get3A_27 = vector.load %arg4[%get3A_25, %get3A_26] : memref<1x128xf32, #tpu.memory_space<vmem>>, vector<1x128xf32>
    %add3A_28 = vector.broadcast %get3A_27 : vector<1x128xf32> to vector<1024x128xf32>
    %add3A_29 = arith.addf %mul3A_24, %add3A_28 : vector<1024x128xf32>
    %max3A = arith.constant 0.000000e+00 : f32
    %max3A_30 = vector.broadcast %max3A : f32 to vector<1024x128xf32>
    %max3A_31 = arith.maximumf %add3A_29, %max3A_30 : vector<1024x128xf32>
    %get3A_32 = arith.constant 0 : index
    %get3A_33 = arith.constant 0 : index
    %get3A_34 = vector.load %arg5[%get3A_32, %get3A_33] : memref<128x256xf32, #tpu.memory_space<vmem>>, vector<128x256xf32>
    %dot_general3A_35 = arith.constant dense<0.000000e+00> : vector<1024x256xf32>
    %dot_general3A_36 = tpu.matmul %max3A_31, %get3A_34, %dot_general3A_35 {dimension_numbers = #tpu.dot_dimension_numbers<[1], [0], [0], [1], [0, 0, 1, 1], [], []>, transpose_lhs_hint = false} : vector<1024x128xf32>, vector<128x256xf32>, vector<1024x256xf32> -> vector<1024x256xf32>
    %get3A_37 = arith.constant 0 : index
    %get3A_38 = arith.constant 0 : index
    %get3A_39 = vector.load %arg6[%get3A_37, %get3A_38] : memref<1x256xf32, #tpu.memory_space<vmem>>, vector<1x256xf32>
    %add3A_40 = vector.broadcast %get3A_39 : vector<1x256xf32> to vector<1024x256xf32>
    %add3A_41 = arith.addf %dot_general3A_36, %add3A_40 : vector<1024x256xf32>
    %get3A_42 = arith.constant 0 : index
    %get3A_43 = arith.constant 0 : index
    %get3A_44 = vector.load %arg7[%get3A_42, %get3A_43] : memref<1x256xf32, #tpu.memory_space<vmem>>, vector<1x256xf32>
    %mul3A_45 = arith.constant 0.999994993 : f32
    %mul3A_46 = vector.broadcast %mul3A_45 : f32 to vector<1024x256xf32>
    %mul3A_47 = arith.mulf %add3A_41, %mul3A_46 : vector<1024x256xf32>
    %mul3A_48 = vector.broadcast %get3A_44 : vector<1x256xf32> to vector<1024x256xf32>
    %mul3A_49 = arith.mulf %mul3A_48, %mul3A_47 : vector<1024x256xf32>
    %get3A_50 = arith.constant 0 : index
    %get3A_51 = arith.constant 0 : index
    %get3A_52 = vector.load %arg8[%get3A_50, %get3A_51] : memref<1x256xf32, #tpu.memory_space<vmem>>, vector<1x256xf32>
    %add3A_53 = vector.broadcast %get3A_52 : vector<1x256xf32> to vector<1024x256xf32>
    %add3A_54 = arith.addf %mul3A_49, %add3A_53 : vector<1024x256xf32>
    %max3A_55 = arith.constant 0.000000e+00 : f32
    %max3A_56 = vector.broadcast %max3A_55 : f32 to vector<1024x256xf32>
    %max3A_57 = arith.maximumf %add3A_54, %max3A_56 : vector<1024x256xf32>
    %get3A_58 = arith.constant 0 : index
    %get3A_59 = arith.constant 0 : index
    %get3A_60 = vector.load %arg9[%get3A_58, %get3A_59] : memref<256x1xf32, #tpu.memory_space<vmem>>, vector<256x1xf32>
    %dot_general3A_61 = arith.constant dense<0.000000e+00> : vector<1024x1xf32>
    %dot_general3A_62 = tpu.matmul %max3A_57, %get3A_60, %dot_general3A_61 {dimension_numbers = #tpu.dot_dimension_numbers<[1], [0], [0], [1], [0, 0, 1, 1], [], []>, transpose_lhs_hint = false} : vector<1024x256xf32>, vector<256x1xf32>, vector<1024x1xf32> -> vector<1024x1xf32>
    %get3A_63 = arith.constant 0 : index
    %get3A_64 = arith.constant 0 : index
    %get3A_65 = vector.load %arg10[%get3A_63, %get3A_64] : memref<1x1xf32, #tpu.memory_space<vmem>>, vector<1x1xf32>
    %add3A_66 = vector.broadcast %get3A_65 : vector<1x1xf32> to vector<1024x1xf32>
    %add3A_67 = arith.addf %dot_general3A_62, %add3A_66 : vector<1024x1xf32>
    %swap3A = arith.constant 0 : index
    %swap3A_68 = arith.constant 0 : index
    %swap3A_69 = vector.load %arg11[%swap3A, %swap3A_68] : memref<1024x1xf32, #tpu.memory_space<vmem>>, vector<1024x1xf32>
    tpu.vector_store %arg11[%swap3A, %swap3A_68], %add3A_67 {strides = array<i32>} : memref<1024x1xf32, #tpu.memory_space<vmem>>, vector<1024x1xf32>,
    return
  }
}

</mosaic_0001>

<sc_bundles>
// kernel: kernel.4.cloned.1.call-start
scs
__scs_entry_jumppad:
0x0: {  	(pc) =	sbr.rel $0x88, $3  }
0x1: {  	(tag) =	ssettag $0x0;
	lr =	simm.s32 $0x1  }
0x2: {  	[smem:$0x3F95] =	sst lr;
	_ =	strace $0xD0000000  }
0x3: {  	_ = 	snop  }
0x4: {  	_ = 	snop  }
0x5: {  	_ = 	snop  }
0x6: {  	_ = 	snop  }
0x7: {  	_ = 	snop  }
__scs_overlays_trampoline_lowered:
0x8: {  	[smem:$0x3FA4] =	sst s0  }
0x9: {  	[smem:$0x3FA5] =	sst s1  }
0xa: {  	[smem:$0x3FA6] =	sst s2  }
0xb: {  	[smem:$0x3FA7] =	sst s3  }
0xc: {  	[smem:$0x3FA8] =	sst s4  }
0xd: {  	[smem:$0x3FA9] =	sst s5  }
0xe: {  	[smem:$0x3FAA] =	sst s6  }
0xf: {  	[smem:$0x3FAB] =	sst s7  }
0x10: {  	[smem:$0x3FAC] =	sst s8  }
0x11: {  	[smem:$0x3FAD] =	sst s9;
	s0 =	simm.s32 @!p0 $0x0  }
0x12: {  	s1 =	sld [smem:$0x3F93];
	s0 =	simm.s32 @p0 $0x1  }
0x13: {  	[smem:$0x3FAE] =	sst s0;
	s0 =	simm.s32 @!p1 $0x0  }
0x14: {  	s2 =	sld [smem:$0x3F92];
	s0 =	simm.s32 @p1 $0x1  }
0x15: {  	[smem:$0x3FAF] =	sst s0;
	s0 =	simm.s32 @!p2 $0x0  }
0x16: {  	s3 =	sld [smem:$0x3FDB];
	s0 =	simm.s32 @p2 $0x1  }
0x17: {  	s4 =	simm.s32 $0x1BF5;
	[smem:$0x3FB1] =	sst s0  }
0x18: {  	s0 =	sld [smem:$0x3F94];
	_ =	swait.ge [sflag:s4], $0x0  }
0x19: {  	s7 =	sld [smem:$0x3F95]  }
0x1a: {  	s8 =	sadd.s32 $0xFFFFE003, lr  }
0x1b: {  	s9 =	sadd.s32 $0xFFFFFEF7, lr;
	s5 =	simm.s32 $0xFFFFFFFF;
	p2 =	slt.u32 s8, $0xFFFFF086  }
0x1c: {  	p1 =	slt.u32 s9, $0xF7A;
	s5 =	simm.s32 @!p2 $0x0  }
0x1d: {  	s5 =	simm.s32 @p1 $0x1;
	p0 =	seq.s32 s7, s2  }
0x1e: {  	s7 =	smul.u32 @!p0 $0xF7A, s2;
	p2 =	seq.s32 @!p0 s5, $0x0  }
0x1f: {  	s9 =	smul.u32 $0xF7A, s1;
	s8 =	simm.s32 @!p0 $0x1BF5;
	p2 =	por !p2, p0  }
0x20: {  	[sflag:s8] =	ssyncset.s32 @!p0 $0xFFFFF086;
	s6 =	sadd.s32 @!p0 s3, s7;
	s7 =	simm.s32 @!p0 $0x108  }
0x21: {  	s3 =	sadd.s32 s3, s9;
	s6 =	sadd.s32 @!p0 $0x88, s6;
	s7 =	simm.s32 @p2 $0x1082  }
0x22: {  	[simem:s7], [sflag:s8] =	dma.local @!p0 [hbm:s6], $0xF7A  }
0x23: {  	s9 =	sor.u32 $0xD0000000, s2;
	s6 =	simm.s32 $0x108;
	_ =	swait.ge @!p0 [sflag:s8], $0x0  }
0x24: {  	s3 =	sadd.s32 $0x88, s3;
	s6 =	simm.s32 @!p1 $0x1082;
	[sflag:s4] =	ssyncset.s32 $0xFFFFF086  }
0x25: {  	[simem:s6], [sflag:s4] =	dma.local [hbm:s3], $0xF7A  }
0x26: {  	[smem:$0x3F95] =	sst s1;
	(tag) =	ssettag s2;
	_ =	strace s9  }
0x27: {  	s1 =	sld [smem:$0x3FA5]  }
0x28: {  	s2 =	sld [smem:$0x3FA6]  }
0x29: {  	s4 =	sld [smem:$0x3FA8]  }
0x2a: {  	p0 =	seq.s32 s5, $0x0;
	s5 =	sld [smem:$0x3FA9]  }
0x2b: {  	s6 =	sld [smem:$0x3FAA]  }
0x2c: {  	s7 =	sld [smem:$0x3FAB]  }
0x2d: {  	s3 =	simm.s32 $0x108;
	s8 =	sld [smem:$0x3FAC]  }
0x2e: {  	s3 =	simm.s32 @!p0 $0x1082;
	s9 =	sld [smem:$0x3FAD]  }
0x2f: {  	lr =	sadd.s32 s0, s3;
	s0 =	sld [smem:$0x3FA4]  }
0x30: {  	s3 =	sld [smem:$0x3FA7]  }
0x31: {  	[smem:$0x3FB0] =	sst s10  }
0x32: {  	s10 =	sld [smem:$0x3FAE];
	_ =	sdelay $0x3  }
0x33: {  	p0 =	seq.s32 s10, $0x1;
	s10 =	sld [smem:$0x3FB0];
	_ =	sdelay $0x3  }
0x34: {  	[smem:$0x3FB0] =	sst s10  }
0x35: {  	s10 =	sld [smem:$0x3FAF];
	_ =	sdelay $0x3  }
0x36: {  	p1 =	seq.s32 s10, $0x1;
	s10 =	sld [smem:$0x3FB0];
	_ =	sdelay $0x3  }
0x37: {  	[smem:$0x3FB0] =	sst s10  }
0x38: {  	s10 =	sld [smem:$0x3FB1]  }
0x39: {  	_ = 	snop;
	(pc) =	sbr.ind lr, $3  }
0x3a: {  	_ = 	snop  }
0x3b: {  	_ = 	snop  }
0x3c: {  	p2 =	seq.s32 s10, $0x1;
	s10 =	sld [smem:$0x3FB0]  }
0x3d: {  	_ =	shalt  }
0x3e: {  	_ =	shalt  }
0x3f: {  	_ =	shalt  }
0x40: {  	_ =	shalt  }
0x41: {  	_ =	shalt  }
0x42: {  	_ =	shalt  }
0x43: {  	_ =	shalt  }
0x44: {  	_ =	shalt  }
0x45: {  	_ =	shalt  }
0x46: {  	_ =	shalt  }
0x47: {  	_ =	shalt  }
0x48: {  	_ =	shalt  }
0x49: {  	_ =	shalt  }
0x4a: {  	_ =	shalt  }
0x4b: {  	_ =	shalt  }
0x4c: {  	_ =	shalt  }
0x4d: {  	_ =	shalt  }
0x4e: {  	_ =	shalt  }
0x4f: {  	_ =	shalt  }
0x50: {  	_ =	shalt  }
0x51: {  	_ =	shalt  }
0x52: {  	_ =	shalt  }
0x53: {  	_ =	shalt  }
0x54: {  	_ =	shalt  }
0x55: {  	_ =	shalt  }
0x56: {  	_ =	shalt  }
0x57: {  	_ =	shalt  }
0x58: {  	_ =	shalt  }
0x59: {  	_ =	shalt  }
0x5a: {  	_ =	shalt  }
0x5b: {  	_ =	shalt  }
0x5c: {  	_ =	shalt  }
0x5d: {  	_ =	shalt  }
0x5e: {  	_ =	shalt  }
0x5f: {  	_ =	shalt  }
0x60: {  	_ =	shalt  }
0x61: {  	_ =	shalt  }
0x62: {  	_ =	shalt  }
0x63: {  	_ =	shalt  }
0x64: {  	_ =	shalt  }
0x65: {  	_ =	shalt  }
0x66: {  	_ =	shalt  }
0x67: {  	_ =	shalt  }
0x68: {  	_ =	shalt  }
0x69: {  	_ =	shalt  }
0x6a: {  	_ =	shalt  }
0x6b: {  	_ =	shalt  }
0x6c: {  	_ =	shalt  }
0x6d: {  	_ =	shalt  }
0x6e: {  	_ =	shalt  }
0x6f: {  	_ =	shalt  }
0x70: {  	_ =	shalt  }
0x71: {  	_ =	shalt  }
0x72: {  	_ =	shalt  }
0x73: {  	_ =	shalt  }
0x74: {  	_ =	shalt  }
0x75: {  	_ =	shalt  }
0x76: {  	_ =	shalt  }
0x77: {  	_ =	shalt  }
0x78: {  	_ =	shalt  }
0x79: {  	_ =	shalt  }
0x7a: {  	_ =	shalt  }
0x7b: {  	_ =	shalt  }
0x7c: {  	_ =	shalt  }
0x7d: {  	_ =	shalt  }
0x7e: {  	_ =	shalt  }
0x7f: {  	_ =	shalt  }
0x80: {  	_ =	shalt  }
0x81: {  	_ =	shalt  }
0x82: {  	_ =	shalt  }
0x83: {  	_ =	shalt  }
0x84: {  	_ =	shalt  }
0x85: {  	_ =	shalt  }
0x86: {  	_ =	shalt  }
0x87: {  	_ =	shalt  }
.Lfunc_end0:
.L_simem_size_0:
called_computation_lowered:
.L_overlay_start_0:
0x88: {  	s2 =	sld [smem:$0x3FD9]  }
0x89: {  	s3 =	sld [smem:$0x3FFE];
	_ =	sdelay $0x1  }
0x8a: {  	s1 =	srdreg.scid  }
0x8b: {  	s0 =	sand.u32 $0x1, s1  }
0x8c: {  	s17 =	sshll.u32 s0, $0xA;
	s2 =	sadd.s32 s3, s2  }
0x8d: {  	s2 =	sadd.s32 s2, s17  }
0x8e: {  	[smem:$0x3FBC] =	sst s2  }
0x8f: {  	_ = 	snop  }
0x90: {  	s2 =	sld [smem:$0x3FC9];
	(tm) =	ssettm $0x1  }
0x91: {  	s18 =	sld [smem:$0x3FFB];
	_ =	sdelay $0x3  }
0x92: {  	_ =	strace s18  }
0x93: {  	s3 =	sld [smem:$0x3FFC];
	_ =	sdelay $0x3  }
0x94: {  	_ =	strace s3  }
0x95: {  	s3 =	sld [smem:$0x3FFD];
	_ =	sdelay $0x3  }
0x96: {  	_ =	strace s3  }
0x97: {  	_ =	strace $0x8FFFFFFF  }
0x98: {  	s19 =	sld [smem:$0x3FDB];
	_ =	sdelay $0x1  }
0x99: {  	s4 =	simm.s32 $_scs_section_size  }
0x9a: {  	s5 =	simm.s32 $_size__tile_overlayer_lowered;
	s6 =	simm.s32 $_tile_overlayer_lowered  }
0x9b: {  	s22 =	simm.s32 $0x1BFF;
	s21 =	sshll.u32 s6, $0x1;
	s3 =	sadd.s32 s4, s19  }
0x9c: {  	s7 =	simm.s32 $0x0;
	s20 =	sshll.u32 s5, $0x1;
	s5 =	sadd.s32 s21, s3  }
0x9d: {  	[timem:s7], [sflag:s22] =	dma.local [hbm:s5], s20  }
0x9e: {  	_ =	swait.ge [sflag:s22], s20  }
0x9f: {  	s4 =	ssub.s32 $0x0, s20;
	[sflag:s22] =	ssyncset.done $0x0  }
0xa0: {  	[sflag:s22] =	ssyncadd.s32 s4;
	_ =	sdelay $0x1  }
0xa1: {  	s23 =	simm.s32 $0x1B8B  }
0xa2: {  	_ =	swait.ge [sflag:s23], $0x1  }
0xa3: {  	[sflag:s23] =	ssyncset.done $0x0  }
0xa4: {  	s25 =	simm.s32 $0x1B8E;
	s24 =	sld [smem:$0x3FFE];
	[sflag:s23] =	ssyncadd.s32 $0xFFFFFFFF  }
0xa5: {  	s26 =	simm.s32 $execute0_lowered;
	[smem:$0x3FD2] =	sst s25  }
0xa6: {  	s5 =	sshll.u32 s26, $0x1;
	_ =	strace $0x80000046;
	[dreg:$0x1] =	wrdreg $0xFFFFFFFF  }
0xa7: {  	s28 =	simm.s32 $_size_execute0_lowered;
	s3 =	sadd.s32 s3, s5;
	[dreg:$0x0] =	wrdreg $0x0  }
0xa8: {  	s5 =	sshll.u32 s28, $0x1;
	[dreg:$0x2] =	wrdreg s3  }
0xa9: {  	[dreg:$0x3] =	wrdreg s5  }
0xaa: {  	[dreg:$0x4] =	wrdreg $0xC0  }
0xab: {  	_ =	task [dreg:s7], $0x5FFFF  }
0xac: {  	[dreg:$0x1] =	wrdreg $0xFFFFFFFF  }
0xad: {  	[dreg:$0x0] =	wrdreg $0x60  }
0xae: {  	[dreg:$0x2] =	wrdreg s2  }
0xaf: {  	[dreg:$0x3] =	wrdreg s24  }
0xb0: {  	[dreg:$0x4] =	wrdreg $0x102800  }
0xb1: {  	[dreg:$0x5] =	wrdreg $0x9  }
0xb2: {  	_ =	task.clear_ibuf [dreg:s7], $0x6FFFF;
	_ =	strace $0x90000046  }
0xb3: {  	s29 =	simm.s32 $0x9;
	_ =	strace $0x80000048  }
0xb4: {  	_ =	swait.ge [sflag:s29], $0x1  }
0xb5: {  	[sflag:s29] =	ssyncadd.s32 $0xFFFFFFFF  }
0xb6: {  	_ =	strace $0x90000048  }
0xb7: {  	_ =	sfence  }
0xb8: {  	s30 =	sld [smem:$0x0];
	_ =	sdelay $0x2  }
0xb9: {  	s31 =	sshll.u32 s1, $0xD;
	s1 =	sshrl.u32 s1, $0x2  }
0xba: {  	s3 =	sand.u32 $0x4000, s31;
	s1 =	sadd.s32 s1, s30  }
0xbb: {  	s0 =	sor.u32 s3, s0;
	s1 =	sshll.u32 s1, $0x11  }
0xbc: {  	s0 =	sor.u32 s1, s0  }
0xbd: {  	s0 =	sadd.s32 $0x8F2B, s0  }
0xbe: {  	[sflag:s0] =	ssyncadd.remote.s32 $0x1  }
0xbf: {  	_ =	sfence.sel $0xFFFF  }
0xc0: {  	[dreg:$0x0] =	wrdreg $0xFFFFFFFF;
	(pc) =	sbr.abs _section_cstart, $3  }
0xc1: {  	[dreg:$0x1] =	wrdreg $0xFFFFFFFF  }
0xc2: {  	_ =	task.clear_ibuf [dreg:s7], $0x2FFFF;
	_ =	strace $0x9FFFFFFF  }
0xc3: {  	(tm) =	ssettm $0x7FFFFFFF  }
tec
execute0_lowered:
.L_overlay_start_1:
0x0: {  	(tag) =	ssettag $0x1  }
0x1: {  	s4 =	rddreg [dreg:$0x0]  }
0x2: {  	s1 =	rddreg [dreg:$0x1]  }
0x3: {  	s2 =	rddreg [dreg:$0x2]  }
0x4: {  	s20 =	rddreg [dreg:$0x3];
	s3 =	simm.s32 $0x0  }
0x5: {  	s21 =	stileid.u32;
	s5 =	srdreg.scid;
	p2 =	por $0x0, $0x0  }
0x6: {  	[smem:$0x7FF] =	sst s3;
	s0 =	sadd.s32 $0x7E00, s1;
	s5 =	sand.u32 $0x1, s5  }
0x7: {  	s6 =	sshll.u32 s21, $0x1;
	s7 =	sshll.u32 s21, $0xD;
	s28 =	sshll.u32 s21, $0xA  }
0x8: {  	p1 =	sgt.u32 s21, $0x2;
	_ =	strace $0x80000047;
	[dreg:$0x4] =	wrdreg s0  }
0x9: {  	s0 =	sor.u32 s5, s6;
	s7 =	sadd.s32 s7, s2;
	s6 =	sadd.s32 $0x4C00, s1  }
0xa: {  	[dreg:$0x5] =	wrdreg s7;
	s17 =	sshll.u32 s0, $0xC;
	s8 =	sshll.u32 s0, $0x8  }
0xb: {  	s9 =	sshll.u32 s0, $0x5;
	s10 =	sor.u32 $0x20, s0;
	s22 =	sor.u32 $0x40, s0  }
0xc: {  	s26 =	sor.u32 $0x60, s0;
	s30 =	sor.u32 $0x80, s0;
	s15 =	sor.u32 $0xC0, s0  }
0xd: {  	p0 =	sne.s32 s0, $0x1F;
	s7 =	sadd.s32 s4, s17;
	s9 =	sadd.s32 s6, s9  }
0xe: {  	s18 =	sshll.u32 s10, $0x8;
	s19 =	sshll.u32 s10, $0xC;
	s11 =	sshll.u32 s22, $0x8  }
0xf: {  	s10 =	sshll.u32 s22, $0xC;
	s29 =	sshll.u32 s26, $0x8;
	s12 =	sshll.u32 s30, $0x8  }
0x10: {  	s16 =	sshll.u32 s15, $0x8;
	s22 =	sor.u32 $0xE0, s0;
	[dreg:$0x6] =	wrdreg s7  }
0x11: {  	s7 =	sand.u32 $0x300, s8;
	[dreg:$0x7] =	wrdreg s9;
	s8 =	sand.u32 $0x3C00, s18  }
0x12: {  	s9 =	sadd.s32 s4, s19;
	s23 =	sand.u32 $0x5C00, s11;
	s24 =	sadd.s32 s4, s10  }
0x13: {  	s31 =	sand.u32 $0x9C00, s12;
	s11 =	sshll.u32 s30, $0xC;
	s12 =	sor.u32 $0xA0, s0  }
0x14: {  	s17 =	sand.u32 $0xDC00, s16;
	s30 =	sor.u32 $0x120, s0;
	s16 =	sor.u32 $0x140, s0  }
0x15: {  	s8 =	sor.u32 s7, s8;
	[dreg:$0x8] =	wrdreg s9;
	s9 =	sor.u32 s7, s23  }
0x16: {  	[dreg:$0xa] =	wrdreg s24;
	s11 =	sadd.s32 s4, s11;
	s13 =	sshll.u32 s12, $0x8  }
0x17: {  	s14 =	sshll.u32 s12, $0xC;
	s23 =	ssub.s32 $0x2, s5;
	s24 =	sshll.u32 s22, $0x8  }
0x18: {  	s5 =	sshll.u32 s5, $0xE;
	s8 =	sshrl.u32 s8, $0x3;
	s9 =	sshrl.u32 s9, $0x3  }
0x19: {  	[dreg:$0xe] =	wrdreg s11;
	s10 =	sadd.s32 s4, s14;
	s11 =	sshll.u32 s15, $0xC  }
0x1a: {  	s15 =	sshll.u32 s30, $0x8;
	s14 =	sshll.u32 s16, $0x8;
	s8 =	sadd.s32 s6, s8  }
0x1b: {  	s25 =	sadd.s32 s6, s9;
	s9 =	sshll.u32 s26, $0xC;
	[dreg:$0x10] =	wrdreg s10  }
0x1c: {  	s10 =	sor.u32 s7, s17;
	s18 =	sadd.s32 s4, s11;
	[dreg:$0x9] =	wrdreg s8  }
0x1d: {  	s17 =	sand.u32 $0x15C00, s14;
	s14 =	simm.s32 $0x2;
	[dreg:$0xb] =	wrdreg s25  }
0x1e: {  	s8 =	sand.u32 $0x7C00, s29;
	s9 =	sadd.s32 s4, s9;
	s10 =	sshrl.u32 s10, $0x3  }
0x1f: {  	[dreg:$0x12] =	wrdreg s18;
	s25 =	sor.u32 $0x100, s0;
	s8 =	sor.u32 s7, s8  }
0x20: {  	[dreg:$0xc] =	wrdreg s9;
	s9 =	sor.u32 s7, s31;
	s19 =	sadd.s32 s6, s10  }
0x21: {  	s10 =	sshll.u32 s22, $0xC;
	s12 =	sshll.u32 s25, $0xC;
	s31 =	sshrl.u32 s23, $0x1  }
0x22: {  	s22 =	sor.u32 $0x160, s0;
	s8 =	sshrl.u32 s8, $0x3;
	s9 =	sshrl.u32 s9, $0x3  }
0x23: {  	[dreg:$0x13] =	wrdreg s19;
	s10 =	sadd.s32 s4, s10;
	s11 =	ssub.s32 s23, s31  }
0x24: {  	s23 =	sshll.u32 s22, $0x8;
	s8 =	sadd.s32 s6, s8;
	[dreg:$0x14] =	wrdreg s10  }
0x25: {  	s9 =	sadd.s32 s6, s9;
	s31 =	smax.u32 s11, $0x1;
	[dreg:$0xd] =	wrdreg s8  }
0x26: {  	s11 =	simm.s32 $0x10100;
	s8 =	sadd.s32 s28, s1;
	[dreg:$0xf] =	wrdreg s9  }
0x27: {  	s9 =	sand.u32 $0xBC00, s13;
	s13 =	sshll.u32 s25, $0x8;
	s28 =	sadd.s32 s4, s12  }
0x28: {  	s9 =	sor.u32 s7, s9;
	s26 =	sand.u32 $0x11C00, s13;
	[dreg:$0x16] =	wrdreg s28  }
0x29: {  	s13 =	sshll.u32 s16, $0xC;
	s5 =	sadd.s32 s5, s8;
	s8 =	sadd.s32 $0x7CC0, s1  }
0x2a: {  	s16 =	simm.s32 $0x10080;
	s9 =	sshrl.u32 s9, $0x3;
	s10 =	sor.u32 s7, s26  }
0x2b: {  	s18 =	sadd.s32 s4, s13;
	s5 =	sadd.s32 $0x8200, s5;
	s13 =	simm.s32 $0xC000  }
0x2c: {  	s9 =	sadd.s32 s6, s9;
	s10 =	sshrl.u32 s10, $0x3;
	[dreg:$0x1a] =	wrdreg s18  }
0x2d: {  	s18 =	simm.s32 $0x1;
	[dreg:$0x11] =	wrdreg s9;
	s9 =	sand.u32 $0xFC00, s24  }
0x2e: {  	s29 =	sadd.s32 s6, s10;
	s10 =	sshll.u32 s30, $0xC;
	s24 =	sor.u32 $0x180, s0  }
0x2f: {  	s30 =	sadd.s32 $0x186000, s4;
	s9 =	sor.u32 s7, s9;
	[dreg:$0x17] =	wrdreg s29  }
0x30: {  	s10 =	sadd.s32 s4, s10;
	s25 =	sshll.u32 s24, $0x8;
	s12 =	sshll.u32 s24, $0xC  }
0x31: {  	s29 =	sshll.u32 s21, $0x6;
	[smem:$0x7FD] =	sst s30;
	s24 =	sadd.s32 $0xFFFFFFFF, s31  }
0x32: {  	s9 =	sshrl.u32 s9, $0x3;
	[dreg:$0x18] =	wrdreg s10;
	s10 =	sor.u32 s7, s17  }
0x33: {  	s26 =	sand.u32 $0x18400, s25;
	s28 =	sadd.s32 s4, s12;
	s17 =	simm.s32 $0x4000  }
0x34: {  	s12 =	simm.s32 $0x10180;
	s25 =	rddreg [dreg:$0x5];
	s9 =	sadd.s32 s6, s9  }
0x35: {  	p3 =	sne.s32 s24, $0x0;
	[dreg:$0x15] =	wrdreg s9;
	s9 =	sand.u32 $0x13C00, s15  }
0x36: {  	s10 =	sshrl.u32 s10, $0x3;
	[dreg:$0x1e] =	wrdreg s28;
	s9 =	sor.u32 s7, s9  }
0x37: {  	s19 =	sadd.s32 s6, s10;
	s10 =	sshll.u32 s22, $0xC;
	s9 =	sshrl.u32 s9, $0x3  }
0x38: {  	s15 =	simm.s32 $0x10000;
	[dreg:$0x1b] =	wrdreg s19;
	s9 =	sadd.s32 s6, s9  }
0x39: {  	s10 =	sadd.s32 s4, s10;
	[dreg:$0x19] =	wrdreg s9;
	s9 =	sand.u32 $0x17C00, s23  }
.Ltmp0:
0x3a: {  	s4 =	sor.u32 $0x1C03, s29;
	s9 =	sor.u32 s7, s9;
	(pc) =	sbr.rel @!p3 .LBB2_5-.Ltmp0, $4  }
0x3b: {  	[dreg:$0x1c] =	wrdreg s10;
	s7 =	sor.u32 s7, s26;
	s9 =	sshrl.u32 s9, $0x3  }
0x3c: {  	s10 =	simm.s32 $0x8000;
	s7 =	sshrl.u32 s7, $0x3;
	s9 =	sadd.s32 s6, s9  }
0x3d: {  	s6 =	sadd.s32 s6, s7;
	s7 =	sadd.s32 $0x4AD0, s1;
	[dreg:$0x1d] =	wrdreg s9  }
0x3e: {  	[dreg:$0x1f] =	wrdreg s6;
	s6 =	simm.s32 $0x3;
	s9 =	simm.s32 $0x80  }
0x3f: {  	s0 =	rddreg [dreg:$0x4];
	s25 =	sshrl.u32 s25, $0x3  }
0x40: {  	[spmem:s25], [sflag:s4] =	dma.local [hbm:s0], $0x400  }
0x41: {  	_ =	swait.ge [sflag:s6], $0x400  }
0x42: {  	[sflag:s6] =	ssyncset.done $0x0  }
0x43: {  	[sflag:s6] =	ssyncadd.s32 $0xFFFFFC00  }
0x44: {  	[bflag:$0x0] =	sbarrier.arrive $0xFFFF  }
0x45: {  	s19 =	rddreg [dreg:$0x6]  }
0x46: {  	[tilespmem:s3], [sflag:$0x1] =	stream.linear.gather [hbm4b:s19+s3], $0x8000, $0x38;
	[tilespmem:$0x12280] =	vst v63  }
0x47: {  	s1 =	rddreg [dreg:$0x7]  }
0x48: {  	[tilespmem:s15], [sflag:$0x1] =	stream.linear.gather [hbm4b:s1+s3], $0x100, $0x38;
	[tilespmem:$0x12280] =	vst v63  }
0x49: {  	s20 =	rddreg [dreg:$0x8]  }
0x4a: {  	[tilespmem:s10], [sflag:$0x2] =	stream.linear.gather [hbm4b:s20+s3], $0x8000, $0x38;
	[tilespmem:$0x12280] =	vst v63  }
0x4b: {  	s21 =	rddreg [dreg:$0x9]  }
0x4c: {  	[tilespmem:s11], [sflag:$0x2] =	stream.linear.gather [hbm4b:s21+s3], $0x100, $0x38;
	[tilespmem:$0x12280] =	vst v63  }
0x4d: {  	_ =	swait.ge [sflag:s18], $0x8000  }
0x4e: {  	[sflag:s18] =	ssyncset.done $0x0  }
0x4f: {  	[sflag:s18] =	ssyncadd.s32 $0xFFFF8000  }
0x50: {  	_ =	swait.ge [sflag:s18], $0x100  }
0x51: {  	[sflag:s18] =	ssyncset.done $0x0  }
0x52: {  	[sflag:s18] =	ssyncadd.s32 $0xFFFFFF00  }
0x53: {  	[spmem:s2] =	stream.indirect.scatter.add.f32 [tilespmem:s3], [sflag:$0x3], $0x80, s15, s9, $0xb8;
	[tilespmem:$0x12280] =	vst v63  }
0x54: {  	_ =	swait.ge [sflag:s6], $0x4000  }
0x55: {  	[sflag:s6] =	ssyncset.done $0x0  }
0x56: {  	[sflag:s6] =	ssyncadd.s32 $0xFFFFC000  }
0x57: {  	[spmem:s2] =	stream.indirect.scatter.add.f32 [tilespmem:s17], [sflag:$0x3], $0x80, s16, s9, $0xb8;
	[tilespmem:$0x12280] =	vst v63  }
0x58: {  	_ =	swait.ge [sflag:s6], $0x4000  }
0x59: {  	[sflag:s6] =	ssyncset.done $0x0  }
0x5a: {  	s22 =	rddreg [dreg:$0xa];
	[sflag:s6] =	ssyncadd.s32 $0xFFFFC000  }
0x5b: {  	[tilespmem:s3], [sflag:$0x1] =	stream.linear.gather [hbm4b:s22+s3], $0x8000, $0x38;
	[tilespmem:$0x12280] =	vst v63  }
0x5c: {  	s23 =	rddreg [dreg:$0xb]  }
0x5d: {  	[tilespmem:s15], [sflag:$0x1] =	stream.linear.gather [hbm4b:s23+s3], $0x100, $0x38;
	[tilespmem:$0x12280] =	vst v63  }
0x5e: {  	_ =	swait.ge [sflag:s14], $0x8000  }
0x5f: {  	[sflag:s14] =	ssyncset.done $0x0  }
0x60: {  	[sflag:s14] =	ssyncadd.s32 $0xFFFF8000  }
0x61: {  	_ =	swait.ge [sflag:s14], $0x100  }
0x62: {  	[sflag:s14] =	ssyncset.done $0x0  }
0x63: {  	[sflag:s14] =	ssyncadd.s32 $0xFFFFFF00  }
0x64: {  	[spmem:s2] =	stream.indirect.scatter.add.f32 [tilespmem:s10], [sflag:$0x3], $0x80, s11, s9, $0xb8;
	[tilespmem:$0x12280] =	vst v63  }
0x65: {  	_ =	swait.ge [sflag:s6], $0x4000  }
0x66: {  	[sflag:s6] =	ssyncset.done $0x0  }
0x67: {  	[sflag:s6] =	ssyncadd.s32 $0xFFFFC000  }
0x68: {  	[spmem:s2] =	stream.indirect.scatter.add.f32 [tilespmem:s13], [sflag:$0x3], $0x80, s12, s9, $0xb8;
	[tilespmem:$0x12280] =	vst v63  }
0x69: {  	_ =	swait.ge [sflag:s6], $0x4000  }
0x6a: {  	[sflag:s6] =	ssyncset.done $0x0  }
0x6b: {  	s26 =	rddreg [dreg:$0xc];
	[sflag:s6] =	ssyncadd.s32 $0xFFFFC000  }
0x6c: {  	[tilespmem:s10], [sflag:$0x2] =	stream.linear.gather [hbm4b:s26+s3], $0x8000, $0x38;
	[tilespmem:$0x12280] =	vst v63  }
0x6d: {  	s31 =	rddreg [dreg:$0xd]  }
0x6e: {  	[tilespmem:s11], [sflag:$0x2] =	stream.linear.gather [hbm4b:s31+s3], $0x100, $0x38;
	[tilespmem:$0x12280] =	vst v63  }
0x6f: {  	_ =	swait.ge [sflag:s18], $0x8000  }
0x70: {  	[sflag:s18] =	ssyncset.done $0x0  }
0x71: {  	[sflag:s18] =	ssyncadd.s32 $0xFFFF8000  }
0x72: {  	_ =	swait.ge [sflag:s18], $0x100  }
0x73: {  	[sflag:s18] =	ssyncset.done $0x0  }
0x74: {  	[sflag:s18] =	ssyncadd.s32 $0xFFFFFF00  }
0x75: {  	[spmem:s2] =	stream.indirect.scatter.add.f32 [tilespmem:s3], [sflag:$0x3], $0x80, s15, s9, $0xb8;
	[tilespmem:$0x12280] =	vst v63  }
0x76: {  	_ =	swait.ge [sflag:s6], $0x4000  }
0x77: {  	[sflag:s6] =	ssyncset.done $0x0  }
0x78: {  	[sflag:s6] =	ssyncadd.s32 $0xFFFFC000  }
0x79: {  	[spmem:s2] =	stream.indirect.scatter.add.f32 [tilespmem:s17], [sflag:$0x3], $0x80, s16, s9, $0xb8;
	[tilespmem:$0x12280] =	vst v63  }
0x7a: {  	_ =	swait.ge [sflag:s6], $0x4000  }
0x7b: {  	[sflag:s6] =	ssyncset.done $0x0  }
0x7c: {  	s1 =	rddreg [dreg:$0xe];
	[sflag:s6] =	ssyncadd.s32 $0xFFFFC000  }
0x7d: {  	[tilespmem:s3], [sflag:$0x1] =	stream.linear.gather [hbm4b:s1+s3], $0x8000, $0x38;
	[tilespmem:$0x12280] =	vst v63  }
0x7e: {  	s19 =	rddreg [dreg:$0xf]  }
0x7f: {  	[tilespmem:s15], [sflag:$0x1] =	stream.linear.gather [hbm4b:s19+s3], $0x100, $0x38;
	[tilespmem:$0x12280] =	vst v63  }
0x80: {  	_ =	swait.ge [sflag:s14], $0x8000  }
0x81: {  	[sflag:s14] =	ssyncset.done $0x0  }
0x82: {  	[sflag:s14] =	ssyncadd.s32 $0xFFFF8000  }
0x83: {  	_ =	swait.ge [sflag:s14], $0x100  }
0x84: {  	[sflag:s14] =	ssyncset.done $0x0  }
0x85: {  	[sflag:s14] =	ssyncadd.s32 $0xFFFFFF00  }
0x86: {  	[spmem:s2] =	stream.indirect.scatter.add.f32 [tilespmem:s10], [sflag:$0x3], $0x80, s11, s9, $0xb8;
	[tilespmem:$0x12280] =	vst v63  }
0x87: {  	_ =	swait.ge [sflag:s6], $0x4000  }
0x88: {  	[sflag:s6] =	ssyncset.done $0x0  }
0x89: {  	[sflag:s6] =	ssyncadd.s32 $0xFFFFC000  }
0x8a: {  	[spmem:s2] =	stream.indirect.scatter.add.f32 [tilespmem:s13], [sflag:$0x3], $0x80, s12, s9, $0xb8;
	[tilespmem:$0x12280] =	vst v63  }
0x8b: {  	_ =	swait.ge [sflag:s6], $0x4000  }
0x8c: {  	[sflag:s6] =	ssyncset.done $0x0  }
0x8d: {  	s20 =	rddreg [dreg:$0x10];
	[sflag:s6] =	ssyncadd.s32 $0xFFFFC000  }
0x8e: {  	[tilespmem:s10], [sflag:$0x2] =	stream.linear.gather [hbm4b:s20+s3], $0x8000, $0x38;
	[tilespmem:$0x12280] =	vst v63  }
0x8f: {  	s21 =	rddreg [dreg:$0x11]  }
0x90: {  	[tilespmem:s11], [sflag:$0x2] =	stream.linear.gather [hbm4b:s21+s3], $0x100, $0x38;
	[tilespmem:$0x12280] =	vst v63  }
0x91: {  	_ =	swait.ge [sflag:s18], $0x8000  }
0x92: {  	[sflag:s18] =	ssyncset.done $0x0  }
0x93: {  	[sflag:s18] =	ssyncadd.s32 $0xFFFF8000  }
0x94: {  	_ =	swait.ge [sflag:s18], $0x100  }
0x95: {  	[sflag:s18] =	ssyncset.done $0x0  }
0x96: {  	[sflag:s18] =	ssyncadd.s32 $0xFFFFFF00  }
0x97: {  	[spmem:s2] =	stream.indirect.scatter.add.f32 [tilespmem:s3], [sflag:$0x3], $0x80, s15, s9, $0xb8;
	[tilespmem:$0x12280] =	vst v63  }
0x98: {  	_ =	swait.ge [sflag:s6], $0x4000  }
0x99: {  	[sflag:s6] =	ssyncset.done $0x0  }
0x9a: {  	[sflag:s6] =	ssyncadd.s32 $0xFFFFC000  }
0x9b: {  	[spmem:s2] =	stream.indirect.scatter.add.f32 [tilespmem:s17], [sflag:$0x3], $0x80, s16, s9, $0xb8;
	[tilespmem:$0x12280] =	vst v63  }
0x9c: {  	_ =	swait.ge [sflag:s6], $0x4000  }
0x9d: {  	[sflag:s6] =	ssyncset.done $0x0  }
0x9e: {  	s22 =	rddreg [dreg:$0x12];
	[sflag:s6] =	ssyncadd.s32 $0xFFFFC000  }
0x9f: {  	[tilespmem:s3], [sflag:$0x1] =	stream.linear.gather [hbm4b:s22+s3], $0x8000, $0x38;
	[tilespmem:$0x12280] =	vst v63  }
0xa0: {  	s23 =	rddreg [dreg:$0x13]  }
0xa1: {  	[tilespmem:s15], [sflag:$0x1] =	stream.linear.gather [hbm4b:s23+s3], $0x100, $0x38;
	[tilespmem:$0x12280] =	vst v63  }
0xa2: {  	_ =	swait.ge [sflag:s14], $0x8000  }
0xa3: {  	[sflag:s14] =	ssyncset.done $0x0  }
0xa4: {  	[sflag:s14] =	ssyncadd.s32 $0xFFFF8000  }
0xa5: {  	_ =	swait.ge [sflag:s14], $0x100  }
0xa6: {  	[sflag:s14] =	ssyncset.done $0x0  }
0xa7: {  	[sflag:s14] =	ssyncadd.s32 $0xFFFFFF00  }
0xa8: {  	[spmem:s2] =	stream.indirect.scatter.add.f32 [tilespmem:s10], [sflag:$0x3], $0x80, s11, s9, $0xb8;
	[tilespmem:$0x12280] =	vst v63  }
0xa9: {  	_ =	swait.ge [sflag:s6], $0x4000  }
0xaa: {  	[sflag:s6] =	ssyncset.done $0x0  }
0xab: {  	[sflag:s6] =	ssyncadd.s32 $0xFFFFC000  }
0xac: {  	[spmem:s2] =	stream.indirect.scatter.add.f32 [tilespmem:s13], [sflag:$0x3], $0x80, s12, s9, $0xb8;
	[tilespmem:$0x12280] =	vst v63  }
0xad: {  	_ =	swait.ge [sflag:s6], $0x4000  }
0xae: {  	[sflag:s6] =	ssyncset.done $0x0  }
0xaf: {  	s26 =	rddreg [dreg:$0x14];
	[sflag:s6] =	ssyncadd.s32 $0xFFFFC000  }
0xb0: {  	[tilespmem:s10], [sflag:$0x2] =	stream.linear.gather [hbm4b:s26+s3], $0x8000, $0x38;
	[tilespmem:$0x12280] =	vst v63  }
0xb1: {  	s31 =	rddreg [dreg:$0x15]  }
0xb2: {  	[tilespmem:s11], [sflag:$0x2] =	stream.linear.gather [hbm4b:s31+s3], $0x100, $0x38;
	[tilespmem:$0x12280] =	vst v63  }
0xb3: {  	_ =	swait.ge [sflag:s18], $0x8000  }
0xb4: {  	[sflag:s18] =	ssyncset.done $0x0  }
0xb5: {  	[sflag:s18] =	ssyncadd.s32 $0xFFFF8000  }
0xb6: {  	_ =	swait.ge [sflag:s18], $0x100  }
0xb7: {  	[sflag:s18] =	ssyncset.done $0x0  }
0xb8: {  	[sflag:s18] =	ssyncadd.s32 $0xFFFFFF00  }
0xb9: {  	[spmem:s2] =	stream.indirect.scatter.add.f32 [tilespmem:s3], [sflag:$0x3], $0x80, s15, s9, $0xb8;
	[tilespmem:$0x12280] =	vst v63  }
0xba: {  	_ =	swait.ge [sflag:s6], $0x4000  }
0xbb: {  	[sflag:s6] =	ssyncset.done $0x0  }
0xbc: {  	[sflag:s6] =	ssyncadd.s32 $0xFFFFC000  }
0xbd: {  	[spmem:s2] =	stream.indirect.scatter.add.f32 [tilespmem:s17], [sflag:$0x3], $0x80, s16, s9, $0xb8;
	[tilespmem:$0x12280] =	vst v63  }
0xbe: {  	_ =	swait.ge [sflag:s6], $0x4000  }
0xbf: {  	[sflag:s6] =	ssyncset.done $0x0  }
0xc0: {  	s1 =	rddreg [dreg:$0x16];
	[sflag:s6] =	ssyncadd.s32 $0xFFFFC000  }
0xc1: {  	[tilespmem:s3], [sflag:$0x1] =	stream.linear.gather [hbm4b:s1+s3], $0x8000, $0x38;
	[tilespmem:$0x12280] =	vst v63  }
0xc2: {  	s19 =	rddreg [dreg:$0x17]  }
0xc3: {  	[tilespmem:s15], [sflag:$0x1] =	stream.linear.gather [hbm4b:s19+s3], $0x100, $0x38;
	[tilespmem:$0x12280] =	vst v63  }
0xc4: {  	_ =	swait.ge [sflag:s14], $0x8000  }
0xc5: {  	[sflag:s14] =	ssyncset.done $0x0  }
0xc6: {  	[sflag:s14] =	ssyncadd.s32 $0xFFFF8000  }
0xc7: {  	_ =	swait.ge [sflag:s14], $0x100  }
0xc8: {  	[sflag:s14] =	ssyncset.done $0x0  }
0xc9: {  	[sflag:s14] =	ssyncadd.s32 $0xFFFFFF00  }
0xca: {  	[spmem:s2] =	stream.indirect.scatter.add.f32 [tilespmem:s10], [sflag:$0x3], $0x80, s11, s9, $0xb8;
	[tilespmem:$0x12280] =	vst v63  }
0xcb: {  	_ =	swait.ge [sflag:s6], $0x4000  }
0xcc: {  	[sflag:s6] =	ssyncset.done $0x0  }
0xcd: {  	[sflag:s6] =	ssyncadd.s32 $0xFFFFC000  }
0xce: {  	[spmem:s2] =	stream.indirect.scatter.add.f32 [tilespmem:s13], [sflag:$0x3], $0x80, s12, s9, $0xb8;
	[tilespmem:$0x12280] =	vst v63  }
0xcf: {  	_ =	swait.ge [sflag:s6], $0x4000  }
0xd0: {  	[sflag:s6] =	ssyncset.done $0x0  }
0xd1: {  	s20 =	rddreg [dreg:$0x18];
	[sflag:s6] =	ssyncadd.s32 $0xFFFFC000  }
0xd2: {  	[tilespmem:s10], [sflag:$0x2] =	stream.linear.gather [hbm4b:s20+s3], $0x8000, $0x38;
	[tilespmem:$0x12280] =	vst v63  }
0xd3: {  	s21 =	rddreg [dreg:$0x19]  }
0xd4: {  	[tilespmem:s11], [sflag:$0x2] =	stream.linear.gather [hbm4b:s21+s3], $0x100, $0x38;
	[tilespmem:$0x12280] =	vst v63  }
0xd5: {  	_ =	swait.ge [sflag:s18], $0x8000  }
0xd6: {  	[sflag:s18] =	ssyncset.done $0x0  }
0xd7: {  	[sflag:s18] =	ssyncadd.s32 $0xFFFF8000  }
0xd8: {  	_ =	swait.ge [sflag:s18], $0x100  }
0xd9: {  	[sflag:s18] =	ssyncset.done $0x0  }
0xda: {  	[sflag:s18] =	ssyncadd.s32 $0xFFFFFF00  }
0xdb: {  	[spmem:s2] =	stream.indirect.scatter.add.f32 [tilespmem:s3], [sflag:$0x3], $0x80, s15, s9, $0xb8;
	[tilespmem:$0x12280] =	vst v63  }
0xdc: {  	_ =	swait.ge [sflag:s6], $0x4000  }
0xdd: {  	[sflag:s6] =	ssyncset.done $0x0  }
0xde: {  	[sflag:s6] =	ssyncadd.s32 $0xFFFFC000  }
0xdf: {  	[spmem:s2] =	stream.indirect.scatter.add.f32 [tilespmem:s17], [sflag:$0x3], $0x80, s16, s9, $0xb8;
	[tilespmem:$0x12280] =	vst v63  }
0xe0: {  	_ =	swait.ge [sflag:s6], $0x4000  }
0xe1: {  	[sflag:s6] =	ssyncset.done $0x0  }
0xe2: {  	s22 =	rddreg [dreg:$0x1a];
	[sflag:s6] =	ssyncadd.s32 $0xFFFFC000  }
0xe3: {  	[tilespmem:s3], [sflag:$0x1] =	stream.linear.gather [hbm4b:s22+s3], $0x8000, $0x38;
	[tilespmem:$0x12280] =	vst v63  }
0xe4: {  	s23 =	rddreg [dreg:$0x1b]  }
0xe5: {  	[tilespmem:s15], [sflag:$0x1] =	stream.linear.gather [hbm4b:s23+s3], $0x100, $0x38;
	[tilespmem:$0x12280] =	vst v63  }
0xe6: {  	_ =	swait.ge [sflag:s14], $0x8000  }
0xe7: {  	[sflag:s14] =	ssyncset.done $0x0  }
0xe8: {  	[sflag:s14] =	ssyncadd.s32 $0xFFFF8000  }
0xe9: {  	_ =	swait.ge [sflag:s14], $0x100  }
0xea: {  	[sflag:s14] =	ssyncset.done $0x0  }
0xeb: {  	[sflag:s14] =	ssyncadd.s32 $0xFFFFFF00  }
0xec: {  	[spmem:s2] =	stream.indirect.scatter.add.f32 [tilespmem:s10], [sflag:$0x3], $0x80, s11, s9, $0xb8;
	[tilespmem:$0x12280] =	vst v63  }
0xed: {  	_ =	swait.ge [sflag:s6], $0x4000  }
0xee: {  	[sflag:s6] =	ssyncset.done $0x0  }
0xef: {  	[sflag:s6] =	ssyncadd.s32 $0xFFFFC000  }
0xf0: {  	[spmem:s2] =	stream.indirect.scatter.add.f32 [tilespmem:s13], [sflag:$0x3], $0x80, s12, s9, $0xb8;
	[tilespmem:$0x12280] =	vst v63  }
0xf1: {  	_ =	swait.ge [sflag:s6], $0x4000  }
0xf2: {  	[sflag:s6] =	ssyncset.done $0x0  }
0xf3: {  	s26 =	rddreg [dreg:$0x1c];
	[sflag:s6] =	ssyncadd.s32 $0xFFFFC000  }
0xf4: {  	[tilespmem:s10], [sflag:$0x2] =	stream.linear.gather [hbm4b:s26+s3], $0x8000, $0x38;
	[tilespmem:$0x12280] =	vst v63  }
0xf5: {  	s31 =	rddreg [dreg:$0x1d]  }
0xf6: {  	[tilespmem:s11], [sflag:$0x2] =	stream.linear.gather [hbm4b:s31+s3], $0x100, $0x38;
	[tilespmem:$0x12280] =	vst v63  }
0xf7: {  	_ =	swait.ge [sflag:s18], $0x8000  }
0xf8: {  	[sflag:s18] =	ssyncset.done $0x0  }
0xf9: {  	[sflag:s18] =	ssyncadd.s32 $0xFFFF8000  }
0xfa: {  	_ =	swait.ge [sflag:s18], $0x100  }
0xfb: {  	[sflag:s18] =	ssyncset.done $0x0  }
0xfc: {  	[sflag:s18] =	ssyncadd.s32 $0xFFFFFF00  }
0xfd: {  	[spmem:s2] =	stream.indirect.scatter.add.f32 [tilespmem:s3], [sflag:$0x3], $0x80, s15, s9, $0xb8;
	[tilespmem:$0x12280] =	vst v63  }
0xfe: {  	_ =	swait.ge [sflag:s6], $0x4000  }
0xff: {  	[sflag:s6] =	ssyncset.done $0x0  }
0x100: {  	[sflag:s6] =	ssyncadd.s32 $0xFFFFC000  }
0x101: {  	[spmem:s2] =	stream.indirect.scatter.add.f32 [tilespmem:s17], [sflag:$0x3], $0x80, s16, s9, $0xb8;
	[tilespmem:$0x12280] =	vst v63  }
0x102: {  	_ =	swait.ge [sflag:s6], $0x4000  }
0x103: {  	[sflag:s6] =	ssyncset.done $0x0  }
0x104: {  	s19 =	simm.s32 @!p1 $0x0;
	s0 =	rddreg [dreg:$0x1e];
	[sflag:s6] =	ssyncadd.s32 $0xFFFFC000  }
0x105: {  	[tilespmem:s19], [sflag:$0x1] =	stream.linear.gather @!p1 [hbm4b:s0+s19], $0x8000, $0x38;
	[tilespmem:$0x12280] =	vst v63  }
0x106: {  	s20 =	simm.s32 @!p1 $0x10000;
	s1 =	rddreg [dreg:$0x1f]  }
0x107: {  	[tilespmem:s20], [sflag:$0x1] =	stream.linear.gather @!p1 [hbm4b:s1+s19], $0x100, $0x38;
	[tilespmem:$0x12280] =	vst v63  }
0x108: {  	_ =	swait.ge [sflag:s14], $0x8000  }
0x109: {  	[sflag:s14] =	ssyncset.done $0x0  }
0x10a: {  	[sflag:s14] =	ssyncadd.s32 $0xFFFF8000  }
0x10b: {  	_ =	swait.ge [sflag:s14], $0x100  }
0x10c: {  	[sflag:s14] =	ssyncset.done $0x0  }
0x10d: {  	[sflag:s14] =	ssyncadd.s32 $0xFFFFFF00  }
0x10e: {  	[spmem:s2] =	stream.indirect.scatter.add.f32 [tilespmem:s10], [sflag:$0x3], $0x80, s11, s9, $0xb8;
	[tilespmem:$0x12280] =	vst v63  }
0x10f: {  	_ =	swait.ge [sflag:s6], $0x4000  }
0x110: {  	[sflag:s6] =	ssyncset.done $0x0  }
0x111: {  	[sflag:s6] =	ssyncadd.s32 $0xFFFFC000  }
0x112: {  	[spmem:s2] =	stream.indirect.scatter.add.f32 [tilespmem:s13], [sflag:$0x3], $0x80, s12, s9, $0xb8;
	[tilespmem:$0x12280] =	vst v63  }
0x113: {  	_ =	swait.ge [sflag:s6], $0x4000  }
0x114: {  	[sflag:s6] =	ssyncset.done $0x0  }
0x115: {  	s21 =	simm.s32 @!p1 $0x1;
	[sflag:s6] =	ssyncadd.s32 $0xFFFFC000  }
0x116: {  	_ =	swait.ge @!p1 [sflag:s21], $0x8000  }
0x117: {  	[sflag:s21] =	ssyncset.done @!p1 $0x0  }
0x118: {  	[sflag:s21] =	ssyncadd.s32 @!p1 $0xFFFF8000  }
0x119: {  	_ =	swait.ge @!p1 [sflag:s21], $0x100  }
0x11a: {  	[sflag:s21] =	ssyncset.done @!p1 $0x0  }
0x11b: {  	s22 =	simm.s32 @!p1 $0x80;
	s23 =	simm.s32 @!p1 $0x3;
	[sflag:s21] =	ssyncadd.s32 @!p1 $0xFFFFFF00  }
0x11c: {  	[spmem:s2] =	stream.indirect.scatter.add.f32 @!p1 [tilespmem:s19], [sflag:$0x3], $0x80, s20, s22, $0xb8;
	[tilespmem:$0x12280] =	vst v63  }
0x11d: {  	_ =	swait.ge @!p1 [sflag:s23], $0x4000  }
0x11e: {  	[sflag:s23] =	ssyncset.done @!p1 $0x0  }
0x11f: {  	s0 =	simm.s32 @!p1 $0x10080;
	s1 =	simm.s32 @!p1 $0x4000;
	[sflag:s23] =	ssyncadd.s32 @!p1 $0xFFFFC000  }
0x120: {  	[spmem:s2] =	stream.indirect.scatter.add.f32 @!p1 [tilespmem:s1], [sflag:$0x3], $0x80, s0, s22, $0xb8;
	[tilespmem:$0x12280] =	vst v63  }
0x121: {  	_ =	swait.ge @!p1 [sflag:s23], $0x4000  }
0x122: {  	s0 =	sld [smem:$0x7FD]  }
0x123: {  	[sflag:s23] =	ssyncset.done @!p1 $0x0  }
0x124: {  	s28 =	simm.s32 @!p0 $0x3;
	s26 =	simm.s32 @!p0 $0x0;
	[sflag:s23] =	ssyncadd.s32 @!p1 $0xFFFFC000  }
0x125: {  	[tilespmem:s26], [sflag:$0x3] =	stream.linear.gather @!p0 [hbm4b:s0+s26], $0x5000, $0x38;
	[tilespmem:$0x12280] =	vst v63  }
0x126: {  	_ =	swait.ge @!p0 [sflag:s28], $0x5000  }
0x127: {  	[sflag:s28] =	ssyncset.done @!p0 $0x0  }
0x128: {  	s29 =	simm.s32 @!p0 $0x10000;
	[sflag:s28] =	ssyncadd.s32 @!p0 $0xFFFFB000  }
0x129: {  	[tilespmem:s29], [sflag:$0x3] =	stream.linear.gather @!p0 [hbm4b:s8+s26], $0x80, $0x38;
	[tilespmem:$0x12280] =	vst v63  }
0x12a: {  	_ =	swait.ge @!p0 [sflag:s28], $0x80  }
0x12b: {  	[sflag:s28] =	ssyncset.done @!p0 $0x0  }
0x12c: {  	s30 =	simm.s32 @!p0 $0x10200;
	[sflag:s28] =	ssyncadd.s32 @!p0 $0xFFFFFF80  }
0x12d: {  	[tilespmem:s30], [sflag:$0x3] =	stream.linear.gather @!p0 [hbm4b:s7+s26], $0x20, $0x38;
	[tilespmem:$0x12280] =	vst v63  }
0x12e: {  	_ =	swait.ge @!p0 [sflag:s28], $0x20  }
0x12f: {  	[sflag:s28] =	ssyncset.done @!p0 $0x0  }
0x130: {  	s0 =	simm.s32 @!p0 $0x80;
	[sflag:s28] =	ssyncadd.s32 @!p0 $0xFFFFFFE0  }
0x131: {  	[spmem:s2] =	stream.indirect.scatter.add.f32 @!p0 [tilespmem:s26], [sflag:$0x3], $0x80, s29, s0, $0xb8;
	[tilespmem:$0x12280] =	vst v63  }
0x132: {  	_ =	swait.ge @!p0 [sflag:s28], $0x4000  }
0x133: {  	[sflag:s28] =	ssyncset.done @!p0 $0x0  }
0x134: {  	s1 =	simm.s32 @!p0 $0x4000;
	s0 =	simm.s32 @!p0 $0x20;
	[sflag:s28] =	ssyncadd.s32 @!p0 $0xFFFFC000  }
0x135: {  	[spmem:s2] =	stream.indirect.scatter.add.f32 @!p0 [tilespmem:s1], [sflag:$0x3], $0x80, s30, s0, $0xb8;
	[tilespmem:$0x12280] =	vst v63  }
0x136: {  	s24 =	sadd.s32 $0xFFFFFFFF, s24;
	_ =	swait.ge @!p0 [sflag:s28], $0x1000  }
0x137: {  	p3 =	sne.s32 s24, $0x0;
	[sflag:s28] =	ssyncset.done @!p0 $0x0  }
.Ltmp1:
0x138: {  	[sflag:s28] =	ssyncadd.s32 @!p0 $0xFFFFF000;
	(pc) =	sbr.rel @!p3 .LBB2_2-.Ltmp1, $4  }
0x139: {  	[bflag:$0x0] =	sbarrier.arrive $0xFFFF  }
0x13a: {  	[hbm:s5], [sflag:s4] =	dma.local [spmem:s25], $0x400  }
0x13b: {  	_ =	swait.ge [sflag:s6], $0x400  }
0x13c: {  	p2 =	por $0x1, $0x1;
	s25 =	rddreg [dreg:$0x5];
	[sflag:s6] =	ssyncset.done $0x0  }
.LBB2_3:
0x13d: {  	s31 =	rddreg [dreg:$0x4];
	[sflag:s6] =	ssyncadd.s32 $0xFFFFFC00;
	s25 =	sshrl.u32 s25, $0x3  }
0x13e: {  	[spmem:s25], [sflag:s4] =	dma.local [hbm:s31], $0x400  }
0x13f: {  	_ =	swait.ge [sflag:s6], $0x400  }
0x140: {  	[sflag:s6] =	ssyncset.done $0x0  }
0x141: {  	[sflag:s6] =	ssyncadd.s32 $0xFFFFFC00  }
0x142: {  	[bflag:$0x0] =	sbarrier.arrive $0xFFFF  }
0x143: {  	s31 =	rddreg [dreg:$0x6]  }
0x144: {  	[tilespmem:s3], [sflag:$0x1] =	stream.linear.gather [hbm4b:s31+s3], $0x8000, $0x38;
	[tilespmem:$0x12280] =	vst v63  }
0x145: {  	s0 =	rddreg [dreg:$0x7]  }
0x146: {  	[tilespmem:s15], [sflag:$0x1] =	stream.linear.gather [hbm4b:s0+s3], $0x100, $0x38;
	[tilespmem:$0x12280] =	vst v63  }
0x147: {  	s31 =	rddreg [dreg:$0x8]  }
0x148: {  	[tilespmem:s10], [sflag:$0x2] =	stream.linear.gather [hbm4b:s31+s3], $0x8000, $0x38;
	[tilespmem:$0x12280] =	vst v63  }
0x149: {  	s0 =	rddreg [dreg:$0x9]  }
0x14a: {  	[tilespmem:s11], [sflag:$0x2] =	stream.linear.gather [hbm4b:s0+s3], $0x100, $0x38;
	[tilespmem:$0x12280] =	vst v63  }
0x14b: {  	_ =	swait.ge [sflag:s18], $0x8000  }
0x14c: {  	[sflag:s18] =	ssyncset.done $0x0  }
0x14d: {  	[sflag:s18] =	ssyncadd.s32 $0xFFFF8000  }
0x14e: {  	_ =	swait.ge [sflag:s18], $0x100  }
0x14f: {  	[sflag:s18] =	ssyncset.done $0x0  }
0x150: {  	[sflag:s18] =	ssyncadd.s32 $0xFFFFFF00  }
0x151: {  	[spmem:s2] =	stream.indirect.scatter.add.f32 [tilespmem:s3], [sflag:$0x3], $0x80, s15, s9, $0xb8;
	[tilespmem:$0x12280] =	vst v63  }
0x152: {  	_ =	swait.ge [sflag:s6], $0x4000  }
0x153: {  	[sflag:s6] =	ssyncset.done $0x0  }
0x154: {  	[sflag:s6] =	ssyncadd.s32 $0xFFFFC000  }
0x155: {  	[spmem:s2] =	stream.indirect.scatter.add.f32 [tilespmem:s17], [sflag:$0x3], $0x80, s16, s9, $0xb8;
	[tilespmem:$0x12280] =	vst v63  }
0x156: {  	_ =	swait.ge [sflag:s6], $0x4000  }
0x157: {  	[sflag:s6] =	ssyncset.done $0x0  }
0x158: {  	s0 =	rddreg [dreg:$0xa];
	[sflag:s6] =	ssyncadd.s32 $0xFFFFC000  }
0x159: {  	[tilespmem:s3], [sflag:$0x1] =	stream.linear.gather [hbm4b:s0+s3], $0x8000, $0x38;
	[tilespmem:$0x12280] =	vst v63  }
0x15a: {  	s31 =	rddreg [dreg:$0xb]  }
0x15b: {  	[tilespmem:s15], [sflag:$0x1] =	stream.linear.gather [hbm4b:s31+s3], $0x100, $0x38;
	[tilespmem:$0x12280] =	vst v63  }
0x15c: {  	_ =	swait.ge [sflag:s14], $0x8000  }
0x15d: {  	[sflag:s14] =	ssyncset.done $0x0  }
0x15e: {  	[sflag:s14] =	ssyncadd.s32 $0xFFFF8000  }
0x15f: {  	_ =	swait.ge [sflag:s14], $0x100  }
0x160: {  	[sflag:s14] =	ssyncset.done $0x0  }
0x161: {  	[sflag:s14] =	ssyncadd.s32 $0xFFFFFF00  }
0x162: {  	[spmem:s2] =	stream.indirect.scatter.add.f32 [tilespmem:s10], [sflag:$0x3], $0x80, s11, s9, $0xb8;
	[tilespmem:$0x12280] =	vst v63  }
0x163: {  	_ =	swait.ge [sflag:s6], $0x4000  }
0x164: {  	[sflag:s6] =	ssyncset.done $0x0  }
0x165: {  	[sflag:s6] =	ssyncadd.s32 $0xFFFFC000  }
0x166: {  	[spmem:s2] =	stream.indirect.scatter.add.f32 [tilespmem:s13], [sflag:$0x3], $0x80, s12, s9, $0xb8;
	[tilespmem:$0x12280] =	vst v63  }
0x167: {  	_ =	swait.ge [sflag:s6], $0x4000  }
0x168: {  	[sflag:s6] =	ssyncset.done $0x0  }
0x169: {  	s0 =	rddreg [dreg:$0xc];
	[sflag:s6] =	ssyncadd.s32 $0xFFFFC000  }
0x16a: {  	[tilespmem:s10], [sflag:$0x2] =	stream.linear.gather [hbm4b:s0+s3], $0x8000, $0x38;
	[tilespmem:$0x12280] =	vst v63  }
0x16b: {  	s31 =	rddreg [dreg:$0xd]  }
0x16c: {  	[tilespmem:s11], [sflag:$0x2] =	stream.linear.gather [hbm4b:s31+s3], $0x100, $0x38;
	[tilespmem:$0x12280] =	vst v63  }
0x16d: {  	_ =	swait.ge [sflag:s18], $0x8000  }
0x16e: {  	[sflag:s18] =	ssyncset.done $0x0  }
0x16f: {  	[sflag:s18] =	ssyncadd.s32 $0xFFFF8000  }
0x170: {  	_ =	swait.ge [sflag:s18], $0x100  }
0x171: {  	[sflag:s18] =	ssyncset.done $0x0  }
0x172: {  	[sflag:s18] =	ssyncadd.s32 $0xFFFFFF00  }
0x173: {  	[spmem:s2] =	stream.indirect.scatter.add.f32 [tilespmem:s3], [sflag:$0x3], $0x80, s15, s9, $0xb8;
	[tilespmem:$0x12280] =	vst v63  }
0x174: {  	_ =	swait.ge [sflag:s6], $0x4000  }
0x175: {  	[sflag:s6] =	ssyncset.done $0x0  }
0x176: {  	[sflag:s6] =	ssyncadd.s32 $0xFFFFC000  }
0x177: {  	[spmem:s2] =	stream.indirect.scatter.add.f32 [tilespmem:s17], [sflag:$0x3], $0x80, s16, s9, $0xb8;
	[tilespmem:$0x12280] =	vst v63  }
0x178: {  	_ =	swait.ge [sflag:s6], $0x4000  }
0x179: {  	[sflag:s6] =	ssyncset.done $0x0  }
0x17a: {  	s0 =	rddreg [dreg:$0xe];
	[sflag:s6] =	ssyncadd.s32 $0xFFFFC000  }
0x17b: {  	[tilespmem:s3], [sflag:$0x1] =	stream.linear.gather [hbm4b:s0+s3], $0x8000, $0x38;
	[tilespmem:$0x12280] =	vst v63  }
0x17c: {  	s31 =	rddreg [dreg:$0xf]  }
0x17d: {  	[tilespmem:s15], [sflag:$0x1] =	stream.linear.gather [hbm4b:s31+s3], $0x100, $0x38;
	[tilespmem:$0x12280] =	vst v63  }
0x17e: {  	_ =	swait.ge [sflag:s14], $0x8000  }
0x17f: {  	[sflag:s14] =	ssyncset.done $0x0  }
0x180: {  	[sflag:s14] =	ssyncadd.s32 $0xFFFF8000  }
0x181: {  	_ =	swait.ge [sflag:s14], $0x100  }
0x182: {  	[sflag:s14] =	ssyncset.done $0x0  }
0x183: {  	[sflag:s14] =	ssyncadd.s32 $0xFFFFFF00  }
0x184: {  	[spmem:s2] =	stream.indirect.scatter.add.f32 [tilespmem:s10], [sflag:$0x3], $0x80, s11, s9, $0xb8;
	[tilespmem:$0x12280] =	vst v63  }
0x185: {  	_ =	swait.ge [sflag:s6], $0x4000  }
0x186: {  	[sflag:s6] =	ssyncset.done $0x0  }
0x187: {  	[sflag:s6] =	ssyncadd.s32 $0xFFFFC000  }
0x188: {  	[spmem:s2] =	stream.indirect.scatter.add.f32 [tilespmem:s13], [sflag:$0x3], $0x80, s12, s9, $0xb8;
	[tilespmem:$0x12280] =	vst v63  }
0x189: {  	_ =	swait.ge [sflag:s6], $0x4000  }
0x18a: {  	[sflag:s6] =	ssyncset.done $0x0  }
0x18b: {  	s0 =	rddreg [dreg:$0x10];
	[sflag:s6] =	ssyncadd.s32 $0xFFFFC000  }
0x18c: {  	[tilespmem:s10], [sflag:$0x2] =	stream.linear.gather [hbm4b:s0+s3], $0x8000, $0x38;
	[tilespmem:$0x12280] =	vst v63  }
0x18d: {  	s31 =	rddreg [dreg:$0x11]  }
0x18e: {  	[tilespmem:s11], [sflag:$0x2] =	stream.linear.gather [hbm4b:s31+s3], $0x100, $0x38;
	[tilespmem:$0x12280] =	vst v63  }
0x18f: {  	_ =	swait.ge [sflag:s18], $0x8000  }
0x190: {  	[sflag:s18] =	ssyncset.done $0x0  }
0x191: {  	[sflag:s18] =	ssyncadd.s32 $0xFFFF8000  }
0x192: {  	_ =	swait.ge [sflag:s18], $0x100  }
0x193: {  	[sflag:s18] =	ssyncset.done $0x0  }
0x194: {  	[sflag:s18] =	ssyncadd.s32 $0xFFFFFF00  }
0x195: {  	[spmem:s2] =	stream.indirect.scatter.add.f32 [tilespmem:s3], [sflag:$0x3], $0x80, s15, s9, $0xb8;
	[tilespmem:$0x12280] =	vst v63  }
0x196: {  	_ =	swait.ge [sflag:s6], $0x4000  }
0x197: {  	[sflag:s6] =	ssyncset.done $0x0  }
0x198: {  	[sflag:s6] =	ssyncadd.s32 $0xFFFFC000  }
0x199: {  	[spmem:s2] =	stream.indirect.scatter.add.f32 [tilespmem:s17], [sflag:$0x3], $0x80, s16, s9, $0xb8;
	[tilespmem:$0x12280] =	vst v63  }
0x19a: {  	_ =	swait.ge [sflag:s6], $0x4000  }
0x19b: {  	[sflag:s6] =	ssyncset.done $0x0  }
0x19c: {  	s0 =	rddreg [dreg:$0x12];
	[sflag:s6] =	ssyncadd.s32 $0xFFFFC000  }
0x19d: {  	[tilespmem:s3], [sflag:$0x1] =	stream.linear.gather [hbm4b:s0+s3], $0x8000, $0x38;
	[tilespmem:$0x12280] =	vst v63  }
0x19e: {  	s31 =	rddreg [dreg:$0x13]  }
0x19f: {  	[tilespmem:s15], [sflag:$0x1] =	stream.linear.gather [hbm4b:s31+s3], $0x100, $0x38;
	[tilespmem:$0x12280] =	vst v63  }
0x1a0: {  	_ =	swait.ge [sflag:s14], $0x8000  }
0x1a1: {  	[sflag:s14] =	ssyncset.done $0x0  }
0x1a2: {  	[sflag:s14] =	ssyncadd.s32 $0xFFFF8000  }
0x1a3: {  	_ =	swait.ge [sflag:s14], $0x100  }
0x1a4: {  	[sflag:s14] =	ssyncset.done $0x0  }
0x1a5: {  	[sflag:s14] =	ssyncadd.s32 $0xFFFFFF00  }
0x1a6: {  	[spmem:s2] =	stream.indirect.scatter.add.f32 [tilespmem:s10], [sflag:$0x3], $0x80, s11, s9, $0xb8;
	[tilespmem:$0x12280] =	vst v63  }
0x1a7: {  	_ =	swait.ge [sflag:s6], $0x4000  }
0x1a8: {  	[sflag:s6] =	ssyncset.done $0x0  }
0x1a9: {  	[sflag:s6] =	ssyncadd.s32 $0xFFFFC000  }
0x1aa: {  	[spmem:s2] =	stream.indirect.scatter.add.f32 [tilespmem:s13], [sflag:$0x3], $0x80, s12, s9, $0xb8;
	[tilespmem:$0x12280] =	vst v63  }
0x1ab: {  	_ =	swait.ge [sflag:s6], $0x4000  }
0x1ac: {  	[sflag:s6] =	ssyncset.done $0x0  }
0x1ad: {  	s0 =	rddreg [dreg:$0x14];
	[sflag:s6] =	ssyncadd.s32 $0xFFFFC000  }
0x1ae: {  	[tilespmem:s10], [sflag:$0x2] =	stream.linear.gather [hbm4b:s0+s3], $0x8000, $0x38;
	[tilespmem:$0x12280] =	vst v63  }
0x1af: {  	s31 =	rddreg [dreg:$0x15]  }
0x1b0: {  	[tilespmem:s11], [sflag:$0x2] =	stream.linear.gather [hbm4b:s31+s3], $0x100, $0x38;
	[tilespmem:$0x12280] =	vst v63  }
0x1b1: {  	_ =	swait.ge [sflag:s18], $0x8000  }
0x1b2: {  	[sflag:s18] =	ssyncset.done $0x0  }
0x1b3: {  	[sflag:s18] =	ssyncadd.s32 $0xFFFF8000  }
0x1b4: {  	_ =	swait.ge [sflag:s18], $0x100  }
0x1b5: {  	[sflag:s18] =	ssyncset.done $0x0  }
0x1b6: {  	[sflag:s18] =	ssyncadd.s32 $0xFFFFFF00  }
0x1b7: {  	[spmem:s2] =	stream.indirect.scatter.add.f32 [tilespmem:s3], [sflag:$0x3], $0x80, s15, s9, $0xb8;
	[tilespmem:$0x12280] =	vst v63  }
0x1b8: {  	_ =	swait.ge [sflag:s6], $0x4000  }
0x1b9: {  	[sflag:s6] =	ssyncset.done $0x0  }
0x1ba: {  	[sflag:s6] =	ssyncadd.s32 $0xFFFFC000  }
0x1bb: {  	[spmem:s2] =	stream.indirect.scatter.add.f32 [tilespmem:s17], [sflag:$0x3], $0x80, s16, s9, $0xb8;
	[tilespmem:$0x12280] =	vst v63  }
0x1bc: {  	_ =	swait.ge [sflag:s6], $0x4000  }
0x1bd: {  	[sflag:s6] =	ssyncset.done $0x0  }
0x1be: {  	s0 =	rddreg [dreg:$0x16];
	[sflag:s6] =	ssyncadd.s32 $0xFFFFC000  }
0x1bf: {  	[tilespmem:s3], [sflag:$0x1] =	stream.linear.gather [hbm4b:s0+s3], $0x8000, $0x38;
	[tilespmem:$0x12280] =	vst v63  }
0x1c0: {  	s31 =	rddreg [dreg:$0x17]  }
0x1c1: {  	[tilespmem:s15], [sflag:$0x1] =	stream.linear.gather [hbm4b:s31+s3], $0x100, $0x38;
	[tilespmem:$0x12280] =	vst v63  }
0x1c2: {  	_ =	swait.ge [sflag:s14], $0x8000  }
0x1c3: {  	[sflag:s14] =	ssyncset.done $0x0  }
0x1c4: {  	[sflag:s14] =	ssyncadd.s32 $0xFFFF8000  }
0x1c5: {  	_ =	swait.ge [sflag:s14], $0x100  }
0x1c6: {  	[sflag:s14] =	ssyncset.done $0x0  }
0x1c7: {  	[sflag:s14] =	ssyncadd.s32 $0xFFFFFF00  }
0x1c8: {  	[spmem:s2] =	stream.indirect.scatter.add.f32 [tilespmem:s10], [sflag:$0x3], $0x80, s11, s9, $0xb8;
	[tilespmem:$0x12280] =	vst v63  }
0x1c9: {  	_ =	swait.ge [sflag:s6], $0x4000  }
0x1ca: {  	[sflag:s6] =	ssyncset.done $0x0  }
0x1cb: {  	[sflag:s6] =	ssyncadd.s32 $0xFFFFC000  }
0x1cc: {  	[spmem:s2] =	stream.indirect.scatter.add.f32 [tilespmem:s13], [sflag:$0x3], $0x80, s12, s9, $0xb8;
	[tilespmem:$0x12280] =	vst v63  }
0x1cd: {  	_ =	swait.ge [sflag:s6], $0x4000  }
0x1ce: {  	[sflag:s6] =	ssyncset.done $0x0  }
0x1cf: {  	s0 =	rddreg [dreg:$0x18];
	[sflag:s6] =	ssyncadd.s32 $0xFFFFC000  }
0x1d0: {  	[tilespmem:s10], [sflag:$0x2] =	stream.linear.gather [hbm4b:s0+s3], $0x8000, $0x38;
	[tilespmem:$0x12280] =	vst v63  }
0x1d1: {  	s31 =	rddreg [dreg:$0x19]  }
0x1d2: {  	[tilespmem:s11], [sflag:$0x2] =	stream.linear.gather [hbm4b:s31+s3], $0x100, $0x38;
	[tilespmem:$0x12280] =	vst v63  }
0x1d3: {  	_ =	swait.ge [sflag:s18], $0x8000  }
0x1d4: {  	[sflag:s18] =	ssyncset.done $0x0  }
0x1d5: {  	[sflag:s18] =	ssyncadd.s32 $0xFFFF8000  }
0x1d6: {  	_ =	swait.ge [sflag:s18], $0x100  }
0x1d7: {  	[sflag:s18] =	ssyncset.done $0x0  }
0x1d8: {  	[sflag:s18] =	ssyncadd.s32 $0xFFFFFF00  }
0x1d9: {  	[spmem:s2] =	stream.indirect.scatter.add.f32 [tilespmem:s3], [sflag:$0x3], $0x80, s15, s9, $0xb8;
	[tilespmem:$0x12280] =	vst v63  }
0x1da: {  	_ =	swait.ge [sflag:s6], $0x4000  }
0x1db: {  	[sflag:s6] =	ssyncset.done $0x0  }
0x1dc: {  	[sflag:s6] =	ssyncadd.s32 $0xFFFFC000  }
0x1dd: {  	[spmem:s2] =	stream.indirect.scatter.add.f32 [tilespmem:s17], [sflag:$0x3], $0x80, s16, s9, $0xb8;
	[tilespmem:$0x12280] =	vst v63  }
0x1de: {  	_ =	swait.ge [sflag:s6], $0x4000  }
0x1df: {  	[sflag:s6] =	ssyncset.done $0x0  }
0x1e0: {  	s0 =	rddreg [dreg:$0x1a];
	[sflag:s6] =	ssyncadd.s32 $0xFFFFC000  }
0x1e1: {  	[tilespmem:s3], [sflag:$0x1] =	stream.linear.gather [hbm4b:s0+s3], $0x8000, $0x38;
	[tilespmem:$0x12280] =	vst v63  }
0x1e2: {  	s31 =	rddreg [dreg:$0x1b]  }
0x1e3: {  	[tilespmem:s15], [sflag:$0x1] =	stream.linear.gather [hbm4b:s31+s3], $0x100, $0x38;
	[tilespmem:$0x12280] =	vst v63  }
0x1e4: {  	_ =	swait.ge [sflag:s14], $0x8000  }
0x1e5: {  	[sflag:s14] =	ssyncset.done $0x0  }
0x1e6: {  	[sflag:s14] =	ssyncadd.s32 $0xFFFF8000  }
0x1e7: {  	_ =	swait.ge [sflag:s14], $0x100  }
0x1e8: {  	[sflag:s14] =	ssyncset.done $0x0  }
0x1e9: {  	[sflag:s14] =	ssyncadd.s32 $0xFFFFFF00  }
0x1ea: {  	[spmem:s2] =	stream.indirect.scatter.add.f32 [tilespmem:s10], [sflag:$0x3], $0x80, s11, s9, $0xb8;
	[tilespmem:$0x12280] =	vst v63  }
0x1eb: {  	_ =	swait.ge [sflag:s6], $0x4000  }
0x1ec: {  	[sflag:s6] =	ssyncset.done $0x0  }
0x1ed: {  	[sflag:s6] =	ssyncadd.s32 $0xFFFFC000  }
0x1ee: {  	[spmem:s2] =	stream.indirect.scatter.add.f32 [tilespmem:s13], [sflag:$0x3], $0x80, s12, s9, $0xb8;
	[tilespmem:$0x12280] =	vst v63  }
0x1ef: {  	_ =	swait.ge [sflag:s6], $0x4000  }
0x1f0: {  	[sflag:s6] =	ssyncset.done $0x0  }
0x1f1: {  	s0 =	rddreg [dreg:$0x1c];
	[sflag:s6] =	ssyncadd.s32 $0xFFFFC000  }
0x1f2: {  	[tilespmem:s10], [sflag:$0x2] =	stream.linear.gather [hbm4b:s0+s3], $0x8000, $0x38;
	[tilespmem:$0x12280] =	vst v63  }
0x1f3: {  	s31 =	rddreg [dreg:$0x1d]  }
0x1f4: {  	[tilespmem:s11], [sflag:$0x2] =	stream.linear.gather [hbm4b:s31+s3], $0x100, $0x38;
	[tilespmem:$0x12280] =	vst v63  }
0x1f5: {  	_ =	swait.ge [sflag:s18], $0x8000  }
0x1f6: {  	[sflag:s18] =	ssyncset.done $0x0  }
0x1f7: {  	[sflag:s18] =	ssyncadd.s32 $0xFFFF8000  }
0x1f8: {  	_ =	swait.ge [sflag:s18], $0x100  }
0x1f9: {  	[sflag:s18] =	ssyncset.done $0x0  }
0x1fa: {  	[sflag:s18] =	ssyncadd.s32 $0xFFFFFF00  }
0x1fb: {  	[spmem:s2] =	stream.indirect.scatter.add.f32 [tilespmem:s3], [sflag:$0x3], $0x80, s15, s9, $0xb8;
	[tilespmem:$0x12280] =	vst v63  }
0x1fc: {  	_ =	swait.ge [sflag:s6], $0x4000  }
0x1fd: {  	[sflag:s6] =	ssyncset.done $0x0  }
0x1fe: {  	[sflag:s6] =	ssyncadd.s32 $0xFFFFC000  }
0x1ff: {  	[spmem:s2] =	stream.indirect.scatter.add.f32 [tilespmem:s17], [sflag:$0x3], $0x80, s16, s9, $0xb8;
	[tilespmem:$0x12280] =	vst v63  }
0x200: {  	_ =	swait.ge [sflag:s6], $0x4000  }
0x201: {  	[sflag:s6] =	ssyncset.done $0x0  }
0x202: {  	s0 =	rddreg [dreg:$0x1e];
	[sflag:s6] =	ssyncadd.s32 $0xFFFFC000  }
0x203: {  	[tilespmem:s19], [sflag:$0x1] =	stream.linear.gather @!p1 [hbm4b:s0+s19], $0x8000, $0x38;
	[tilespmem:$0x12280] =	vst v63  }
0x204: {  	s31 =	rddreg [dreg:$0x1f]  }
0x205: {  	[tilespmem:s20], [sflag:$0x1] =	stream.linear.gather @!p1 [hbm4b:s31+s19], $0x100, $0x38;
	[tilespmem:$0x12280] =	vst v63  }
0x206: {  	_ =	swait.ge [sflag:s14], $0x8000  }
0x207: {  	[sflag:s14] =	ssyncset.done $0x0  }
0x208: {  	[sflag:s14] =	ssyncadd.s32 $0xFFFF8000  }
0x209: {  	_ =	swait.ge [sflag:s14], $0x100  }
0x20a: {  	[sflag:s14] =	ssyncset.done $0x0  }
0x20b: {  	[sflag:s14] =	ssyncadd.s32 $0xFFFFFF00  }
0x20c: {  	[spmem:s2] =	stream.indirect.scatter.add.f32 [tilespmem:s10], [sflag:$0x3], $0x80, s11, s9, $0xb8;
	[tilespmem:$0x12280] =	vst v63  }
0x20d: {  	_ =	swait.ge [sflag:s6], $0x4000  }
0x20e: {  	[sflag:s6] =	ssyncset.done $0x0  }
0x20f: {  	[sflag:s6] =	ssyncadd.s32 $0xFFFFC000  }
0x210: {  	[spmem:s2] =	stream.indirect.scatter.add.f32 [tilespmem:s13], [sflag:$0x3], $0x80, s12, s9, $0xb8;
	[tilespmem:$0x12280] =	vst v63  }
0x211: {  	_ =	swait.ge [sflag:s6], $0x4000  }
0x212: {  	[sflag:s6] =	ssyncset.done $0x0  }
0x213: {  	[sflag:s6] =	ssyncadd.s32 $0xFFFFC000  }
0x214: {  	_ =	swait.ge @!p1 [sflag:s21], $0x8000  }
0x215: {  	[sflag:s21] =	ssyncset.done @!p1 $0x0  }
0x216: {  	[sflag:s21] =	ssyncadd.s32 @!p1 $0xFFFF8000  }
0x217: {  	_ =	swait.ge @!p1 [sflag:s21], $0x100  }
0x218: {  	[sflag:s21] =	ssyncset.done @!p1 $0x0  }
0x219: {  	[sflag:s21] =	ssyncadd.s32 @!p1 $0xFFFFFF00  }
0x21a: {  	[spmem:s2] =	stream.indirect.scatter.add.f32 @!p1 [tilespmem:s19], [sflag:$0x3], $0x80, s20, s22, $0xb8;
	[tilespmem:$0x12280] =	vst v63  }
0x21b: {  	_ =	swait.ge @!p1 [sflag:s23], $0x4000  }
0x21c: {  	[sflag:s23] =	ssyncset.done @!p1 $0x0  }
0x21d: {  	s0 =	simm.s32 @!p1 $0x10080;
	s31 =	simm.s32 @!p1 $0x4000;
	[sflag:s23] =	ssyncadd.s32 @!p1 $0xFFFFC000  }
0x21e: {  	[spmem:s2] =	stream.indirect.scatter.add.f32 @!p1 [tilespmem:s31], [sflag:$0x3], $0x80, s0, s22, $0xb8;
	[tilespmem:$0x12280] =	vst v63  }
0x21f: {  	_ =	swait.ge @!p1 [sflag:s23], $0x4000  }
0x220: {  	s0 =	sld [smem:$0x7FD]  }
0x221: {  	[sflag:s23] =	ssyncset.done @!p1 $0x0  }
0x222: {  	[sflag:s23] =	ssyncadd.s32 @!p1 $0xFFFFC000  }
0x223: {  	[tilespmem:s26], [sflag:$0x3] =	stream.linear.gather @!p0 [hbm4b:s0+s26], $0x5000, $0x38;
	[tilespmem:$0x12280] =	vst v63  }
0x224: {  	_ =	swait.ge @!p0 [sflag:s28], $0x5000  }
0x225: {  	[sflag:s28] =	ssyncset.done @!p0 $0x0  }
0x226: {  	[sflag:s28] =	ssyncadd.s32 @!p0 $0xFFFFB000  }
0x227: {  	[tilespmem:s29], [sflag:$0x3] =	stream.linear.gather @!p0 [hbm4b:s8+s26], $0x80, $0x38;
	[tilespmem:$0x12280] =	vst v63  }
0x228: {  	_ =	swait.ge @!p0 [sflag:s28], $0x80  }
0x229: {  	[sflag:s28] =	ssyncset.done @!p0 $0x0  }
0x22a: {  	[sflag:s28] =	ssyncadd.s32 @!p0 $0xFFFFFF80  }
0x22b: {  	[tilespmem:s30], [sflag:$0x3] =	stream.linear.gather @!p0 [hbm4b:s7+s26], $0x20, $0x38;
	[tilespmem:$0x12280] =	vst v63  }
0x22c: {  	_ =	swait.ge @!p0 [sflag:s28], $0x20  }
0x22d: {  	[sflag:s28] =	ssyncset.done @!p0 $0x0  }
0x22e: {  	s0 =	simm.s32 @!p0 $0x80;
	[sflag:s28] =	ssyncadd.s32 @!p0 $0xFFFFFFE0  }
0x22f: {  	[spmem:s2] =	stream.indirect.scatter.add.f32 @!p0 [tilespmem:s26], [sflag:$0x3], $0x80, s29, s0, $0xb8;
	[tilespmem:$0x12280] =	vst v63  }
0x230: {  	_ =	swait.ge @!p0 [sflag:s28], $0x4000  }
0x231: {  	[sflag:s28] =	ssyncset.done @!p0 $0x0  }
0x232: {  	s0 =	simm.s32 @!p0 $0x20;
	[sflag:s28] =	ssyncadd.s32 @!p0 $0xFFFFC000  }
0x233: {  	[spmem:s2] =	stream.indirect.scatter.add.f32 @!p0 [tilespmem:s1], [sflag:$0x3], $0x80, s30, s0, $0xb8;
	[tilespmem:$0x12280] =	vst v63  }
0x234: {  	s24 =	sadd.s32 $0xFFFFFFFF, s24;
	_ =	swait.ge @!p0 [sflag:s28], $0x1000  }
0x235: {  	p3 =	sne.s32 s24, $0x0;
	[sflag:s28] =	ssyncset.done @!p0 $0x0  }
.Ltmp2:
0x236: {  	[sflag:s28] =	ssyncadd.s32 @!p0 $0xFFFFF000;
	(pc) =	sbr.rel @p3 .LBB2_3-.Ltmp2, $4  }
0x237: {  	[bflag:$0x0] =	sbarrier.arrive $0xFFFF  }
0x238: {  	[hbm:s5], [sflag:s4] =	dma.local [spmem:s25], $0x400  }
0x239: {  	_ =	swait.ge [sflag:s6], $0x400  }
0x23a: {  	s25 =	rddreg [dreg:$0x5];
	[sflag:s6] =	ssyncset.done $0x0  }
0x23b: {  	s20 =	rddreg [dreg:$0x3];
	s21 =	stileid.u32  }
.LBB2_5:
0x23c: {  	s1 =	rddreg [dreg:$0x4];
	[sflag:s6] =	ssyncadd.s32 @p2 $0xFFFFFC00;
	s0 =	sshrl.u32 s25, $0x3  }
0x23d: {  	[spmem:s0], [sflag:s4] =	dma.local [hbm:s1], $0x400  }
0x23e: {  	_ =	swait.ge [sflag:s6], $0x400  }
0x23f: {  	[sflag:s6] =	ssyncset.done $0x0  }
0x240: {  	[sflag:s6] =	ssyncadd.s32 $0xFFFFFC00  }
0x241: {  	[bflag:$0x0] =	sbarrier.arrive $0xFFFF  }
0x242: {  	s29 =	rddreg [dreg:$0x6]  }
0x243: {  	[tilespmem:s3], [sflag:$0x1] =	stream.linear.gather [hbm4b:s29+s3], $0x8000, $0x38;
	[tilespmem:$0x12280] =	vst v63  }
0x244: {  	s19 =	rddreg [dreg:$0x7]  }
0x245: {  	[tilespmem:s15], [sflag:$0x1] =	stream.linear.gather [hbm4b:s19+s3], $0x100, $0x38;
	[tilespmem:$0x12280] =	vst v63  }
0x246: {  	s30 =	rddreg [dreg:$0x8]  }
0x247: {  	[tilespmem:s10], [sflag:$0x2] =	stream.linear.gather [hbm4b:s30+s3], $0x8000, $0x38;
	[tilespmem:$0x12280] =	vst v63  }
0x248: {  	s31 =	rddreg [dreg:$0x9]  }
0x249: {  	[tilespmem:s11], [sflag:$0x2] =	stream.linear.gather [hbm4b:s31+s3], $0x100, $0x38;
	[tilespmem:$0x12280] =	vst v63  }
0x24a: {  	_ =	swait.ge [sflag:s18], $0x8000  }
0x24b: {  	[sflag:s18] =	ssyncset.done $0x0  }
0x24c: {  	[sflag:s18] =	ssyncadd.s32 $0xFFFF8000  }
0x24d: {  	_ =	swait.ge [sflag:s18], $0x100  }
0x24e: {  	[sflag:s18] =	ssyncset.done $0x0  }
0x24f: {  	[sflag:s18] =	ssyncadd.s32 $0xFFFFFF00  }
0x250: {  	[spmem:s2] =	stream.indirect.scatter.add.f32 [tilespmem:s3], [sflag:$0x3], $0x80, s15, s9, $0xb8;
	[tilespmem:$0x12280] =	vst v63  }
0x251: {  	_ =	swait.ge [sflag:s6], $0x4000  }
0x252: {  	[sflag:s6] =	ssyncset.done $0x0  }
0x253: {  	[sflag:s6] =	ssyncadd.s32 $0xFFFFC000  }
0x254: {  	[spmem:s2] =	stream.indirect.scatter.add.f32 [tilespmem:s17], [sflag:$0x3], $0x80, s16, s9, $0xb8;
	[tilespmem:$0x12280] =	vst v63  }
0x255: {  	_ =	swait.ge [sflag:s6], $0x4000  }
0x256: {  	[sflag:s6] =	ssyncset.done $0x0  }
0x257: {  	s19 =	rddreg [dreg:$0xa];
	[sflag:s6] =	ssyncadd.s32 $0xFFFFC000  }
0x258: {  	[tilespmem:s3], [sflag:$0x1] =	stream.linear.gather [hbm4b:s19+s3], $0x8000, $0x38;
	[tilespmem:$0x12280] =	vst v63  }
0x259: {  	s22 =	rddreg [dreg:$0xb]  }
0x25a: {  	[tilespmem:s15], [sflag:$0x1] =	stream.linear.gather [hbm4b:s22+s3], $0x100, $0x38;
	[tilespmem:$0x12280] =	vst v63  }
0x25b: {  	_ =	swait.ge [sflag:s14], $0x8000  }
0x25c: {  	[sflag:s14] =	ssyncset.done $0x0  }
0x25d: {  	[sflag:s14] =	ssyncadd.s32 $0xFFFF8000  }
0x25e: {  	_ =	swait.ge [sflag:s14], $0x100  }
0x25f: {  	[sflag:s14] =	ssyncset.done $0x0  }
0x260: {  	[sflag:s14] =	ssyncadd.s32 $0xFFFFFF00  }
0x261: {  	[spmem:s2] =	stream.indirect.scatter.add.f32 [tilespmem:s10], [sflag:$0x3], $0x80, s11, s9, $0xb8;
	[tilespmem:$0x12280] =	vst v63  }
0x262: {  	_ =	swait.ge [sflag:s6], $0x4000  }
0x263: {  	[sflag:s6] =	ssyncset.done $0x0  }
0x264: {  	[sflag:s6] =	ssyncadd.s32 $0xFFFFC000  }
0x265: {  	[spmem:s2] =	stream.indirect.scatter.add.f32 [tilespmem:s13], [sflag:$0x3], $0x80, s12, s9, $0xb8;
	[tilespmem:$0x12280] =	vst v63  }
0x266: {  	_ =	swait.ge [sflag:s6], $0x4000  }
0x267: {  	[sflag:s6] =	ssyncset.done $0x0  }
0x268: {  	s23 =	rddreg [dreg:$0xc];
	[sflag:s6] =	ssyncadd.s32 $0xFFFFC000  }
0x269: {  	[tilespmem:s10], [sflag:$0x2] =	stream.linear.gather [hbm4b:s23+s3], $0x8000, $0x38;
	[tilespmem:$0x12280] =	vst v63  }
0x26a: {  	s24 =	rddreg [dreg:$0xd]  }
0x26b: {  	[tilespmem:s11], [sflag:$0x2] =	stream.linear.gather [hbm4b:s24+s3], $0x100, $0x38;
	[tilespmem:$0x12280] =	vst v63  }
0x26c: {  	_ =	swait.ge [sflag:s18], $0x8000  }
0x26d: {  	[sflag:s18] =	ssyncset.done $0x0  }
0x26e: {  	[sflag:s18] =	ssyncadd.s32 $0xFFFF8000  }
0x26f: {  	_ =	swait.ge [sflag:s18], $0x100  }
0x270: {  	[sflag:s18] =	ssyncset.done $0x0  }
0x271: {  	[sflag:s18] =	ssyncadd.s32 $0xFFFFFF00  }
0x272: {  	[spmem:s2] =	stream.indirect.scatter.add.f32 [tilespmem:s3], [sflag:$0x3], $0x80, s15, s9, $0xb8;
	[tilespmem:$0x12280] =	vst v63  }
0x273: {  	_ =	swait.ge [sflag:s6], $0x4000  }
0x274: {  	[sflag:s6] =	ssyncset.done $0x0  }
0x275: {  	[sflag:s6] =	ssyncadd.s32 $0xFFFFC000  }
0x276: {  	[spmem:s2] =	stream.indirect.scatter.add.f32 [tilespmem:s17], [sflag:$0x3], $0x80, s16, s9, $0xb8;
	[tilespmem:$0x12280] =	vst v63  }
0x277: {  	_ =	swait.ge [sflag:s6], $0x4000  }
0x278: {  	[sflag:s6] =	ssyncset.done $0x0  }
0x279: {  	s25 =	rddreg [dreg:$0xe];
	[sflag:s6] =	ssyncadd.s32 $0xFFFFC000  }
0x27a: {  	[tilespmem:s3], [sflag:$0x1] =	stream.linear.gather [hbm4b:s25+s3], $0x8000, $0x38;
	[tilespmem:$0x12280] =	vst v63  }
0x27b: {  	s26 =	rddreg [dreg:$0xf]  }
0x27c: {  	[tilespmem:s15], [sflag:$0x1] =	stream.linear.gather [hbm4b:s26+s3], $0x100, $0x38;
	[tilespmem:$0x12280] =	vst v63  }
0x27d: {  	_ =	swait.ge [sflag:s14], $0x8000  }
0x27e: {  	[sflag:s14] =	ssyncset.done $0x0  }
0x27f: {  	[sflag:s14] =	ssyncadd.s32 $0xFFFF8000  }
0x280: {  	_ =	swait.ge [sflag:s14], $0x100  }
0x281: {  	[sflag:s14] =	ssyncset.done $0x0  }
0x282: {  	[sflag:s14] =	ssyncadd.s32 $0xFFFFFF00  }
0x283: {  	[spmem:s2] =	stream.indirect.scatter.add.f32 [tilespmem:s10], [sflag:$0x3], $0x80, s11, s9, $0xb8;
	[tilespmem:$0x12280] =	vst v63  }
0x284: {  	_ =	swait.ge [sflag:s6], $0x4000  }
0x285: {  	[sflag:s6] =	ssyncset.done $0x0  }
0x286: {  	[sflag:s6] =	ssyncadd.s32 $0xFFFFC000  }
0x287: {  	[spmem:s2] =	stream.indirect.scatter.add.f32 [tilespmem:s13], [sflag:$0x3], $0x80, s12, s9, $0xb8;
	[tilespmem:$0x12280] =	vst v63  }
0x288: {  	_ =	swait.ge [sflag:s6], $0x4000  }
0x289: {  	[sflag:s6] =	ssyncset.done $0x0  }
0x28a: {  	s28 =	rddreg [dreg:$0x10];
	[sflag:s6] =	ssyncadd.s32 $0xFFFFC000  }
0x28b: {  	[tilespmem:s10], [sflag:$0x2] =	stream.linear.gather [hbm4b:s28+s3], $0x8000, $0x38;
	[tilespmem:$0x12280] =	vst v63  }
0x28c: {  	s29 =	rddreg [dreg:$0x11]  }
0x28d: {  	[tilespmem:s11], [sflag:$0x2] =	stream.linear.gather [hbm4b:s29+s3], $0x100, $0x38;
	[tilespmem:$0x12280] =	vst v63  }
0x28e: {  	_ =	swait.ge [sflag:s18], $0x8000  }
0x28f: {  	[sflag:s18] =	ssyncset.done $0x0  }
0x290: {  	[sflag:s18] =	ssyncadd.s32 $0xFFFF8000  }
0x291: {  	_ =	swait.ge [sflag:s18], $0x100  }
0x292: {  	[sflag:s18] =	ssyncset.done $0x0  }
0x293: {  	[sflag:s18] =	ssyncadd.s32 $0xFFFFFF00  }
0x294: {  	[spmem:s2] =	stream.indirect.scatter.add.f32 [tilespmem:s3], [sflag:$0x3], $0x80, s15, s9, $0xb8;
	[tilespmem:$0x12280] =	vst v63  }
0x295: {  	_ =	swait.ge [sflag:s6], $0x4000  }
0x296: {  	[sflag:s6] =	ssyncset.done $0x0  }
0x297: {  	[sflag:s6] =	ssyncadd.s32 $0xFFFFC000  }
0x298: {  	[spmem:s2] =	stream.indirect.scatter.add.f32 [tilespmem:s17], [sflag:$0x3], $0x80, s16, s9, $0xb8;
	[tilespmem:$0x12280] =	vst v63  }
0x299: {  	_ =	swait.ge [sflag:s6], $0x4000  }
0x29a: {  	[sflag:s6] =	ssyncset.done $0x0  }
0x29b: {  	s30 =	rddreg [dreg:$0x12];
	[sflag:s6] =	ssyncadd.s32 $0xFFFFC000  }
0x29c: {  	[tilespmem:s3], [sflag:$0x1] =	stream.linear.gather [hbm4b:s30+s3], $0x8000, $0x38;
	[tilespmem:$0x12280] =	vst v63  }
0x29d: {  	s31 =	rddreg [dreg:$0x13]  }
0x29e: {  	[tilespmem:s15], [sflag:$0x1] =	stream.linear.gather [hbm4b:s31+s3], $0x100, $0x38;
	[tilespmem:$0x12280] =	vst v63  }
0x29f: {  	_ =	swait.ge [sflag:s14], $0x8000  }
0x2a0: {  	[sflag:s14] =	ssyncset.done $0x0  }
0x2a1: {  	[sflag:s14] =	ssyncadd.s32 $0xFFFF8000  }
0x2a2: {  	_ =	swait.ge [sflag:s14], $0x100  }
0x2a3: {  	[sflag:s14] =	ssyncset.done $0x0  }
0x2a4: {  	[sflag:s14] =	ssyncadd.s32 $0xFFFFFF00  }
0x2a5: {  	[spmem:s2] =	stream.indirect.scatter.add.f32 [tilespmem:s10], [sflag:$0x3], $0x80, s11, s9, $0xb8;
	[tilespmem:$0x12280] =	vst v63  }
0x2a6: {  	_ =	swait.ge [sflag:s6], $0x4000  }
0x2a7: {  	[sflag:s6] =	ssyncset.done $0x0  }
0x2a8: {  	[sflag:s6] =	ssyncadd.s32 $0xFFFFC000  }
0x2a9: {  	[spmem:s2] =	stream.indirect.scatter.add.f32 [tilespmem:s13], [sflag:$0x3], $0x80, s12, s9, $0xb8;
	[tilespmem:$0x12280] =	vst v63  }
0x2aa: {  	_ =	swait.ge [sflag:s6], $0x4000  }
0x2ab: {  	[sflag:s6] =	ssyncset.done $0x0  }
0x2ac: {  	s19 =	rddreg [dreg:$0x14];
	[sflag:s6] =	ssyncadd.s32 $0xFFFFC000  }
0x2ad: {  	[tilespmem:s10], [sflag:$0x2] =	stream.linear.gather [hbm4b:s19+s3], $0x8000, $0x38;
	[tilespmem:$0x12280] =	vst v63  }
0x2ae: {  	s22 =	rddreg [dreg:$0x15]  }
0x2af: {  	[tilespmem:s11], [sflag:$0x2] =	stream.linear.gather [hbm4b:s22+s3], $0x100, $0x38;
	[tilespmem:$0x12280] =	vst v63  }
0x2b0: {  	_ =	swait.ge [sflag:s18], $0x8000  }
0x2b1: {  	[sflag:s18] =	ssyncset.done $0x0  }
0x2b2: {  	[sflag:s18] =	ssyncadd.s32 $0xFFFF8000  }
0x2b3: {  	_ =	swait.ge [sflag:s18], $0x100  }
0x2b4: {  	[sflag:s18] =	ssyncset.done $0x0  }
0x2b5: {  	[sflag:s18] =	ssyncadd.s32 $0xFFFFFF00  }
0x2b6: {  	[spmem:s2] =	stream.indirect.scatter.add.f32 [tilespmem:s3], [sflag:$0x3], $0x80, s15, s9, $0xb8;
	[tilespmem:$0x12280] =	vst v63  }
0x2b7: {  	_ =	swait.ge [sflag:s6], $0x4000  }
0x2b8: {  	[sflag:s6] =	ssyncset.done $0x0  }
0x2b9: {  	[sflag:s6] =	ssyncadd.s32 $0xFFFFC000  }
0x2ba: {  	[spmem:s2] =	stream.indirect.scatter.add.f32 [tilespmem:s17], [sflag:$0x3], $0x80, s16, s9, $0xb8;
	[tilespmem:$0x12280] =	vst v63  }
0x2bb: {  	_ =	swait.ge [sflag:s6], $0x4000  }
0x2bc: {  	[sflag:s6] =	ssyncset.done $0x0  }
0x2bd: {  	s23 =	rddreg [dreg:$0x16];
	[sflag:s6] =	ssyncadd.s32 $0xFFFFC000  }
0x2be: {  	[tilespmem:s3], [sflag:$0x1] =	stream.linear.gather [hbm4b:s23+s3], $0x8000, $0x38;
	[tilespmem:$0x12280] =	vst v63  }
0x2bf: {  	s24 =	rddreg [dreg:$0x17]  }
0x2c0: {  	[tilespmem:s15], [sflag:$0x1] =	stream.linear.gather [hbm4b:s24+s3], $0x100, $0x38;
	[tilespmem:$0x12280] =	vst v63  }
0x2c1: {  	_ =	swait.ge [sflag:s14], $0x8000  }
0x2c2: {  	[sflag:s14] =	ssyncset.done $0x0  }
0x2c3: {  	[sflag:s14] =	ssyncadd.s32 $0xFFFF8000  }
0x2c4: {  	_ =	swait.ge [sflag:s14], $0x100  }
0x2c5: {  	[sflag:s14] =	ssyncset.done $0x0  }
0x2c6: {  	[sflag:s14] =	ssyncadd.s32 $0xFFFFFF00  }
0x2c7: {  	[spmem:s2] =	stream.indirect.scatter.add.f32 [tilespmem:s10], [sflag:$0x3], $0x80, s11, s9, $0xb8;
	[tilespmem:$0x12280] =	vst v63  }
0x2c8: {  	_ =	swait.ge [sflag:s6], $0x4000  }
0x2c9: {  	[sflag:s6] =	ssyncset.done $0x0  }
0x2ca: {  	[sflag:s6] =	ssyncadd.s32 $0xFFFFC000  }
0x2cb: {  	[spmem:s2] =	stream.indirect.scatter.add.f32 [tilespmem:s13], [sflag:$0x3], $0x80, s12, s9, $0xb8;
	[tilespmem:$0x12280] =	vst v63  }
0x2cc: {  	_ =	swait.ge [sflag:s6], $0x4000  }
0x2cd: {  	[sflag:s6] =	ssyncset.done $0x0  }
0x2ce: {  	s25 =	rddreg [dreg:$0x18];
	[sflag:s6] =	ssyncadd.s32 $0xFFFFC000  }
0x2cf: {  	[tilespmem:s10], [sflag:$0x2] =	stream.linear.gather [hbm4b:s25+s3], $0x8000, $0x38;
	[tilespmem:$0x12280] =	vst v63  }
0x2d0: {  	s26 =	rddreg [dreg:$0x19]  }
0x2d1: {  	[tilespmem:s11], [sflag:$0x2] =	stream.linear.gather [hbm4b:s26+s3], $0x100, $0x38;
	[tilespmem:$0x12280] =	vst v63  }
0x2d2: {  	_ =	swait.ge [sflag:s18], $0x8000  }
0x2d3: {  	[sflag:s18] =	ssyncset.done $0x0  }
0x2d4: {  	[sflag:s18] =	ssyncadd.s32 $0xFFFF8000  }
0x2d5: {  	_ =	swait.ge [sflag:s18], $0x100  }
0x2d6: {  	[sflag:s18] =	ssyncset.done $0x0  }
0x2d7: {  	[sflag:s18] =	ssyncadd.s32 $0xFFFFFF00  }
0x2d8: {  	[spmem:s2] =	stream.indirect.scatter.add.f32 [tilespmem:s3], [sflag:$0x3], $0x80, s15, s9, $0xb8;
	[tilespmem:$0x12280] =	vst v63  }
0x2d9: {  	_ =	swait.ge [sflag:s6], $0x4000  }
0x2da: {  	[sflag:s6] =	ssyncset.done $0x0  }
0x2db: {  	[sflag:s6] =	ssyncadd.s32 $0xFFFFC000  }
0x2dc: {  	[spmem:s2] =	stream.indirect.scatter.add.f32 [tilespmem:s17], [sflag:$0x3], $0x80, s16, s9, $0xb8;
	[tilespmem:$0x12280] =	vst v63  }
0x2dd: {  	_ =	swait.ge [sflag:s6], $0x4000  }
0x2de: {  	[sflag:s6] =	ssyncset.done $0x0  }
0x2df: {  	s28 =	rddreg [dreg:$0x1a];
	[sflag:s6] =	ssyncadd.s32 $0xFFFFC000  }
0x2e0: {  	[tilespmem:s3], [sflag:$0x1] =	stream.linear.gather [hbm4b:s28+s3], $0x8000, $0x38;
	[tilespmem:$0x12280] =	vst v63  }
0x2e1: {  	s29 =	rddreg [dreg:$0x1b]  }
0x2e2: {  	[tilespmem:s15], [sflag:$0x1] =	stream.linear.gather [hbm4b:s29+s3], $0x100, $0x38;
	[tilespmem:$0x12280] =	vst v63  }
0x2e3: {  	_ =	swait.ge [sflag:s14], $0x8000  }
0x2e4: {  	[sflag:s14] =	ssyncset.done $0x0  }
0x2e5: {  	[sflag:s14] =	ssyncadd.s32 $0xFFFF8000  }
0x2e6: {  	_ =	swait.ge [sflag:s14], $0x100  }
0x2e7: {  	[sflag:s14] =	ssyncset.done $0x0  }
0x2e8: {  	[sflag:s14] =	ssyncadd.s32 $0xFFFFFF00  }
0x2e9: {  	[spmem:s2] =	stream.indirect.scatter.add.f32 [tilespmem:s10], [sflag:$0x3], $0x80, s11, s9, $0xb8;
	[tilespmem:$0x12280] =	vst v63  }
0x2ea: {  	_ =	swait.ge [sflag:s6], $0x4000  }
0x2eb: {  	[sflag:s6] =	ssyncset.done $0x0  }
0x2ec: {  	[sflag:s6] =	ssyncadd.s32 $0xFFFFC000  }
0x2ed: {  	[spmem:s2] =	stream.indirect.scatter.add.f32 [tilespmem:s13], [sflag:$0x3], $0x80, s12, s9, $0xb8;
	[tilespmem:$0x12280] =	vst v63  }
0x2ee: {  	_ =	swait.ge [sflag:s6], $0x4000  }
0x2ef: {  	[sflag:s6] =	ssyncset.done $0x0  }
0x2f0: {  	s30 =	rddreg [dreg:$0x1c];
	[sflag:s6] =	ssyncadd.s32 $0xFFFFC000  }
0x2f1: {  	[tilespmem:s10], [sflag:$0x2] =	stream.linear.gather [hbm4b:s30+s3], $0x8000, $0x38;
	[tilespmem:$0x12280] =	vst v63  }
0x2f2: {  	s31 =	rddreg [dreg:$0x1d]  }
0x2f3: {  	[tilespmem:s11], [sflag:$0x2] =	stream.linear.gather [hbm4b:s31+s3], $0x100, $0x38;
	[tilespmem:$0x12280] =	vst v63  }
0x2f4: {  	_ =	swait.ge [sflag:s18], $0x8000  }
0x2f5: {  	[sflag:s18] =	ssyncset.done $0x0  }
0x2f6: {  	[sflag:s18] =	ssyncadd.s32 $0xFFFF8000  }
0x2f7: {  	_ =	swait.ge [sflag:s18], $0x100  }
0x2f8: {  	[sflag:s18] =	ssyncset.done $0x0  }
0x2f9: {  	[sflag:s18] =	ssyncadd.s32 $0xFFFFFF00  }
0x2fa: {  	[spmem:s2] =	stream.indirect.scatter.add.f32 [tilespmem:s3], [sflag:$0x3], $0x80, s15, s9, $0xb8;
	[tilespmem:$0x12280] =	vst v63  }
0x2fb: {  	_ =	swait.ge [sflag:s6], $0x4000  }
0x2fc: {  	[sflag:s6] =	ssyncset.done $0x0  }
0x2fd: {  	[sflag:s6] =	ssyncadd.s32 $0xFFFFC000  }
0x2fe: {  	[spmem:s2] =	stream.indirect.scatter.add.f32 [tilespmem:s17], [sflag:$0x3], $0x80, s16, s9, $0xb8;
	[tilespmem:$0x12280] =	vst v63  }
0x2ff: {  	_ =	swait.ge [sflag:s6], $0x4000  }
0x300: {  	[sflag:s6] =	ssyncset.done $0x0  }
0x301: {  	s3 =	simm.s32 @!p1 $0x0;
	s1 =	rddreg [dreg:$0x1e];
	[sflag:s6] =	ssyncadd.s32 $0xFFFFC000  }
0x302: {  	[tilespmem:s3], [sflag:$0x1] =	stream.linear.gather @!p1 [hbm4b:s1+s3], $0x8000, $0x38;
	[tilespmem:$0x12280] =	vst v63  }
0x303: {  	s15 =	rddreg [dreg:$0x1f];
	s1 =	simm.s32 @!p1 $0x10000  }
0x304: {  	[tilespmem:s1], [sflag:$0x1] =	stream.linear.gather @!p1 [hbm4b:s15+s3], $0x100, $0x38;
	[tilespmem:$0x12280] =	vst v63  }
0x305: {  	_ =	swait.ge [sflag:s14], $0x8000  }
0x306: {  	[sflag:s14] =	ssyncset.done $0x0  }
0x307: {  	[sflag:s14] =	ssyncadd.s32 $0xFFFF8000  }
0x308: {  	_ =	swait.ge [sflag:s14], $0x100  }
0x309: {  	[sflag:s14] =	ssyncset.done $0x0  }
0x30a: {  	[sflag:s14] =	ssyncadd.s32 $0xFFFFFF00  }
0x30b: {  	[spmem:s2] =	stream.indirect.scatter.add.f32 [tilespmem:s10], [sflag:$0x3], $0x80, s11, s9, $0xb8;
	[tilespmem:$0x12280] =	vst v63  }
0x30c: {  	_ =	swait.ge [sflag:s6], $0x4000  }
0x30d: {  	[sflag:s6] =	ssyncset.done $0x0  }
0x30e: {  	[sflag:s6] =	ssyncadd.s32 $0xFFFFC000  }
0x30f: {  	[spmem:s2] =	stream.indirect.scatter.add.f32 [tilespmem:s13], [sflag:$0x3], $0x80, s12, s9, $0xb8;
	[tilespmem:$0x12280] =	vst v63  }
0x310: {  	_ =	swait.ge [sflag:s6], $0x4000  }
0x311: {  	[sflag:s6] =	ssyncset.done $0x0  }
0x312: {  	s9 =	simm.s32 @!p1 $0x1;
	[sflag:s6] =	ssyncadd.s32 $0xFFFFC000  }
0x313: {  	_ =	swait.ge @!p1 [sflag:s9], $0x8000  }
0x314: {  	[sflag:s9] =	ssyncset.done @!p1 $0x0  }
0x315: {  	[sflag:s9] =	ssyncadd.s32 @!p1 $0xFFFF8000  }
0x316: {  	_ =	swait.ge @!p1 [sflag:s9], $0x100  }
0x317: {  	[sflag:s9] =	ssyncset.done @!p1 $0x0  }
0x318: {  	s10 =	simm.s32 @!p1 $0x3;
	[sflag:s9] =	ssyncadd.s32 @!p1 $0xFFFFFF00;
	s9 =	simm.s32 @!p1 $0x80  }
0x319: {  	[spmem:s2] =	stream.indirect.scatter.add.f32 @!p1 [tilespmem:s3], [sflag:$0x3], $0x80, s1, s9, $0xb8;
	[tilespmem:$0x12280] =	vst v63  }
0x31a: {  	_ =	swait.ge @!p1 [sflag:s10], $0x4000  }
0x31b: {  	[sflag:s10] =	ssyncset.done @!p1 $0x0  }
0x31c: {  	s1 =	simm.s32 @!p1 $0x10080;
	s3 =	simm.s32 @!p1 $0x4000;
	[sflag:s10] =	ssyncadd.s32 @!p1 $0xFFFFC000  }
0x31d: {  	[spmem:s2] =	stream.indirect.scatter.add.f32 @!p1 [tilespmem:s3], [sflag:$0x3], $0x80, s1, s9, $0xb8;
	[tilespmem:$0x12280] =	vst v63  }
0x31e: {  	_ =	swait.ge @!p1 [sflag:s10], $0x4000  }
0x31f: {  	s1 =	sld [smem:$0x7FD]  }
0x320: {  	[sflag:s10] =	ssyncset.done @!p1 $0x0  }
0x321: {  	s3 =	simm.s32 @!p0 $0x0;
	s9 =	simm.s32 @!p0 $0x3;
	[sflag:s10] =	ssyncadd.s32 @!p1 $0xFFFFC000  }
0x322: {  	[tilespmem:s3], [sflag:$0x3] =	stream.linear.gather @!p0 [hbm4b:s1+s3], $0x5000, $0x38;
	[tilespmem:$0x12280] =	vst v63  }
0x323: {  	_ =	swait.ge @!p0 [sflag:s9], $0x5000  }
0x324: {  	[sflag:s9] =	ssyncset.done @!p0 $0x0  }
0x325: {  	s1 =	simm.s32 @!p0 $0x10000;
	[sflag:s9] =	ssyncadd.s32 @!p0 $0xFFFFB000  }
0x326: {  	[tilespmem:s1], [sflag:$0x3] =	stream.linear.gather @!p0 [hbm4b:s8+s3], $0x80, $0x38;
	[tilespmem:$0x12280] =	vst v63  }
0x327: {  	_ =	swait.ge @!p0 [sflag:s9], $0x80  }
0x328: {  	[sflag:s9] =	ssyncset.done @!p0 $0x0  }
0x329: {  	s8 =	simm.s32 @!p0 $0x10200;
	[sflag:s9] =	ssyncadd.s32 @!p0 $0xFFFFFF80  }
0x32a: {  	[tilespmem:s8], [sflag:$0x3] =	stream.linear.gather @!p0 [hbm4b:s7+s3], $0x20, $0x38;
	[tilespmem:$0x12280] =	vst v63  }
0x32b: {  	_ =	swait.ge @!p0 [sflag:s9], $0x20  }
0x32c: {  	[sflag:s9] =	ssyncset.done @!p0 $0x0  }
0x32d: {  	s7 =	simm.s32 @!p0 $0x80;
	[sflag:s9] =	ssyncadd.s32 @!p0 $0xFFFFFFE0  }
0x32e: {  	[spmem:s2] =	stream.indirect.scatter.add.f32 @!p0 [tilespmem:s3], [sflag:$0x3], $0x80, s1, s7, $0xb8;
	[tilespmem:$0x12280] =	vst v63  }
0x32f: {  	_ =	swait.ge @!p0 [sflag:s9], $0x4000  }
0x330: {  	[sflag:s9] =	ssyncset.done @!p0 $0x0  }
0x331: {  	s1 =	simm.s32 @!p0 $0x20;
	s3 =	simm.s32 @!p0 $0x4000;
	[sflag:s9] =	ssyncadd.s32 @!p0 $0xFFFFC000  }
0x332: {  	[spmem:s2] =	stream.indirect.scatter.add.f32 @!p0 [tilespmem:s3], [sflag:$0x3], $0x80, s8, s1, $0xb8;
	[tilespmem:$0x12280] =	vst v63  }
0x333: {  	_ =	swait.ge @!p0 [sflag:s9], $0x1000  }
0x334: {  	[sflag:s9] =	ssyncset.done @!p0 $0x0  }
0x335: {  	[sflag:s9] =	ssyncadd.s32 @!p0 $0xFFFFF000  }
0x336: {  	[bflag:$0x0] =	sbarrier.arrive $0xFFFF  }
0x337: {  	[hbm:s5], [sflag:s4] =	dma.local [spmem:s0], $0x400  }
0x338: {  	_ =	swait.ge [sflag:s6], $0x400  }
0x339: {  	[sflag:s6] =	ssyncset.done $0x0  }
0x33a: {  	[sflag:s6] =	ssyncadd.s32 $0xFFFFFC00  }
0x33b: {  	_ =	sfence.sel $0x180000  }
0x33c: {  	[bflag:$0x0] =	sbarrier.arrive $0xFFFF  }
0x33d: {  	p0 =	sne.s32 s21, $0x0;
	_ =	strace $0x90000047  }
0x33e: {  	s0 =	sadd.s32 @!p0 $0x100000, s20;
	[bflag:$0x2] =	sbarrier.arrive $0xFFFF  }
0x33f: {  	[sflag:s0] =	ssyncadd.tile.s32 @!p0 $0x1;
	_ =	shalt  }
.LBB2_2:
.Ltmp3:
0x340: {  	(pc) =	sbr.rel .LBB2_5-.Ltmp3, $2  }
0x341: {  	_ =	sdelay $0x2  }
0x342: {  	s20 =	rddreg [dreg:$0x3];
	s21 =	stileid.u32  }
.Lfunc_end2:
_tile_overlayer_lowered:
.L_overlay_start_2:
0x343: {  	(tag) =	ssettag $0x2  }
0x344: {  	s0 =	rddreg [dreg:$0x0];
	s2 =	stileid.u32  }
0x345: {  	s1 =	rddreg [dreg:$0x1];
	p0 =	sne.s32 s2, $0x0  }
0x346: {  	s3 =	rddreg [dreg:$0x2];
	[bflag:$0x3] =	sbarrier.arrive $0xFFFF;
	s2 =	simm.s32 @!p0 $0x1C03  }
0x347: {  	[timem:s3], [sflag:s2] =	dma.local @!p0 [hbm:s0], s1  }
0x348: {  	s0 =	simm.s32 @!p0 $0x3  }
0x349: {  	_ =	swait.ge @!p0 [sflag:s0], s1  }
0x34a: {  	s1 =	ssub.s32 @!p0 $0x0, s1;
	[sflag:s0] =	ssyncset.done @!p0 $0x0  }
0x34b: {  	[sflag:s0] =	ssyncadd.s32 @!p0 s1  }
0x34c: {  	[bflag:$0x3] =	sbarrier.arrive $0xFFFF  }
0x34d: {  	_ =	shalt  }

</sc_bundles>
